<compile_context>
chip_gen: v7x
topology: tpu7x:2x2x1
jax: 0.10.2.dev20260603
libtpu: 0.0.44.dev20260713+nightly
codegen_flags: <defaults>
</compile_context>

<pallas_src>
import functools

import jax
import jax.numpy as jnp
from jax import lax
from jax.experimental import pallas as pl
from jax.experimental.pallas import tpu as pltpu
from jax.experimental.pallas import tpu_sc as plsc

_N1, _N2, _N3 = 20000, 5000, 1024
_E0, _E1, _E2 = 320000, 80000, 16384

_CH = 128
_NS = 16
_ZR = 128


def _make_agg(E, N, Dh):
  assert E % _CH == 0
  npad = ((N + _NS * 8 - 1) // (_NS * 8)) * (_NS * 8)
  rpt = npad // _NS
  chunks = E // _CH
  nf, tl = divmod(rpt, _ZR)

  mesh = plsc.VectorSubcoreMesh(core_axis_name="c", subcore_axis_name="s")
  out_type = (
      jax.ShapeDtypeStruct((npad, Dh), jnp.float32),
      jax.ShapeDtypeStruct((npad, Dh), jnp.float32),
      jax.ShapeDtypeStruct((npad, 16), jnp.float32),
  )

  @functools.partial(
      pl.kernel,
      out_type=out_type,
      mesh=mesh,
      compiler_params=pltpu.CompilerParams(use_tc_tiling_on_sc=False),
      scratch_types=[
          pltpu.VMEM((_CH,), jnp.int32),
          pltpu.VMEM((_CH,), jnp.int32),
          pltpu.VMEM((_CH, Dh), jnp.float32),
          pltpu.VMEM((_CH, 16), jnp.float32),
          pltpu.VMEM((_ZR, Dh), jnp.float32),
          pltpu.VMEM((_ZR, 16), jnp.float32),
          pltpu.VMEM_SHARED((npad, Dh), jnp.float32),
          pltpu.VMEM_SHARED((npad, 16), jnp.float32),
          pltpu.SemaphoreType.DMA,
      ],
  )
  def agg(t0, t1, src, dst, out0, out1, cnt_out,
          src_v, dst_v, rows_v, ones_v, zf, z16, acc, cnt, sem):
    c = lax.axis_index("c")
    s = lax.axis_index("s")

    zv = jnp.zeros((16,), jnp.float32)
    ov = jnp.ones((16,), jnp.float32)

    def fill_row(i, _):
      for j in range(Dh // 16):
        zf[i, pl.ds(j * 16, 16)] = zv
      z16[i, pl.ds(0, 16)] = zv
      ones_v[i, pl.ds(0, 16)] = ov
      return 0

    lax.fori_loop(0, _ZR, fill_row, 0)

    r0 = pl.multiple_of(s * rpt, 8)
    for f in range(nf):
      pltpu.sync_copy(zf, acc.at[pl.ds(r0 + f * _ZR, _ZR)])
    if tl:
      pltpu.sync_copy(zf.at[pl.ds(0, tl)], acc.at[pl.ds(r0 + nf * _ZR, tl)])

    @pl.when(c == 0)
    def _():
      for f in range(nf):
        pltpu.sync_copy(z16, cnt.at[pl.ds(r0 + f * _ZR, _ZR)])
      if tl:
        pltpu.sync_copy(z16.at[pl.ds(0, tl)], cnt.at[pl.ds(r0 + nf * _ZR, tl)])

    plsc.subcore_barrier()

    njs = (chunks - s + _NS - 1) // _NS

    def run(tab, with_cnt):
      def body(j, _):
        base = (s + j * _NS) * _CH
        pltpu.sync_copy(src.at[pl.ds(base, _CH)], src_v)
        pltpu.sync_copy(dst.at[pl.ds(base, _CH)], dst_v)
        pltpu.async_copy(tab.at[src_v], rows_v, sem).wait()
        pltpu.sync_copy(rows_v, acc.at[dst_v], add=True)
        if with_cnt:
          pltpu.sync_copy(ones_v, cnt.at[dst_v], add=True)
        return 0

      lax.fori_loop(0, njs, body, 0)

    @pl.when(c == 0)
    def _():
      run(t0, True)

    @pl.when(c == 1)
    def _():
      run(t1, False)

    plsc.subcore_barrier()

    @pl.when(c == 0)
    def _():
      pltpu.sync_copy(acc.at[pl.ds(r0, rpt)], out0.at[pl.ds(r0, rpt)])
      pltpu.sync_copy(cnt.at[pl.ds(r0, rpt)], cnt_out.at[pl.ds(r0, rpt)])

    @pl.when(c == 1)
    def _():
      pltpu.sync_copy(acc.at[pl.ds(r0, rpt)], out1.at[pl.ds(r0, rpt)])

  return agg


def _make_mm(M, TM, Dh, Dx, Do, relu):
  assert M % TM == 0
  grid = (M // TM,)

  def body(s0, s1, cnt, xt, wl, wr, b, out):
    inv = 1.0 / jnp.maximum(cnt[:, 0:1], 1.0)
    a0 = s0[...] * inv
    a1 = s1[...] * inv
    acc = jnp.dot(a0, wl[0:Dh, :], preferred_element_type=jnp.float32)
    acc = acc + jnp.dot(a1, wl[Dh:2 * Dh, :], preferred_element_type=jnp.float32)
    acc = acc + jnp.dot(xt[...], wr[...], preferred_element_type=jnp.float32)
    acc = acc + b[...]
    out[...] = jnp.maximum(acc, 0.0) if relu else acc

  return pl.pallas_call(
      body,
      grid=grid,
      in_specs=[
          pl.BlockSpec((TM, Dh), lambda i: (i, 0)),
          pl.BlockSpec((TM, Dh), lambda i: (i, 0)),
          pl.BlockSpec((TM, 16), lambda i: (i, 0)),
          pl.BlockSpec((TM, Dx), lambda i: (i, 0)),
          pl.BlockSpec((2 * Dh, Do), lambda i: (0, 0)),
          pl.BlockSpec((Dx, Do), lambda i: (0, 0)),
          pl.BlockSpec((1, Do), lambda i: (0, 0)),
      ],
      out_specs=pl.BlockSpec((TM, Do), lambda i: (i, 0)),
      out_shape=jax.ShapeDtypeStruct((M, Do), jnp.float32),
  )


_agg0 = _make_agg(_E0, _N1, 64)
_agg1 = _make_agg(_E1, _N2, 128)
_agg2 = _make_agg(_E2, _N3, 128)
_mm0 = _make_mm(_N1, 400, 64, 128, 256, True)
_mm1 = _make_mm(_N2, 200, 128, 256, 256, True)
_mm2 = _make_mm(_N3, 256, 128, 256, 256, False)


@jax.jit
def kernel(x, edge_index0, edge_index1, edge_index2,
           W0l, W0r, b0, W1l, W1r, b1, W2l, W2r, b2, W3l, W3r, b3):
  x0 = x[:_N1, :64]
  x1 = x[:_N1, 64:]
  s0a, s0b, c0 = _agg0(x0, x1, edge_index0[0], edge_index0[1])
  h0 = _mm0(s0a, s0b, c0, x, W0l, W0r, b0.reshape(1, -1))

  t1a = h0[:_N2, :128]
  t1b = h0[:_N2, 128:]
  s1a, s1b, c1 = _agg1(t1a, t1b, edge_index1[0], edge_index1[1])
  h1 = _mm1(s1a, s1b, c1, h0, W1l, W1r, b1.reshape(1, -1))

  t2a = h1[:_N3, :128]
  t2b = h1[:_N3, 128:]
  s2a, s2b, c2 = _agg2(t2a, t2b, edge_index2[0], edge_index2[1])
  wl = jnp.concatenate([W2l, W3l], axis=1)
  wr = jnp.concatenate([W2r, W3r], axis=1)
  bb = jnp.concatenate([b2, b3]).reshape(1, -1)
  out = _mm2(s2a, s2b, c2, h1, wl, wr, bb)
  return out[:, :128], out[:, 128:]

# --- scband reference (transcript-rebuilt; emitter-appended) ---
"""Pipeline reference for scband-variational-sageencoder-11458972746376 (READ-ONLY COPY).

The authoritative reference and input builder live on the scoring server;
editing this copy changes nothing except your own understanding.
"""

import jax, jax.numpy as jnp
import numpy as np

N0, N1, N2, N3 = 50000, 20000, 5000, 1024
E0, E1, E2 = 320000, 80000, 16384
D_IN, D_HID, D_OUT = 128, 256, 128


def mean_aggr(src_feat, dst, num_dst):
    s = jax.ops.segment_sum(src_feat, dst, num_segments=num_dst)
    cnt = jax.ops.segment_sum(jnp.ones((src_feat.shape[0],), dtype=src_feat.dtype), dst, num_segments=num_dst)
    return s / jnp.clip(cnt, 1.0)[:, None]


def sage_conv(x_src, x_tgt, edge_index, Wl, Wr, b, num_dst):
    # PyG SAGEConv (mean aggr, bipartite): lin_l(mean_{j->i} x_j) + lin_r(x_i)
    msgs = x_src[edge_index[0]]
    agg = mean_aggr(msgs, edge_index[1], num_dst)
    return agg @ Wl + b + x_tgt @ Wr


def setup_inputs(seed: int = 0) -> dict:
    key = jax.random.key(seed)
    ks = jax.random.split(key, 16)
    x = jax.random.normal(ks[0], (N0, D_IN), dtype=jnp.float32)
    edge_index0 = jax.random.randint(ks[1], (2, E0), 0, N1)
    edge_index1 = jax.random.randint(ks[2], (2, E1), 0, N2)
    edge_index2 = jax.random.randint(ks[3], (2, E2), 0, N3)
    s = 0.05
    W0l = jax.random.normal(ks[4], (D_IN, D_HID), dtype=jnp.float32) * s
    W0r = jax.random.normal(ks[5], (D_IN, D_HID), dtype=jnp.float32) * s
    b0 = jnp.zeros((D_HID,), dtype=jnp.float32)
    W1l = jax.random.normal(ks[6], (D_HID, D_HID), dtype=jnp.float32) * s
    W1r = jax.random.normal(ks[7], (D_HID, D_HID), dtype=jnp.float32) * s
    b1 = jnp.zeros((D_HID,), dtype=jnp.float32)
    W2l = jax.random.normal(ks[8], (D_HID, D_OUT), dtype=jnp.float32) * s
    W2r = jax.random.normal(ks[9], (D_HID, D_OUT), dtype=jnp.float32) * s
    b2 = jnp.zeros((D_OUT,), dtype=jnp.float32)
    W3l = jax.random.normal(ks[10], (D_HID, D_OUT), dtype=jnp.float32) * s
    W3r = jax.random.normal(ks[11], (D_HID, D_OUT), dtype=jnp.float32) * s
    b3 = jnp.zeros((D_OUT,), dtype=jnp.float32)
    return {"x": x, "edge_index0": edge_index0, "edge_index1": edge_index1, "edge_index2": edge_index2,
            "W0l": W0l, "W0r": W0r, "b0": b0, "W1l": W1l, "W1r": W1r, "b1": b1,
            "W2l": W2l, "W2r": W2r, "b2": b2, "W3l": W3l, "W3r": W3r, "b3": b3}


def reference(x, edge_index0, edge_index1, edge_index2,
              W0l, W0r, b0, W1l, W1r, b1, W2l, W2r, b2, W3l, W3r, b3):
    # layer 0: 50000 -> 20000
    xt = x[:N1]
    h = sage_conv(x, xt, edge_index0, W0l, W0r, b0, N1)
    h = jax.nn.relu(h)  # dropout is identity in eval mode
    # layer 1: 20000 -> 5000
    xt = h[:N2]
    h = sage_conv(h, xt, edge_index1, W1l, W1r, b1, N2)
    h = jax.nn.relu(h)
    # layer 2: 5000 -> 1024, mu and logstd heads share edge_index
    xt = h[:N3]
    mu = sage_conv(h, xt, edge_index2, W2l, W2r, b2, N3)
    logstd = sage_conv(h, xt, edge_index2, W3l, W3r, b3, N3)
    return (mu, logstd)

if __name__ == "__main__":
    import jax
    _d = setup_inputs()
    print(jax.jit(kernel)(*tuple(_d.values())))

</pallas_src>

<mosaic_0001>
#map = affine_map<(d0, d1) -> (0, 0)>
#map1 = affine_map<(d0, d1) -> (0)>
module attributes {stable_mosaic.version = 14 : i64} {
  func.func @agg(%arg0: i32, %arg1: i32, %arg2: memref<5000x128xf32, #tpu.memory_space<hbm>>, %arg3: memref<5000x128xf32, #tpu.memory_space<hbm>>, %arg4: memref<80000xi32, #tpu.memory_space<hbm>>, %arg5: memref<80000xi32, #tpu.memory_space<hbm>>, %arg6: memref<5120x128xf32, #tpu.memory_space<hbm>>, %arg7: memref<5120x128xf32, #tpu.memory_space<hbm>>, %arg8: memref<5120x16xf32, #tpu.memory_space<hbm>>, %arg9: memref<128xi32, #tpu.memory_space<vmem>>, %arg10: memref<128xi32, #tpu.memory_space<vmem>>, %arg11: memref<128x128xf32, #tpu.memory_space<vmem>>, %arg12: memref<128x16xf32, #tpu.memory_space<vmem>>, %arg13: memref<128x128xf32, #tpu.memory_space<vmem>>, %arg14: memref<128x16xf32, #tpu.memory_space<vmem>>, %arg15: memref<5120x128xf32, #tpu.memory_space<vmem_shared>>, %arg16: memref<5120x16xf32, #tpu.memory_space<vmem_shared>>, %arg17: memref<!tpu.dma_semaphore, #tpu.memory_space<semaphore_mem>>) attributes {dimension_semantics = [#tpu.dimension_semantics<core_parallel>, #tpu.dimension_semantics<subcore_parallel>], iteration_bounds = array<i64: 2, 16>, scalar_prefetch = 0 : i64, scratch_operands = 9 : i64, tpu.core_type = #tpu.core_type<sc_vector_subcore>, window_params = [{transform_indices = #map}, {transform_indices = #map}, {transform_indices = #map1}, {transform_indices = #map1}, {transform_indices = #map}, {transform_indices = #map}, {transform_indices = #map}]} {
    %broadcast_in_dim3A = arith.constant 0.000000e+00 : f32
    %broadcast_in_dim3A_0 = vector.broadcast %broadcast_in_dim3A : f32 to vector<16xf32>
    %broadcast_in_dim3A_1 = arith.constant 1.000000e+00 : f32
    %broadcast_in_dim3A_2 = vector.broadcast %broadcast_in_dim3A_1 : f32 to vector<16xf32>
    %scan3A = arith.constant 0 : i32
    %scan3A_3 = arith.constant 0 : i32
    %scan3A_4 = arith.constant 128 : i32
    %scan3A_5 = arith.addi %scan3A_3, %scan3A_4 : i32
    %scan3A_6 = arith.constant 1 : i32
    %scan3A_7 = scf.for %scan3A_60 = %scan3A_3 to %scan3A_5 step %scan3A_6 iter_args(%scan3A_61 = %scan3A) -> (i32)  : i32 {
      %swap3A = arith.index_cast %scan3A_60 : i32 to index
      %swap3A_62 = arith.constant 0 : index
      %swap3A_63 = tpu.vector_load %arg13[%swap3A, %swap3A_62] {strides = array<i32>} : memref<128x128xf32, #tpu.memory_space<vmem>>, vector<1x16xf32>,
      %swap3A_64 = vector.shape_cast %swap3A_63 : vector<1x16xf32> to vector<16xf32>
      %swap3A_65 = vector.shape_cast %broadcast_in_dim3A_0 : vector<16xf32> to vector<1x16xf32>
      tpu.vector_store %arg13[%swap3A, %swap3A_62], %swap3A_65 {strides = array<i32>} : memref<128x128xf32, #tpu.memory_space<vmem>>, vector<1x16xf32>,
      %swap3A_66 = arith.index_cast %scan3A_60 : i32 to index
      %swap3A_67 = arith.constant 16 : index
      %swap3A_68 = tpu.vector_load %arg13[%swap3A_66, %swap3A_67] {strides = array<i32>} : memref<128x128xf32, #tpu.memory_space<vmem>>, vector<1x16xf32>,
      %swap3A_69 = vector.shape_cast %swap3A_68 : vector<1x16xf32> to vector<16xf32>
      %swap3A_70 = vector.shape_cast %broadcast_in_dim3A_0 : vector<16xf32> to vector<1x16xf32>
      tpu.vector_store %arg13[%swap3A_66, %swap3A_67], %swap3A_70 {strides = array<i32>} : memref<128x128xf32, #tpu.memory_space<vmem>>, vector<1x16xf32>,
      %swap3A_71 = arith.index_cast %scan3A_60 : i32 to index
      %swap3A_72 = arith.constant 32 : index
      %swap3A_73 = tpu.vector_load %arg13[%swap3A_71, %swap3A_72] {strides = array<i32>} : memref<128x128xf32, #tpu.memory_space<vmem>>, vector<1x16xf32>,
      %swap3A_74 = vector.shape_cast %swap3A_73 : vector<1x16xf32> to vector<16xf32>
      %swap3A_75 = vector.shape_cast %broadcast_in_dim3A_0 : vector<16xf32> to vector<1x16xf32>
      tpu.vector_store %arg13[%swap3A_71, %swap3A_72], %swap3A_75 {strides = array<i32>} : memref<128x128xf32, #tpu.memory_space<vmem>>, vector<1x16xf32>,
      %swap3A_76 = arith.index_cast %scan3A_60 : i32 to index
      %swap3A_77 = arith.constant 48 : index
      %swap3A_78 = tpu.vector_load %arg13[%swap3A_76, %swap3A_77] {strides = array<i32>} : memref<128x128xf32, #tpu.memory_space<vmem>>, vector<1x16xf32>,
      %swap3A_79 = vector.shape_cast %swap3A_78 : vector<1x16xf32> to vector<16xf32>
      %swap3A_80 = vector.shape_cast %broadcast_in_dim3A_0 : vector<16xf32> to vector<1x16xf32>
      tpu.vector_store %arg13[%swap3A_76, %swap3A_77], %swap3A_80 {strides = array<i32>} : memref<128x128xf32, #tpu.memory_space<vmem>>, vector<1x16xf32>,
      %swap3A_81 = arith.index_cast %scan3A_60 : i32 to index
      %swap3A_82 = arith.constant 64 : index
      %swap3A_83 = tpu.vector_load %arg13[%swap3A_81, %swap3A_82] {strides = array<i32>} : memref<128x128xf32, #tpu.memory_space<vmem>>, vector<1x16xf32>,
      %swap3A_84 = vector.shape_cast %swap3A_83 : vector<1x16xf32> to vector<16xf32>
      %swap3A_85 = vector.shape_cast %broadcast_in_dim3A_0 : vector<16xf32> to vector<1x16xf32>
      tpu.vector_store %arg13[%swap3A_81, %swap3A_82], %swap3A_85 {strides = array<i32>} : memref<128x128xf32, #tpu.memory_space<vmem>>, vector<1x16xf32>,
      %swap3A_86 = arith.index_cast %scan3A_60 : i32 to index
      %swap3A_87 = arith.constant 80 : index
      %swap3A_88 = tpu.vector_load %arg13[%swap3A_86, %swap3A_87] {strides = array<i32>} : memref<128x128xf32, #tpu.memory_space<vmem>>, vector<1x16xf32>,
      %swap3A_89 = vector.shape_cast %swap3A_88 : vector<1x16xf32> to vector<16xf32>
      %swap3A_90 = vector.shape_cast %broadcast_in_dim3A_0 : vector<16xf32> to vector<1x16xf32>
      tpu.vector_store %arg13[%swap3A_86, %swap3A_87], %swap3A_90 {strides = array<i32>} : memref<128x128xf32, #tpu.memory_space<vmem>>, vector<1x16xf32>,
      %swap3A_91 = arith.index_cast %scan3A_60 : i32 to index
      %swap3A_92 = arith.constant 96 : index
      %swap3A_93 = tpu.vector_load %arg13[%swap3A_91, %swap3A_92] {strides = array<i32>} : memref<128x128xf32, #tpu.memory_space<vmem>>, vector<1x16xf32>,
      %swap3A_94 = vector.shape_cast %swap3A_93 : vector<1x16xf32> to vector<16xf32>
      %swap3A_95 = vector.shape_cast %broadcast_in_dim3A_0 : vector<16xf32> to vector<1x16xf32>
      tpu.vector_store %arg13[%swap3A_91, %swap3A_92], %swap3A_95 {strides = array<i32>} : memref<128x128xf32, #tpu.memory_space<vmem>>, vector<1x16xf32>,
      %swap3A_96 = arith.index_cast %scan3A_60 : i32 to index
      %swap3A_97 = arith.constant 112 : index
      %swap3A_98 = tpu.vector_load %arg13[%swap3A_96, %swap3A_97] {strides = array<i32>} : memref<128x128xf32, #tpu.memory_space<vmem>>, vector<1x16xf32>,
      %swap3A_99 = vector.shape_cast %swap3A_98 : vector<1x16xf32> to vector<16xf32>
      %swap3A_100 = vector.shape_cast %broadcast_in_dim3A_0 : vector<16xf32> to vector<1x16xf32>
      tpu.vector_store %arg13[%swap3A_96, %swap3A_97], %swap3A_100 {strides = array<i32>} : memref<128x128xf32, #tpu.memory_space<vmem>>, vector<1x16xf32>,
      %swap3A_101 = arith.index_cast %scan3A_60 : i32 to index
      %swap3A_102 = arith.constant 0 : index
      %swap3A_103 = tpu.vector_load %arg14[%swap3A_101, %swap3A_102] {strides = array<i32>} : memref<128x16xf32, #tpu.memory_space<vmem>>, vector<1x16xf32>,
      %swap3A_104 = vector.shape_cast %swap3A_103 : vector<1x16xf32> to vector<16xf32>
      %swap3A_105 = vector.shape_cast %broadcast_in_dim3A_0 : vector<16xf32> to vector<1x16xf32>
      tpu.vector_store %arg14[%swap3A_101, %swap3A_102], %swap3A_105 {strides = array<i32>} : memref<128x16xf32, #tpu.memory_space<vmem>>, vector<1x16xf32>,
      %swap3A_106 = arith.index_cast %scan3A_60 : i32 to index
      %swap3A_107 = arith.constant 0 : index
      %swap3A_108 = tpu.vector_load %arg12[%swap3A_106, %swap3A_107] {strides = array<i32>} : memref<128x16xf32, #tpu.memory_space<vmem>>, vector<1x16xf32>,
      %swap3A_109 = vector.shape_cast %swap3A_108 : vector<1x16xf32> to vector<16xf32>
      %swap3A_110 = vector.shape_cast %broadcast_in_dim3A_2 : vector<16xf32> to vector<1x16xf32>
      tpu.vector_store %arg12[%swap3A_106, %swap3A_107], %swap3A_110 {strides = array<i32>} : memref<128x16xf32, #tpu.memory_space<vmem>>, vector<1x16xf32>,
      %scan3A_111 = arith.constant 0 : i32
      scf.yield %scan3A_111 : i32
    }
    %scan3A_8 = arith.constant 128 : i32
    %mul3A = arith.constant 320 : i32
    %mul3A_9 = arith.muli %arg1, %mul3A : i32
    %multiple_of3A = tpu.assume_multiple %mul3A_9, 8 : i32
    %add3A = arith.constant 0 : i32
    %add3A_10 = arith.addi %multiple_of3A, %add3A : i32
    "tpu.region"() ({
      %run_scoped3A = tpu.sem_alloc : memref<!tpu.dma_semaphore, #tpu.memory_space<semaphore_mem>>
      %dma_start3A = arith.constant 0 : i32
      %dma_start3A_60 = tpu.memref_slice %arg15[%add3A_10, %dma_start3A] : memref<5120x128xf32, #tpu.memory_space<vmem_shared>> -> memref<128x128xf32, #tpu.memory_space<vmem_shared>>
      %dma_start3A_61 = arith.constant 0 : i32
      %dma_start3A_62 = tpu.memref_slice %arg15[%add3A_10, %dma_start3A_61] : memref<5120x128xf32, #tpu.memory_space<vmem_shared>> -> memref<128x128xf32, #tpu.memory_space<vmem_shared>>
      tpu.enqueue_dma source(%arg13 : memref<128x128xf32, #tpu.memory_space<vmem>>) target(%dma_start3A_62 : memref<128x128xf32, #tpu.memory_space<vmem_shared>>) target_semaphore(%run_scoped3A : memref<!tpu.dma_semaphore, #tpu.memory_space<semaphore_mem>>)
      %dma_wait3A = arith.constant 0 : i32
      %dma_wait3A_63 = tpu.memref_slice %arg15[%add3A_10, %dma_wait3A] : memref<5120x128xf32, #tpu.memory_space<vmem_shared>> -> memref<128x128xf32, #tpu.memory_space<vmem_shared>>
      %dma_wait3A_64 = arith.constant 0 : i32
      %dma_wait3A_65 = tpu.memref_slice %arg15[%add3A_10, %dma_wait3A_64] : memref<5120x128xf32, #tpu.memory_space<vmem_shared>> -> memref<128x128xf32, #tpu.memory_space<vmem_shared>>
      tpu.wait_dma2 semaphore(%run_scoped3A : memref<!tpu.dma_semaphore, #tpu.memory_space<semaphore_mem>>) src(%arg13 : memref<128x128xf32, #tpu.memory_space<vmem>>) dst(%dma_wait3A_65 : memref<128x128xf32, #tpu.memory_space<vmem_shared>>)
      tpu.yield
    }) : () -> ()
    %add3A_11 = arith.constant 128 : i32
    %add3A_12 = arith.addi %multiple_of3A, %add3A_11 : i32
    "tpu.region"() ({
      %run_scoped3A = tpu.sem_alloc : memref<!tpu.dma_semaphore, #tpu.memory_space<semaphore_mem>>
      %dma_start3A = arith.constant 0 : i32
      %dma_start3A_60 = tpu.memref_slice %arg15[%add3A_12, %dma_start3A] : memref<5120x128xf32, #tpu.memory_space<vmem_shared>> -> memref<128x128xf32, #tpu.memory_space<vmem_shared>>
      %dma_start3A_61 = arith.constant 0 : i32
      %dma_start3A_62 = tpu.memref_slice %arg15[%add3A_12, %dma_start3A_61] : memref<5120x128xf32, #tpu.memory_space<vmem_shared>> -> memref<128x128xf32, #tpu.memory_space<vmem_shared>>
      tpu.enqueue_dma source(%arg13 : memref<128x128xf32, #tpu.memory_space<vmem>>) target(%dma_start3A_62 : memref<128x128xf32, #tpu.memory_space<vmem_shared>>) target_semaphore(%run_scoped3A : memref<!tpu.dma_semaphore, #tpu.memory_space<semaphore_mem>>)
      %dma_wait3A = arith.constant 0 : i32
      %dma_wait3A_63 = tpu.memref_slice %arg15[%add3A_12, %dma_wait3A] : memref<5120x128xf32, #tpu.memory_space<vmem_shared>> -> memref<128x128xf32, #tpu.memory_space<vmem_shared>>
      %dma_wait3A_64 = arith.constant 0 : i32
      %dma_wait3A_65 = tpu.memref_slice %arg15[%add3A_12, %dma_wait3A_64] : memref<5120x128xf32, #tpu.memory_space<vmem_shared>> -> memref<128x128xf32, #tpu.memory_space<vmem_shared>>
      tpu.wait_dma2 semaphore(%run_scoped3A : memref<!tpu.dma_semaphore, #tpu.memory_space<semaphore_mem>>) src(%arg13 : memref<128x128xf32, #tpu.memory_space<vmem>>) dst(%dma_wait3A_65 : memref<128x128xf32, #tpu.memory_space<vmem_shared>>)
      tpu.yield
    }) : () -> ()
    %add3A_13 = arith.constant 256 : i32
    %add3A_14 = arith.addi %multiple_of3A, %add3A_13 : i32
    "tpu.region"() ({
      %run_scoped3A = tpu.sem_alloc : memref<!tpu.dma_semaphore, #tpu.memory_space<semaphore_mem>>
      %dma_start3A = arith.constant 0 : i32
      %dma_start3A_60 = arith.constant 0 : i32
      %dma_start3A_61 = tpu.memref_slice %arg13[%dma_start3A, %dma_start3A_60] : memref<128x128xf32, #tpu.memory_space<vmem>> -> memref<64x128xf32, #tpu.memory_space<vmem>>
      %dma_start3A_62 = arith.constant 0 : i32
      %dma_start3A_63 = tpu.memref_slice %arg15[%add3A_14, %dma_start3A_62] : memref<5120x128xf32, #tpu.memory_space<vmem_shared>> -> memref<64x128xf32, #tpu.memory_space<vmem_shared>>
      %dma_start3A_64 = arith.constant 0 : i32
      %dma_start3A_65 = tpu.memref_slice %arg15[%add3A_14, %dma_start3A_64] : memref<5120x128xf32, #tpu.memory_space<vmem_shared>> -> memref<64x128xf32, #tpu.memory_space<vmem_shared>>
      %dma_start3A_66 = arith.constant 0 : i32
      %dma_start3A_67 = arith.constant 0 : i32
      %dma_start3A_68 = tpu.memref_slice %arg13[%dma_start3A_66, %dma_start3A_67] : memref<128x128xf32, #tpu.memory_space<vmem>> -> memref<64x128xf32, #tpu.memory_space<vmem>>
      tpu.enqueue_dma source(%dma_start3A_68 : memref<64x128xf32, #tpu.memory_space<vmem>>) target(%dma_start3A_65 : memref<64x128xf32, #tpu.memory_space<vmem_shared>>) target_semaphore(%run_scoped3A : memref<!tpu.dma_semaphore, #tpu.memory_space<semaphore_mem>>)
      %dma_wait3A = arith.constant 0 : i32
      %dma_wait3A_69 = arith.constant 0 : i32
      %dma_wait3A_70 = tpu.memref_slice %arg13[%dma_wait3A, %dma_wait3A_69] : memref<128x128xf32, #tpu.memory_space<vmem>> -> memref<64x128xf32, #tpu.memory_space<vmem>>
      %dma_wait3A_71 = arith.constant 0 : i32
      %dma_wait3A_72 = tpu.memref_slice %arg15[%add3A_14, %dma_wait3A_71] : memref<5120x128xf32, #tpu.memory_space<vmem_shared>> -> memref<64x128xf32, #tpu.memory_space<vmem_shared>>
      %dma_wait3A_73 = arith.constant 0 : i32
      %dma_wait3A_74 = tpu.memref_slice %arg15[%add3A_14, %dma_wait3A_73] : memref<5120x128xf32, #tpu.memory_space<vmem_shared>> -> memref<64x128xf32, #tpu.memory_space<vmem_shared>>
      %dma_wait3A_75 = arith.constant 0 : i32
      %dma_wait3A_76 = arith.constant 0 : i32
      %dma_wait3A_77 = tpu.memref_slice %arg13[%dma_wait3A_75, %dma_wait3A_76] : memref<128x128xf32, #tpu.memory_space<vmem>> -> memref<64x128xf32, #tpu.memory_space<vmem>>
      tpu.wait_dma2 semaphore(%run_scoped3A : memref<!tpu.dma_semaphore, #tpu.memory_space<semaphore_mem>>) src(%dma_wait3A_77 : memref<64x128xf32, #tpu.memory_space<vmem>>) dst(%dma_wait3A_74 : memref<64x128xf32, #tpu.memory_space<vmem_shared>>)
      tpu.yield
    }) : () -> ()
    %eq3A = arith.constant 0 : i32
    %eq3A_15 = arith.cmpi eq, %arg0, %eq3A : i32
    %convert_element_type3A = arith.extui %eq3A_15 : i1 to i32
    %cond3A = arith.constant 0 : i32
    %cond3A_16 = arith.cmpi ne, %convert_element_type3A, %cond3A : i32
    scf.if %cond3A_16 {
      %add3A_60 = arith.constant 0 : i32
      %add3A_61 = arith.addi %multiple_of3A, %add3A_60 : i32
      "tpu.region"() ({
        %run_scoped3A = tpu.sem_alloc : memref<!tpu.dma_semaphore, #tpu.memory_space<semaphore_mem>>
        %dma_start3A = arith.constant 0 : i32
        %dma_start3A_66 = tpu.memref_slice %arg16[%add3A_61, %dma_start3A] : memref<5120x16xf32, #tpu.memory_space<vmem_shared>> -> memref<128x16xf32, #tpu.memory_space<vmem_shared>>
        %dma_start3A_67 = arith.constant 0 : i32
        %dma_start3A_68 = tpu.memref_slice %arg16[%add3A_61, %dma_start3A_67] : memref<5120x16xf32, #tpu.memory_space<vmem_shared>> -> memref<128x16xf32, #tpu.memory_space<vmem_shared>>
        tpu.enqueue_dma source(%arg14 : memref<128x16xf32, #tpu.memory_space<vmem>>) target(%dma_start3A_68 : memref<128x16xf32, #tpu.memory_space<vmem_shared>>) target_semaphore(%run_scoped3A : memref<!tpu.dma_semaphore, #tpu.memory_space<semaphore_mem>>)
        %dma_wait3A = arith.constant 0 : i32
        %dma_wait3A_69 = tpu.memref_slice %arg16[%add3A_61, %dma_wait3A] : memref<5120x16xf32, #tpu.memory_space<vmem_shared>> -> memref<128x16xf32, #tpu.memory_space<vmem_shared>>
        %dma_wait3A_70 = arith.constant 0 : i32
        %dma_wait3A_71 = tpu.memref_slice %arg16[%add3A_61, %dma_wait3A_70] : memref<5120x16xf32, #tpu.memory_space<vmem_shared>> -> memref<128x16xf32, #tpu.memory_space<vmem_shared>>
        tpu.wait_dma2 semaphore(%run_scoped3A : memref<!tpu.dma_semaphore, #tpu.memory_space<semaphore_mem>>) src(%arg14 : memref<128x16xf32, #tpu.memory_space<vmem>>) dst(%dma_wait3A_71 : memref<128x16xf32, #tpu.memory_space<vmem_shared>>)
        tpu.yield
      }) : () -> ()
      %add3A_62 = arith.constant 128 : i32
      %add3A_63 = arith.addi %multiple_of3A, %add3A_62 : i32
      "tpu.region"() ({
        %run_scoped3A = tpu.sem_alloc : memref<!tpu.dma_semaphore, #tpu.memory_space<semaphore_mem>>
        %dma_start3A = arith.constant 0 : i32
        %dma_start3A_66 = tpu.memref_slice %arg16[%add3A_63, %dma_start3A] : memref<5120x16xf32, #tpu.memory_space<vmem_shared>> -> memref<128x16xf32, #tpu.memory_space<vmem_shared>>
        %dma_start3A_67 = arith.constant 0 : i32
        %dma_start3A_68 = tpu.memref_slice %arg16[%add3A_63, %dma_start3A_67] : memref<5120x16xf32, #tpu.memory_space<vmem_shared>> -> memref<128x16xf32, #tpu.memory_space<vmem_shared>>
        tpu.enqueue_dma source(%arg14 : memref<128x16xf32, #tpu.memory_space<vmem>>) target(%dma_start3A_68 : memref<128x16xf32, #tpu.memory_space<vmem_shared>>) target_semaphore(%run_scoped3A : memref<!tpu.dma_semaphore, #tpu.memory_space<semaphore_mem>>)
        %dma_wait3A = arith.constant 0 : i32
        %dma_wait3A_69 = tpu.memref_slice %arg16[%add3A_63, %dma_wait3A] : memref<5120x16xf32, #tpu.memory_space<vmem_shared>> -> memref<128x16xf32, #tpu.memory_space<vmem_shared>>
        %dma_wait3A_70 = arith.constant 0 : i32
        %dma_wait3A_71 = tpu.memref_slice %arg16[%add3A_63, %dma_wait3A_70] : memref<5120x16xf32, #tpu.memory_space<vmem_shared>> -> memref<128x16xf32, #tpu.memory_space<vmem_shared>>
        tpu.wait_dma2 semaphore(%run_scoped3A : memref<!tpu.dma_semaphore, #tpu.memory_space<semaphore_mem>>) src(%arg14 : memref<128x16xf32, #tpu.memory_space<vmem>>) dst(%dma_wait3A_71 : memref<128x16xf32, #tpu.memory_space<vmem_shared>>)
        tpu.yield
      }) : () -> ()
      %add3A_64 = arith.constant 256 : i32
      %add3A_65 = arith.addi %multiple_of3A, %add3A_64 : i32
      "tpu.region"() ({
        %run_scoped3A = tpu.sem_alloc : memref<!tpu.dma_semaphore, #tpu.memory_space<semaphore_mem>>
        %dma_start3A = arith.constant 0 : i32
        %dma_start3A_66 = arith.constant 0 : i32
        %dma_start3A_67 = tpu.memref_slice %arg14[%dma_start3A, %dma_start3A_66] : memref<128x16xf32, #tpu.memory_space<vmem>> -> memref<64x16xf32, #tpu.memory_space<vmem>>
        %dma_start3A_68 = arith.constant 0 : i32
        %dma_start3A_69 = tpu.memref_slice %arg16[%add3A_65, %dma_start3A_68] : memref<5120x16xf32, #tpu.memory_space<vmem_shared>> -> memref<64x16xf32, #tpu.memory_space<vmem_shared>>
        %dma_start3A_70 = arith.constant 0 : i32
        %dma_start3A_71 = tpu.memref_slice %arg16[%add3A_65, %dma_start3A_70] : memref<5120x16xf32, #tpu.memory_space<vmem_shared>> -> memref<64x16xf32, #tpu.memory_space<vmem_shared>>
        %dma_start3A_72 = arith.constant 0 : i32
        %dma_start3A_73 = arith.constant 0 : i32
        %dma_start3A_74 = tpu.memref_slice %arg14[%dma_start3A_72, %dma_start3A_73] : memref<128x16xf32, #tpu.memory_space<vmem>> -> memref<64x16xf32, #tpu.memory_space<vmem>>
        tpu.enqueue_dma source(%dma_start3A_74 : memref<64x16xf32, #tpu.memory_space<vmem>>) target(%dma_start3A_71 : memref<64x16xf32, #tpu.memory_space<vmem_shared>>) target_semaphore(%run_scoped3A : memref<!tpu.dma_semaphore, #tpu.memory_space<semaphore_mem>>)
        %dma_wait3A = arith.constant 0 : i32
        %dma_wait3A_75 = arith.constant 0 : i32
        %dma_wait3A_76 = tpu.memref_slice %arg14[%dma_wait3A, %dma_wait3A_75] : memref<128x16xf32, #tpu.memory_space<vmem>> -> memref<64x16xf32, #tpu.memory_space<vmem>>
        %dma_wait3A_77 = arith.constant 0 : i32
        %dma_wait3A_78 = tpu.memref_slice %arg16[%add3A_65, %dma_wait3A_77] : memref<5120x16xf32, #tpu.memory_space<vmem_shared>> -> memref<64x16xf32, #tpu.memory_space<vmem_shared>>
        %dma_wait3A_79 = arith.constant 0 : i32
        %dma_wait3A_80 = tpu.memref_slice %arg16[%add3A_65, %dma_wait3A_79] : memref<5120x16xf32, #tpu.memory_space<vmem_shared>> -> memref<64x16xf32, #tpu.memory_space<vmem_shared>>
        %dma_wait3A_81 = arith.constant 0 : i32
        %dma_wait3A_82 = arith.constant 0 : i32
        %dma_wait3A_83 = tpu.memref_slice %arg14[%dma_wait3A_81, %dma_wait3A_82] : memref<128x16xf32, #tpu.memory_space<vmem>> -> memref<64x16xf32, #tpu.memory_space<vmem>>
        tpu.wait_dma2 semaphore(%run_scoped3A : memref<!tpu.dma_semaphore, #tpu.memory_space<semaphore_mem>>) src(%dma_wait3A_83 : memref<64x16xf32, #tpu.memory_space<vmem>>) dst(%dma_wait3A_80 : memref<64x16xf32, #tpu.memory_space<vmem_shared>>)
        tpu.yield
      }) : () -> ()
    } else {
    }
    %barrier3A = arith.constant 0 : index
    tpu.barrier barrier_id(%barrier3A)
    %sub3A = arith.constant 625 : i32
    %sub3A_17 = arith.subi %sub3A, %arg1 : i32
    %add3A_18 = arith.constant 16 : i32
    %add3A_19 = arith.addi %sub3A_17, %add3A_18 : i32
    %sub3A_20 = arith.constant 1 : i32
    %sub3A_21 = arith.subi %add3A_19, %sub3A_20 : i32
    %jit3A = arith.constant 16 : i32
    %div3A = arith.divsi %sub3A_21, %jit3A : i32
    %sign3A = arith.constant 0 : i32
    %sign3A_22 = arith.cmpi sgt, %sub3A_21, %sign3A : i32
    %sign3A_23 = arith.extui %sign3A_22 : i1 to i32
    %sign3A_24 = arith.constant 0 : i32
    %sign3A_25 = arith.cmpi slt, %sub3A_21, %sign3A_24 : i32
    %sign3A_26 = arith.extui %sign3A_25 : i1 to i32
    %sign3A_27 = arith.subi %sign3A_23, %sign3A_26 : i32
    %sign3A_28 = arith.constant 0 : i32
    %sign3A_29 = arith.cmpi sgt, %jit3A, %sign3A_28 : i32
    %sign3A_30 = arith.extui %sign3A_29 : i1 to i32
    %sign3A_31 = arith.constant 0 : i32
    %sign3A_32 = arith.cmpi slt, %jit3A, %sign3A_31 : i32
    %sign3A_33 = arith.extui %sign3A_32 : i1 to i32
    %sign3A_34 = arith.subi %sign3A_30, %sign3A_33 : i32
    %ne3A = arith.cmpi ne, %sign3A_27, %sign3A_34 : i32
    %rem3A = arith.remsi %sub3A_21, %jit3A : i32
    %ne3A_35 = arith.constant 0 : i32
    %ne3A_36 = arith.cmpi ne, %rem3A, %ne3A_35 : i32
    %and3A = arith.andi %ne3A, %ne3A_36 : i1
    %sub3A_37 = arith.constant 1 : i32
    %sub3A_38 = arith.subi %div3A, %sub3A_37 : i32
    %select_n3A = arith.select %and3A, %sub3A_38, %div3A : i32
    %eq3A_39 = arith.constant 0 : i32
    %eq3A_40 = arith.cmpi eq, %arg0, %eq3A_39 : i32
    %convert_element_type3A_41 = arith.extui %eq3A_40 : i1 to i32
    %cond3A_42 = arith.constant 0 : i32
    %cond3A_43 = arith.cmpi ne, %convert_element_type3A_41, %cond3A_42 : i32
    scf.if %cond3A_43 {
      %while3A = arith.constant 0 : i32
      %while3A_60 = arith.constant 0 : i32
      %while3A_61 = arith.subi %select_n3A, %while3A : i32
      %while3A_62 = arith.addi %while3A, %while3A_61 : i32
      %while3A_63 = arith.constant 1 : i32
      %while3A_64 = arith.divsi %while3A_61, %while3A_63 : i32
      %while3A_65 = arith.muli %while3A_64, %while3A_63 : i32
      %while3A_66 = arith.addi %while3A, %while3A_65 : i32
      %while3A_67 = arith.constant 1 : i32
      %while3A_68 = scf.for %while3A_71 = %while3A to %while3A_66 step %while3A_67 iter_args(%while3A_72 = %while3A_60) -> (i32)  : i32 {
        %mul3A_73 = arith.constant 16 : i32
        %mul3A_74 = arith.muli %while3A_71, %mul3A_73 : i32
        %add3A_75 = arith.addi %arg1, %mul3A_74 : i32
        %mul3A_76 = arith.constant 128 : i32
        %mul3A_77 = arith.muli %add3A_75, %mul3A_76 : i32
        "tpu.region"() ({
          %run_scoped3A = tpu.sem_alloc : memref<!tpu.dma_semaphore, #tpu.memory_space<semaphore_mem>>
          %dma_start3A_83 = tpu.memref_slice %arg4[%mul3A_77] : memref<80000xi32, #tpu.memory_space<hbm>> -> memref<128xi32, #tpu.memory_space<hbm>>
          %dma_start3A_84 = tpu.memref_slice %arg4[%mul3A_77] : memref<80000xi32, #tpu.memory_space<hbm>> -> memref<128xi32, #tpu.memory_space<hbm>>
          tpu.enqueue_dma source(%dma_start3A_84 : memref<128xi32, #tpu.memory_space<hbm>>) target(%arg9 : memref<128xi32, #tpu.memory_space<vmem>>) target_semaphore(%run_scoped3A : memref<!tpu.dma_semaphore, #tpu.memory_space<semaphore_mem>>)
          %dma_wait3A_85 = tpu.memref_slice %arg4[%mul3A_77] : memref<80000xi32, #tpu.memory_space<hbm>> -> memref<128xi32, #tpu.memory_space<hbm>>
          %dma_wait3A_86 = tpu.memref_slice %arg4[%mul3A_77] : memref<80000xi32, #tpu.memory_space<hbm>> -> memref<128xi32, #tpu.memory_space<hbm>>
          tpu.wait_dma2 semaphore(%run_scoped3A : memref<!tpu.dma_semaphore, #tpu.memory_space<semaphore_mem>>) src(%dma_wait3A_86 : memref<128xi32, #tpu.memory_space<hbm>>) dst(%arg9 : memref<128xi32, #tpu.memory_space<vmem>>)
          tpu.yield
        }) : () -> ()
        "tpu.region"() ({
          %run_scoped3A = tpu.sem_alloc : memref<!tpu.dma_semaphore, #tpu.memory_space<semaphore_mem>>
          %dma_start3A_83 = tpu.memref_slice %arg5[%mul3A_77] : memref<80000xi32, #tpu.memory_space<hbm>> -> memref<128xi32, #tpu.memory_space<hbm>>
          %dma_start3A_84 = tpu.memref_slice %arg5[%mul3A_77] : memref<80000xi32, #tpu.memory_space<hbm>> -> memref<128xi32, #tpu.memory_space<hbm>>
          tpu.enqueue_dma source(%dma_start3A_84 : memref<128xi32, #tpu.memory_space<hbm>>) target(%arg10 : memref<128xi32, #tpu.memory_space<vmem>>) target_semaphore(%run_scoped3A : memref<!tpu.dma_semaphore, #tpu.memory_space<semaphore_mem>>)
          %dma_wait3A_85 = tpu.memref_slice %arg5[%mul3A_77] : memref<80000xi32, #tpu.memory_space<hbm>> -> memref<128xi32, #tpu.memory_space<hbm>>
          %dma_wait3A_86 = tpu.memref_slice %arg5[%mul3A_77] : memref<80000xi32, #tpu.memory_space<hbm>> -> memref<128xi32, #tpu.memory_space<hbm>>
          tpu.wait_dma2 semaphore(%run_scoped3A : memref<!tpu.dma_semaphore, #tpu.memory_space<semaphore_mem>>) src(%dma_wait3A_86 : memref<128xi32, #tpu.memory_space<hbm>>) dst(%arg10 : memref<128xi32, #tpu.memory_space<vmem>>)
          tpu.yield
        }) : () -> ()
        %dma_start3A = arith.constant 0 : i32
        %dma_start3A_78 = arith.constant 0 : i32
        %dma_start3A_79 = tpu.memref_slice %arg2[%dma_start3A, %dma_start3A_78] : memref<5000x128xf32, #tpu.memory_space<hbm>> -> memref<5000x128xf32, #tpu.memory_space<hbm>>
        tpu.enqueue_indirect_dma source(%dma_start3A_79 : memref<5000x128xf32, #tpu.memory_space<hbm>>) target(%arg11 : memref<128x128xf32, #tpu.memory_space<vmem>>) offsets(%arg9 : memref<128xi32, #tpu.memory_space<vmem>>) semaphore(%arg17 : memref<!tpu.dma_semaphore, #tpu.memory_space<semaphore_mem>>)
        %dma_wait3A = arith.constant 0 : i32
        %dma_wait3A_80 = arith.constant 0 : i32
        %dma_wait3A_81 = tpu.memref_slice %arg2[%dma_wait3A, %dma_wait3A_80] : memref<5000x128xf32, #tpu.memory_space<hbm>> -> memref<5000x128xf32, #tpu.memory_space<hbm>>
        tpu.wait_indirect_dma semaphore(%arg17 : memref<!tpu.dma_semaphore, #tpu.memory_space<semaphore_mem>>) src(%dma_wait3A_81 : memref<5000x128xf32, #tpu.memory_space<hbm>>) dst(%arg11 : memref<128x128xf32, #tpu.memory_space<vmem>>)
        "tpu.region"() ({
          %run_scoped3A = tpu.sem_alloc : memref<!tpu.dma_semaphore, #tpu.memory_space<semaphore_mem>>
          %dma_start3A_83 = arith.constant 0 : i32
          %dma_start3A_84 = arith.constant 0 : i32
          %dma_start3A_85 = tpu.memref_slice %arg15[%dma_start3A_83, %dma_start3A_84] : memref<5120x128xf32, #tpu.memory_space<vmem_shared>> -> memref<5120x128xf32, #tpu.memory_space<vmem_shared>>
          tpu.enqueue_indirect_dma source(%arg11 : memref<128x128xf32, #tpu.memory_space<vmem>>) target(%dma_start3A_85 : memref<5120x128xf32, #tpu.memory_space<vmem_shared>>) offsets(%arg10 : memref<128xi32, #tpu.memory_space<vmem>>) semaphore(%run_scoped3A : memref<!tpu.dma_semaphore, #tpu.memory_space<semaphore_mem>>) {add = true}
          %dma_wait3A_86 = arith.constant 0 : i32
          %dma_wait3A_87 = arith.constant 0 : i32
          %dma_wait3A_88 = tpu.memref_slice %arg15[%dma_wait3A_86, %dma_wait3A_87] : memref<5120x128xf32, #tpu.memory_space<vmem_shared>> -> memref<5120x128xf32, #tpu.memory_space<vmem_shared>>
          tpu.wait_indirect_dma semaphore(%run_scoped3A : memref<!tpu.dma_semaphore, #tpu.memory_space<semaphore_mem>>) src(%arg11 : memref<128x128xf32, #tpu.memory_space<vmem>>) dst(%dma_wait3A_88 : memref<5120x128xf32, #tpu.memory_space<vmem_shared>>)
          tpu.yield
        }) : () -> ()
        "tpu.region"() ({
          %run_scoped3A = tpu.sem_alloc : memref<!tpu.dma_semaphore, #tpu.memory_space<semaphore_mem>>
          %dma_start3A_83 = arith.constant 0 : i32
          %dma_start3A_84 = arith.constant 0 : i32
          %dma_start3A_85 = tpu.memref_slice %arg16[%dma_start3A_83, %dma_start3A_84] : memref<5120x16xf32, #tpu.memory_space<vmem_shared>> -> memref<5120x16xf32, #tpu.memory_space<vmem_shared>>
          tpu.enqueue_indirect_dma source(%arg12 : memref<128x16xf32, #tpu.memory_space<vmem>>) target(%dma_start3A_85 : memref<5120x16xf32, #tpu.memory_space<vmem_shared>>) offsets(%arg10 : memref<128xi32, #tpu.memory_space<vmem>>) semaphore(%run_scoped3A : memref<!tpu.dma_semaphore, #tpu.memory_space<semaphore_mem>>) {add = true}
          %dma_wait3A_86 = arith.constant 0 : i32
          %dma_wait3A_87 = arith.constant 0 : i32
          %dma_wait3A_88 = tpu.memref_slice %arg16[%dma_wait3A_86, %dma_wait3A_87] : memref<5120x16xf32, #tpu.memory_space<vmem_shared>> -> memref<5120x16xf32, #tpu.memory_space<vmem_shared>>
          tpu.wait_indirect_dma semaphore(%run_scoped3A : memref<!tpu.dma_semaphore, #tpu.memory_space<semaphore_mem>>) src(%arg12 : memref<128x16xf32, #tpu.memory_space<vmem>>) dst(%dma_wait3A_88 : memref<5120x16xf32, #tpu.memory_space<vmem_shared>>)
          tpu.yield
        }) : () -> ()
        %while3A_82 = arith.constant 0 : i32
        scf.yield %while3A_82 : i32
      }
      %while3A_69 = arith.constant 1 : i32
      %while3A_70 = scf.for %while3A_71 = %while3A_66 to %while3A_62 step %while3A_69 iter_args(%while3A_72 = %while3A_68) -> (i32)  : i32 {
        %mul3A_73 = arith.constant 16 : i32
        %mul3A_74 = arith.muli %while3A_71, %mul3A_73 : i32
        %add3A_75 = arith.addi %arg1, %mul3A_74 : i32
        %mul3A_76 = arith.constant 128 : i32
        %mul3A_77 = arith.muli %add3A_75, %mul3A_76 : i32
        "tpu.region"() ({
          %run_scoped3A = tpu.sem_alloc : memref<!tpu.dma_semaphore, #tpu.memory_space<semaphore_mem>>
          %dma_start3A_83 = tpu.memref_slice %arg4[%mul3A_77] : memref<80000xi32, #tpu.memory_space<hbm>> -> memref<128xi32, #tpu.memory_space<hbm>>
          %dma_start3A_84 = tpu.memref_slice %arg4[%mul3A_77] : memref<80000xi32, #tpu.memory_space<hbm>> -> memref<128xi32, #tpu.memory_space<hbm>>
          tpu.enqueue_dma source(%dma_start3A_84 : memref<128xi32, #tpu.memory_space<hbm>>) target(%arg9 : memref<128xi32, #tpu.memory_space<vmem>>) target_semaphore(%run_scoped3A : memref<!tpu.dma_semaphore, #tpu.memory_space<semaphore_mem>>)
          %dma_wait3A_85 = tpu.memref_slice %arg4[%mul3A_77] : memref<80000xi32, #tpu.memory_space<hbm>> -> memref<128xi32, #tpu.memory_space<hbm>>
          %dma_wait3A_86 = tpu.memref_slice %arg4[%mul3A_77] : memref<80000xi32, #tpu.memory_space<hbm>> -> memref<128xi32, #tpu.memory_space<hbm>>
          tpu.wait_dma2 semaphore(%run_scoped3A : memref<!tpu.dma_semaphore, #tpu.memory_space<semaphore_mem>>) src(%dma_wait3A_86 : memref<128xi32, #tpu.memory_space<hbm>>) dst(%arg9 : memref<128xi32, #tpu.memory_space<vmem>>)
          tpu.yield
        }) : () -> ()
        "tpu.region"() ({
          %run_scoped3A = tpu.sem_alloc : memref<!tpu.dma_semaphore, #tpu.memory_space<semaphore_mem>>
          %dma_start3A_83 = tpu.memref_slice %arg5[%mul3A_77] : memref<80000xi32, #tpu.memory_space<hbm>> -> memref<128xi32, #tpu.memory_space<hbm>>
          %dma_start3A_84 = tpu.memref_slice %arg5[%mul3A_77] : memref<80000xi32, #tpu.memory_space<hbm>> -> memref<128xi32, #tpu.memory_space<hbm>>
          tpu.enqueue_dma source(%dma_start3A_84 : memref<128xi32, #tpu.memory_space<hbm>>) target(%arg10 : memref<128xi32, #tpu.memory_space<vmem>>) target_semaphore(%run_scoped3A : memref<!tpu.dma_semaphore, #tpu.memory_space<semaphore_mem>>)
          %dma_wait3A_85 = tpu.memref_slice %arg5[%mul3A_77] : memref<80000xi32, #tpu.memory_space<hbm>> -> memref<128xi32, #tpu.memory_space<hbm>>
          %dma_wait3A_86 = tpu.memref_slice %arg5[%mul3A_77] : memref<80000xi32, #tpu.memory_space<hbm>> -> memref<128xi32, #tpu.memory_space<hbm>>
          tpu.wait_dma2 semaphore(%run_scoped3A : memref<!tpu.dma_semaphore, #tpu.memory_space<semaphore_mem>>) src(%dma_wait3A_86 : memref<128xi32, #tpu.memory_space<hbm>>) dst(%arg10 : memref<128xi32, #tpu.memory_space<vmem>>)
          tpu.yield
        }) : () -> ()
        %dma_start3A = arith.constant 0 : i32
        %dma_start3A_78 = arith.constant 0 : i32
        %dma_start3A_79 = tpu.memref_slice %arg2[%dma_start3A, %dma_start3A_78] : memref<5000x128xf32, #tpu.memory_space<hbm>> -> memref<5000x128xf32, #tpu.memory_space<hbm>>
        tpu.enqueue_indirect_dma source(%dma_start3A_79 : memref<5000x128xf32, #tpu.memory_space<hbm>>) target(%arg11 : memref<128x128xf32, #tpu.memory_space<vmem>>) offsets(%arg9 : memref<128xi32, #tpu.memory_space<vmem>>) semaphore(%arg17 : memref<!tpu.dma_semaphore, #tpu.memory_space<semaphore_mem>>)
        %dma_wait3A = arith.constant 0 : i32
        %dma_wait3A_80 = arith.constant 0 : i32
        %dma_wait3A_81 = tpu.memref_slice %arg2[%dma_wait3A, %dma_wait3A_80] : memref<5000x128xf32, #tpu.memory_space<hbm>> -> memref<5000x128xf32, #tpu.memory_space<hbm>>
        tpu.wait_indirect_dma semaphore(%arg17 : memref<!tpu.dma_semaphore, #tpu.memory_space<semaphore_mem>>) src(%dma_wait3A_81 : memref<5000x128xf32, #tpu.memory_space<hbm>>) dst(%arg11 : memref<128x128xf32, #tpu.memory_space<vmem>>)
        "tpu.region"() ({
          %run_scoped3A = tpu.sem_alloc : memref<!tpu.dma_semaphore, #tpu.memory_space<semaphore_mem>>
          %dma_start3A_83 = arith.constant 0 : i32
          %dma_start3A_84 = arith.constant 0 : i32
          %dma_start3A_85 = tpu.memref_slice %arg15[%dma_start3A_83, %dma_start3A_84] : memref<5120x128xf32, #tpu.memory_space<vmem_shared>> -> memref<5120x128xf32, #tpu.memory_space<vmem_shared>>
          tpu.enqueue_indirect_dma source(%arg11 : memref<128x128xf32, #tpu.memory_space<vmem>>) target(%dma_start3A_85 : memref<5120x128xf32, #tpu.memory_space<vmem_shared>>) offsets(%arg10 : memref<128xi32, #tpu.memory_space<vmem>>) semaphore(%run_scoped3A : memref<!tpu.dma_semaphore, #tpu.memory_space<semaphore_mem>>) {add = true}
          %dma_wait3A_86 = arith.constant 0 : i32
          %dma_wait3A_87 = arith.constant 0 : i32
          %dma_wait3A_88 = tpu.memref_slice %arg15[%dma_wait3A_86, %dma_wait3A_87] : memref<5120x128xf32, #tpu.memory_space<vmem_shared>> -> memref<5120x128xf32, #tpu.memory_space<vmem_shared>>
          tpu.wait_indirect_dma semaphore(%run_scoped3A : memref<!tpu.dma_semaphore, #tpu.memory_space<semaphore_mem>>) src(%arg11 : memref<128x128xf32, #tpu.memory_space<vmem>>) dst(%dma_wait3A_88 : memref<5120x128xf32, #tpu.memory_space<vmem_shared>>)
          tpu.yield
        }) : () -> ()
        "tpu.region"() ({
          %run_scoped3A = tpu.sem_alloc : memref<!tpu.dma_semaphore, #tpu.memory_space<semaphore_mem>>
          %dma_start3A_83 = arith.constant 0 : i32
          %dma_start3A_84 = arith.constant 0 : i32
          %dma_start3A_85 = tpu.memref_slice %arg16[%dma_start3A_83, %dma_start3A_84] : memref<5120x16xf32, #tpu.memory_space<vmem_shared>> -> memref<5120x16xf32, #tpu.memory_space<vmem_shared>>
          tpu.enqueue_indirect_dma source(%arg12 : memref<128x16xf32, #tpu.memory_space<vmem>>) target(%dma_start3A_85 : memref<5120x16xf32, #tpu.memory_space<vmem_shared>>) offsets(%arg10 : memref<128xi32, #tpu.memory_space<vmem>>) semaphore(%run_scoped3A : memref<!tpu.dma_semaphore, #tpu.memory_space<semaphore_mem>>) {add = true}
          %dma_wait3A_86 = arith.constant 0 : i32
          %dma_wait3A_87 = arith.constant 0 : i32
          %dma_wait3A_88 = tpu.memref_slice %arg16[%dma_wait3A_86, %dma_wait3A_87] : memref<5120x16xf32, #tpu.memory_space<vmem_shared>> -> memref<5120x16xf32, #tpu.memory_space<vmem_shared>>
          tpu.wait_indirect_dma semaphore(%run_scoped3A : memref<!tpu.dma_semaphore, #tpu.memory_space<semaphore_mem>>) src(%arg12 : memref<128x16xf32, #tpu.memory_space<vmem>>) dst(%dma_wait3A_88 : memref<5120x16xf32, #tpu.memory_space<vmem_shared>>)
          tpu.yield
        }) : () -> ()
        %while3A_82 = arith.constant 0 : i32
        scf.yield %while3A_82 : i32
      }
    } else {
    }
    %eq3A_44 = arith.constant 1 : i32
    %eq3A_45 = arith.cmpi eq, %arg0, %eq3A_44 : i32
    %convert_element_type3A_46 = arith.extui %eq3A_45 : i1 to i32
    %cond3A_47 = arith.constant 0 : i32
    %cond3A_48 = arith.cmpi ne, %convert_element_type3A_46, %cond3A_47 : i32
    scf.if %cond3A_48 {
      %while3A = arith.constant 0 : i32
      %while3A_60 = arith.constant 0 : i32
      %while3A_61 = arith.subi %select_n3A, %while3A : i32
      %while3A_62 = arith.addi %while3A, %while3A_61 : i32
      %while3A_63 = arith.constant 1 : i32
      %while3A_64 = arith.divsi %while3A_61, %while3A_63 : i32
      %while3A_65 = arith.muli %while3A_64, %while3A_63 : i32
      %while3A_66 = arith.addi %while3A, %while3A_65 : i32
      %while3A_67 = arith.constant 1 : i32
      %while3A_68 = scf.for %while3A_71 = %while3A to %while3A_66 step %while3A_67 iter_args(%while3A_72 = %while3A_60) -> (i32)  : i32 {
        %mul3A_73 = arith.constant 16 : i32
        %mul3A_74 = arith.muli %while3A_71, %mul3A_73 : i32
        %add3A_75 = arith.addi %arg1, %mul3A_74 : i32
        %mul3A_76 = arith.constant 128 : i32
        %mul3A_77 = arith.muli %add3A_75, %mul3A_76 : i32
        "tpu.region"() ({
          %run_scoped3A = tpu.sem_alloc : memref<!tpu.dma_semaphore, #tpu.memory_space<semaphore_mem>>
          %dma_start3A_83 = tpu.memref_slice %arg4[%mul3A_77] : memref<80000xi32, #tpu.memory_space<hbm>> -> memref<128xi32, #tpu.memory_space<hbm>>
          %dma_start3A_84 = tpu.memref_slice %arg4[%mul3A_77] : memref<80000xi32, #tpu.memory_space<hbm>> -> memref<128xi32, #tpu.memory_space<hbm>>
          tpu.enqueue_dma source(%dma_start3A_84 : memref<128xi32, #tpu.memory_space<hbm>>) target(%arg9 : memref<128xi32, #tpu.memory_space<vmem>>) target_semaphore(%run_scoped3A : memref<!tpu.dma_semaphore, #tpu.memory_space<semaphore_mem>>)
          %dma_wait3A_85 = tpu.memref_slice %arg4[%mul3A_77] : memref<80000xi32, #tpu.memory_space<hbm>> -> memref<128xi32, #tpu.memory_space<hbm>>
          %dma_wait3A_86 = tpu.memref_slice %arg4[%mul3A_77] : memref<80000xi32, #tpu.memory_space<hbm>> -> memref<128xi32, #tpu.memory_space<hbm>>
          tpu.wait_dma2 semaphore(%run_scoped3A : memref<!tpu.dma_semaphore, #tpu.memory_space<semaphore_mem>>) src(%dma_wait3A_86 : memref<128xi32, #tpu.memory_space<hbm>>) dst(%arg9 : memref<128xi32, #tpu.memory_space<vmem>>)
          tpu.yield
        }) : () -> ()
        "tpu.region"() ({
          %run_scoped3A = tpu.sem_alloc : memref<!tpu.dma_semaphore, #tpu.memory_space<semaphore_mem>>
          %dma_start3A_83 = tpu.memref_slice %arg5[%mul3A_77] : memref<80000xi32, #tpu.memory_space<hbm>> -> memref<128xi32, #tpu.memory_space<hbm>>
          %dma_start3A_84 = tpu.memref_slice %arg5[%mul3A_77] : memref<80000xi32, #tpu.memory_space<hbm>> -> memref<128xi32, #tpu.memory_space<hbm>>
          tpu.enqueue_dma source(%dma_start3A_84 : memref<128xi32, #tpu.memory_space<hbm>>) target(%arg10 : memref<128xi32, #tpu.memory_space<vmem>>) target_semaphore(%run_scoped3A : memref<!tpu.dma_semaphore, #tpu.memory_space<semaphore_mem>>)
          %dma_wait3A_85 = tpu.memref_slice %arg5[%mul3A_77] : memref<80000xi32, #tpu.memory_space<hbm>> -> memref<128xi32, #tpu.memory_space<hbm>>
          %dma_wait3A_86 = tpu.memref_slice %arg5[%mul3A_77] : memref<80000xi32, #tpu.memory_space<hbm>> -> memref<128xi32, #tpu.memory_space<hbm>>
          tpu.wait_dma2 semaphore(%run_scoped3A : memref<!tpu.dma_semaphore, #tpu.memory_space<semaphore_mem>>) src(%dma_wait3A_86 : memref<128xi32, #tpu.memory_space<hbm>>) dst(%arg10 : memref<128xi32, #tpu.memory_space<vmem>>)
          tpu.yield
        }) : () -> ()
        %dma_start3A = arith.constant 0 : i32
        %dma_start3A_78 = arith.constant 0 : i32
        %dma_start3A_79 = tpu.memref_slice %arg3[%dma_start3A, %dma_start3A_78] : memref<5000x128xf32, #tpu.memory_space<hbm>> -> memref<5000x128xf32, #tpu.memory_space<hbm>>
        tpu.enqueue_indirect_dma source(%dma_start3A_79 : memref<5000x128xf32, #tpu.memory_space<hbm>>) target(%arg11 : memref<128x128xf32, #tpu.memory_space<vmem>>) offsets(%arg9 : memref<128xi32, #tpu.memory_space<vmem>>) semaphore(%arg17 : memref<!tpu.dma_semaphore, #tpu.memory_space<semaphore_mem>>)
        %dma_wait3A = arith.constant 0 : i32
        %dma_wait3A_80 = arith.constant 0 : i32
        %dma_wait3A_81 = tpu.memref_slice %arg3[%dma_wait3A, %dma_wait3A_80] : memref<5000x128xf32, #tpu.memory_space<hbm>> -> memref<5000x128xf32, #tpu.memory_space<hbm>>
        tpu.wait_indirect_dma semaphore(%arg17 : memref<!tpu.dma_semaphore, #tpu.memory_space<semaphore_mem>>) src(%dma_wait3A_81 : memref<5000x128xf32, #tpu.memory_space<hbm>>) dst(%arg11 : memref<128x128xf32, #tpu.memory_space<vmem>>)
        "tpu.region"() ({
          %run_scoped3A = tpu.sem_alloc : memref<!tpu.dma_semaphore, #tpu.memory_space<semaphore_mem>>
          %dma_start3A_83 = arith.constant 0 : i32
          %dma_start3A_84 = arith.constant 0 : i32
          %dma_start3A_85 = tpu.memref_slice %arg15[%dma_start3A_83, %dma_start3A_84] : memref<5120x128xf32, #tpu.memory_space<vmem_shared>> -> memref<5120x128xf32, #tpu.memory_space<vmem_shared>>
          tpu.enqueue_indirect_dma source(%arg11 : memref<128x128xf32, #tpu.memory_space<vmem>>) target(%dma_start3A_85 : memref<5120x128xf32, #tpu.memory_space<vmem_shared>>) offsets(%arg10 : memref<128xi32, #tpu.memory_space<vmem>>) semaphore(%run_scoped3A : memref<!tpu.dma_semaphore, #tpu.memory_space<semaphore_mem>>) {add = true}
          %dma_wait3A_86 = arith.constant 0 : i32
          %dma_wait3A_87 = arith.constant 0 : i32
          %dma_wait3A_88 = tpu.memref_slice %arg15[%dma_wait3A_86, %dma_wait3A_87] : memref<5120x128xf32, #tpu.memory_space<vmem_shared>> -> memref<5120x128xf32, #tpu.memory_space<vmem_shared>>
          tpu.wait_indirect_dma semaphore(%run_scoped3A : memref<!tpu.dma_semaphore, #tpu.memory_space<semaphore_mem>>) src(%arg11 : memref<128x128xf32, #tpu.memory_space<vmem>>) dst(%dma_wait3A_88 : memref<5120x128xf32, #tpu.memory_space<vmem_shared>>)
          tpu.yield
        }) : () -> ()
        %while3A_82 = arith.constant 0 : i32
        scf.yield %while3A_82 : i32
      }
      %while3A_69 = arith.constant 1 : i32
      %while3A_70 = scf.for %while3A_71 = %while3A_66 to %while3A_62 step %while3A_69 iter_args(%while3A_72 = %while3A_68) -> (i32)  : i32 {
        %mul3A_73 = arith.constant 16 : i32
        %mul3A_74 = arith.muli %while3A_71, %mul3A_73 : i32
        %add3A_75 = arith.addi %arg1, %mul3A_74 : i32
        %mul3A_76 = arith.constant 128 : i32
        %mul3A_77 = arith.muli %add3A_75, %mul3A_76 : i32
        "tpu.region"() ({
          %run_scoped3A = tpu.sem_alloc : memref<!tpu.dma_semaphore, #tpu.memory_space<semaphore_mem>>
          %dma_start3A_83 = tpu.memref_slice %arg4[%mul3A_77] : memref<80000xi32, #tpu.memory_space<hbm>> -> memref<128xi32, #tpu.memory_space<hbm>>
          %dma_start3A_84 = tpu.memref_slice %arg4[%mul3A_77] : memref<80000xi32, #tpu.memory_space<hbm>> -> memref<128xi32, #tpu.memory_space<hbm>>
          tpu.enqueue_dma source(%dma_start3A_84 : memref<128xi32, #tpu.memory_space<hbm>>) target(%arg9 : memref<128xi32, #tpu.memory_space<vmem>>) target_semaphore(%run_scoped3A : memref<!tpu.dma_semaphore, #tpu.memory_space<semaphore_mem>>)
          %dma_wait3A_85 = tpu.memref_slice %arg4[%mul3A_77] : memref<80000xi32, #tpu.memory_space<hbm>> -> memref<128xi32, #tpu.memory_space<hbm>>
          %dma_wait3A_86 = tpu.memref_slice %arg4[%mul3A_77] : memref<80000xi32, #tpu.memory_space<hbm>> -> memref<128xi32, #tpu.memory_space<hbm>>
          tpu.wait_dma2 semaphore(%run_scoped3A : memref<!tpu.dma_semaphore, #tpu.memory_space<semaphore_mem>>) src(%dma_wait3A_86 : memref<128xi32, #tpu.memory_space<hbm>>) dst(%arg9 : memref<128xi32, #tpu.memory_space<vmem>>)
          tpu.yield
        }) : () -> ()
        "tpu.region"() ({
          %run_scoped3A = tpu.sem_alloc : memref<!tpu.dma_semaphore, #tpu.memory_space<semaphore_mem>>
          %dma_start3A_83 = tpu.memref_slice %arg5[%mul3A_77] : memref<80000xi32, #tpu.memory_space<hbm>> -> memref<128xi32, #tpu.memory_space<hbm>>
          %dma_start3A_84 = tpu.memref_slice %arg5[%mul3A_77] : memref<80000xi32, #tpu.memory_space<hbm>> -> memref<128xi32, #tpu.memory_space<hbm>>
          tpu.enqueue_dma source(%dma_start3A_84 : memref<128xi32, #tpu.memory_space<hbm>>) target(%arg10 : memref<128xi32, #tpu.memory_space<vmem>>) target_semaphore(%run_scoped3A : memref<!tpu.dma_semaphore, #tpu.memory_space<semaphore_mem>>)
          %dma_wait3A_85 = tpu.memref_slice %arg5[%mul3A_77] : memref<80000xi32, #tpu.memory_space<hbm>> -> memref<128xi32, #tpu.memory_space<hbm>>
          %dma_wait3A_86 = tpu.memref_slice %arg5[%mul3A_77] : memref<80000xi32, #tpu.memory_space<hbm>> -> memref<128xi32, #tpu.memory_space<hbm>>
          tpu.wait_dma2 semaphore(%run_scoped3A : memref<!tpu.dma_semaphore, #tpu.memory_space<semaphore_mem>>) src(%dma_wait3A_86 : memref<128xi32, #tpu.memory_space<hbm>>) dst(%arg10 : memref<128xi32, #tpu.memory_space<vmem>>)
          tpu.yield
        }) : () -> ()
        %dma_start3A = arith.constant 0 : i32
        %dma_start3A_78 = arith.constant 0 : i32
        %dma_start3A_79 = tpu.memref_slice %arg3[%dma_start3A, %dma_start3A_78] : memref<5000x128xf32, #tpu.memory_space<hbm>> -> memref<5000x128xf32, #tpu.memory_space<hbm>>
        tpu.enqueue_indirect_dma source(%dma_start3A_79 : memref<5000x128xf32, #tpu.memory_space<hbm>>) target(%arg11 : memref<128x128xf32, #tpu.memory_space<vmem>>) offsets(%arg9 : memref<128xi32, #tpu.memory_space<vmem>>) semaphore(%arg17 : memref<!tpu.dma_semaphore, #tpu.memory_space<semaphore_mem>>)
        %dma_wait3A = arith.constant 0 : i32
        %dma_wait3A_80 = arith.constant 0 : i32
        %dma_wait3A_81 = tpu.memref_slice %arg3[%dma_wait3A, %dma_wait3A_80] : memref<5000x128xf32, #tpu.memory_space<hbm>> -> memref<5000x128xf32, #tpu.memory_space<hbm>>
        tpu.wait_indirect_dma semaphore(%arg17 : memref<!tpu.dma_semaphore, #tpu.memory_space<semaphore_mem>>) src(%dma_wait3A_81 : memref<5000x128xf32, #tpu.memory_space<hbm>>) dst(%arg11 : memref<128x128xf32, #tpu.memory_space<vmem>>)
        "tpu.region"() ({
          %run_scoped3A = tpu.sem_alloc : memref<!tpu.dma_semaphore, #tpu.memory_space<semaphore_mem>>
          %dma_start3A_83 = arith.constant 0 : i32
          %dma_start3A_84 = arith.constant 0 : i32
          %dma_start3A_85 = tpu.memref_slice %arg15[%dma_start3A_83, %dma_start3A_84] : memref<5120x128xf32, #tpu.memory_space<vmem_shared>> -> memref<5120x128xf32, #tpu.memory_space<vmem_shared>>
          tpu.enqueue_indirect_dma source(%arg11 : memref<128x128xf32, #tpu.memory_space<vmem>>) target(%dma_start3A_85 : memref<5120x128xf32, #tpu.memory_space<vmem_shared>>) offsets(%arg10 : memref<128xi32, #tpu.memory_space<vmem>>) semaphore(%run_scoped3A : memref<!tpu.dma_semaphore, #tpu.memory_space<semaphore_mem>>) {add = true}
          %dma_wait3A_86 = arith.constant 0 : i32
          %dma_wait3A_87 = arith.constant 0 : i32
          %dma_wait3A_88 = tpu.memref_slice %arg15[%dma_wait3A_86, %dma_wait3A_87] : memref<5120x128xf32, #tpu.memory_space<vmem_shared>> -> memref<5120x128xf32, #tpu.memory_space<vmem_shared>>
          tpu.wait_indirect_dma semaphore(%run_scoped3A : memref<!tpu.dma_semaphore, #tpu.memory_space<semaphore_mem>>) src(%arg11 : memref<128x128xf32, #tpu.memory_space<vmem>>) dst(%dma_wait3A_88 : memref<5120x128xf32, #tpu.memory_space<vmem_shared>>)
          tpu.yield
        }) : () -> ()
        %while3A_82 = arith.constant 0 : i32
        scf.yield %while3A_82 : i32
      }
    } else {
    }
    %barrier3A_49 = arith.constant 0 : index
    tpu.barrier barrier_id(%barrier3A_49)
    %eq3A_50 = arith.constant 0 : i32
    %eq3A_51 = arith.cmpi eq, %arg0, %eq3A_50 : i32
    %convert_element_type3A_52 = arith.extui %eq3A_51 : i1 to i32
    %cond3A_53 = arith.constant 0 : i32
    %cond3A_54 = arith.cmpi ne, %convert_element_type3A_52, %cond3A_53 : i32
    scf.if %cond3A_54 {
      "tpu.region"() ({
        %run_scoped3A = tpu.sem_alloc : memref<!tpu.dma_semaphore, #tpu.memory_space<semaphore_mem>>
        %dma_start3A = arith.constant 0 : i32
        %dma_start3A_60 = tpu.memref_slice %arg6[%multiple_of3A, %dma_start3A] : memref<5120x128xf32, #tpu.memory_space<hbm>> -> memref<320x128xf32, #tpu.memory_space<hbm>>
        %dma_start3A_61 = arith.constant 0 : i32
        %dma_start3A_62 = tpu.memref_slice %arg15[%multiple_of3A, %dma_start3A_61] : memref<5120x128xf32, #tpu.memory_space<vmem_shared>> -> memref<320x128xf32, #tpu.memory_space<vmem_shared>>
        tpu.enqueue_dma source(%dma_start3A_62 : memref<320x128xf32, #tpu.memory_space<vmem_shared>>) target(%dma_start3A_60 : memref<320x128xf32, #tpu.memory_space<hbm>>) target_semaphore(%run_scoped3A : memref<!tpu.dma_semaphore, #tpu.memory_space<semaphore_mem>>)
        %dma_wait3A = arith.constant 0 : i32
        %dma_wait3A_63 = tpu.memref_slice %arg6[%multiple_of3A, %dma_wait3A] : memref<5120x128xf32, #tpu.memory_space<hbm>> -> memref<320x128xf32, #tpu.memory_space<hbm>>
        %dma_wait3A_64 = arith.constant 0 : i32
        %dma_wait3A_65 = tpu.memref_slice %arg15[%multiple_of3A, %dma_wait3A_64] : memref<5120x128xf32, #tpu.memory_space<vmem_shared>> -> memref<320x128xf32, #tpu.memory_space<vmem_shared>>
        tpu.wait_dma2 semaphore(%run_scoped3A : memref<!tpu.dma_semaphore, #tpu.memory_space<semaphore_mem>>) src(%dma_wait3A_65 : memref<320x128xf32, #tpu.memory_space<vmem_shared>>) dst(%dma_wait3A_63 : memref<320x128xf32, #tpu.memory_space<hbm>>)
        tpu.yield
      }) : () -> ()
      "tpu.region"() ({
        %run_scoped3A = tpu.sem_alloc : memref<!tpu.dma_semaphore, #tpu.memory_space<semaphore_mem>>
        %dma_start3A = arith.constant 0 : i32
        %dma_start3A_60 = tpu.memref_slice %arg8[%multiple_of3A, %dma_start3A] : memref<5120x16xf32, #tpu.memory_space<hbm>> -> memref<320x16xf32, #tpu.memory_space<hbm>>
        %dma_start3A_61 = arith.constant 0 : i32
        %dma_start3A_62 = tpu.memref_slice %arg16[%multiple_of3A, %dma_start3A_61] : memref<5120x16xf32, #tpu.memory_space<vmem_shared>> -> memref<320x16xf32, #tpu.memory_space<vmem_shared>>
        tpu.enqueue_dma source(%dma_start3A_62 : memref<320x16xf32, #tpu.memory_space<vmem_shared>>) target(%dma_start3A_60 : memref<320x16xf32, #tpu.memory_space<hbm>>) target_semaphore(%run_scoped3A : memref<!tpu.dma_semaphore, #tpu.memory_space<semaphore_mem>>)
        %dma_wait3A = arith.constant 0 : i32
        %dma_wait3A_63 = tpu.memref_slice %arg8[%multiple_of3A, %dma_wait3A] : memref<5120x16xf32, #tpu.memory_space<hbm>> -> memref<320x16xf32, #tpu.memory_space<hbm>>
        %dma_wait3A_64 = arith.constant 0 : i32
        %dma_wait3A_65 = tpu.memref_slice %arg16[%multiple_of3A, %dma_wait3A_64] : memref<5120x16xf32, #tpu.memory_space<vmem_shared>> -> memref<320x16xf32, #tpu.memory_space<vmem_shared>>
        tpu.wait_dma2 semaphore(%run_scoped3A : memref<!tpu.dma_semaphore, #tpu.memory_space<semaphore_mem>>) src(%dma_wait3A_65 : memref<320x16xf32, #tpu.memory_space<vmem_shared>>) dst(%dma_wait3A_63 : memref<320x16xf32, #tpu.memory_space<hbm>>)
        tpu.yield
      }) : () -> ()
    } else {
    }
    %eq3A_55 = arith.constant 1 : i32
    %eq3A_56 = arith.cmpi eq, %arg0, %eq3A_55 : i32
    %convert_element_type3A_57 = arith.extui %eq3A_56 : i1 to i32
    %cond3A_58 = arith.constant 0 : i32
    %cond3A_59 = arith.cmpi ne, %convert_element_type3A_57, %cond3A_58 : i32
    scf.if %cond3A_59 {
      "tpu.region"() ({
        %run_scoped3A = tpu.sem_alloc : memref<!tpu.dma_semaphore, #tpu.memory_space<semaphore_mem>>
        %dma_start3A = arith.constant 0 : i32
        %dma_start3A_60 = tpu.memref_slice %arg7[%multiple_of3A, %dma_start3A] : memref<5120x128xf32, #tpu.memory_space<hbm>> -> memref<320x128xf32, #tpu.memory_space<hbm>>
        %dma_start3A_61 = arith.constant 0 : i32
        %dma_start3A_62 = tpu.memref_slice %arg15[%multiple_of3A, %dma_start3A_61] : memref<5120x128xf32, #tpu.memory_space<vmem_shared>> -> memref<320x128xf32, #tpu.memory_space<vmem_shared>>
        tpu.enqueue_dma source(%dma_start3A_62 : memref<320x128xf32, #tpu.memory_space<vmem_shared>>) target(%dma_start3A_60 : memref<320x128xf32, #tpu.memory_space<hbm>>) target_semaphore(%run_scoped3A : memref<!tpu.dma_semaphore, #tpu.memory_space<semaphore_mem>>)
        %dma_wait3A = arith.constant 0 : i32
        %dma_wait3A_63 = tpu.memref_slice %arg7[%multiple_of3A, %dma_wait3A] : memref<5120x128xf32, #tpu.memory_space<hbm>> -> memref<320x128xf32, #tpu.memory_space<hbm>>
        %dma_wait3A_64 = arith.constant 0 : i32
        %dma_wait3A_65 = tpu.memref_slice %arg15[%multiple_of3A, %dma_wait3A_64] : memref<5120x128xf32, #tpu.memory_space<vmem_shared>> -> memref<320x128xf32, #tpu.memory_space<vmem_shared>>
        tpu.wait_dma2 semaphore(%run_scoped3A : memref<!tpu.dma_semaphore, #tpu.memory_space<semaphore_mem>>) src(%dma_wait3A_65 : memref<320x128xf32, #tpu.memory_space<vmem_shared>>) dst(%dma_wait3A_63 : memref<320x128xf32, #tpu.memory_space<hbm>>)
        tpu.yield
      }) : () -> ()
    } else {
    }
    return
  }
}

#map = affine_map<(d0, d1) -> (0, 0)>
#map1 = affine_map<(d0, d1) -> (0)>
module attributes {stable_mosaic.version = 14 : i64} {
  func.func @agg(%arg0: i32, %arg1: i32, %arg2: memref<1024x128xf32, #tpu.memory_space<hbm>>, %arg3: memref<1024x128xf32, #tpu.memory_space<hbm>>, %arg4: memref<16384xi32, #tpu.memory_space<hbm>>, %arg5: memref<16384xi32, #tpu.memory_space<hbm>>, %arg6: memref<1024x128xf32, #tpu.memory_space<hbm>>, %arg7: memref<1024x128xf32, #tpu.memory_space<hbm>>, %arg8: memref<1024x16xf32, #tpu.memory_space<hbm>>, %arg9: memref<128xi32, #tpu.memory_space<vmem>>, %arg10: memref<128xi32, #tpu.memory_space<vmem>>, %arg11: memref<128x128xf32, #tpu.memory_space<vmem>>, %arg12: memref<128x16xf32, #tpu.memory_space<vmem>>, %arg13: memref<128x128xf32, #tpu.memory_space<vmem>>, %arg14: memref<128x16xf32, #tpu.memory_space<vmem>>, %arg15: memref<1024x128xf32, #tpu.memory_space<vmem_shared>>, %arg16: memref<1024x16xf32, #tpu.memory_space<vmem_shared>>, %arg17: memref<!tpu.dma_semaphore, #tpu.memory_space<semaphore_mem>>) attributes {dimension_semantics = [#tpu.dimension_semantics<core_parallel>, #tpu.dimension_semantics<subcore_parallel>], iteration_bounds = array<i64: 2, 16>, scalar_prefetch = 0 : i64, scratch_operands = 9 : i64, tpu.core_type = #tpu.core_type<sc_vector_subcore>, window_params = [{transform_indices = #map}, {transform_indices = #map}, {transform_indices = #map1}, {transform_indices = #map1}, {transform_indices = #map}, {transform_indices = #map}, {transform_indices = #map}]} {
    %broadcast_in_dim3A = arith.constant 0.000000e+00 : f32
    %broadcast_in_dim3A_0 = vector.broadcast %broadcast_in_dim3A : f32 to vector<16xf32>
    %broadcast_in_dim3A_1 = arith.constant 1.000000e+00 : f32
    %broadcast_in_dim3A_2 = vector.broadcast %broadcast_in_dim3A_1 : f32 to vector<16xf32>
    %scan3A = arith.constant 0 : i32
    %scan3A_3 = arith.constant 0 : i32
    %scan3A_4 = arith.constant 128 : i32
    %scan3A_5 = arith.addi %scan3A_3, %scan3A_4 : i32
    %scan3A_6 = arith.constant 1 : i32
    %scan3A_7 = scf.for %scan3A_56 = %scan3A_3 to %scan3A_5 step %scan3A_6 iter_args(%scan3A_57 = %scan3A) -> (i32)  : i32 {
      %swap3A = arith.index_cast %scan3A_56 : i32 to index
      %swap3A_58 = arith.constant 0 : index
      %swap3A_59 = tpu.vector_load %arg13[%swap3A, %swap3A_58] {strides = array<i32>} : memref<128x128xf32, #tpu.memory_space<vmem>>, vector<1x16xf32>,
      %swap3A_60 = vector.shape_cast %swap3A_59 : vector<1x16xf32> to vector<16xf32>
      %swap3A_61 = vector.shape_cast %broadcast_in_dim3A_0 : vector<16xf32> to vector<1x16xf32>
      tpu.vector_store %arg13[%swap3A, %swap3A_58], %swap3A_61 {strides = array<i32>} : memref<128x128xf32, #tpu.memory_space<vmem>>, vector<1x16xf32>,
      %swap3A_62 = arith.index_cast %scan3A_56 : i32 to index
      %swap3A_63 = arith.constant 16 : index
      %swap3A_64 = tpu.vector_load %arg13[%swap3A_62, %swap3A_63] {strides = array<i32>} : memref<128x128xf32, #tpu.memory_space<vmem>>, vector<1x16xf32>,
      %swap3A_65 = vector.shape_cast %swap3A_64 : vector<1x16xf32> to vector<16xf32>
      %swap3A_66 = vector.shape_cast %broadcast_in_dim3A_0 : vector<16xf32> to vector<1x16xf32>
      tpu.vector_store %arg13[%swap3A_62, %swap3A_63], %swap3A_66 {strides = array<i32>} : memref<128x128xf32, #tpu.memory_space<vmem>>, vector<1x16xf32>,
      %swap3A_67 = arith.index_cast %scan3A_56 : i32 to index
      %swap3A_68 = arith.constant 32 : index
      %swap3A_69 = tpu.vector_load %arg13[%swap3A_67, %swap3A_68] {strides = array<i32>} : memref<128x128xf32, #tpu.memory_space<vmem>>, vector<1x16xf32>,
      %swap3A_70 = vector.shape_cast %swap3A_69 : vector<1x16xf32> to vector<16xf32>
      %swap3A_71 = vector.shape_cast %broadcast_in_dim3A_0 : vector<16xf32> to vector<1x16xf32>
      tpu.vector_store %arg13[%swap3A_67, %swap3A_68], %swap3A_71 {strides = array<i32>} : memref<128x128xf32, #tpu.memory_space<vmem>>, vector<1x16xf32>,
      %swap3A_72 = arith.index_cast %scan3A_56 : i32 to index
      %swap3A_73 = arith.constant 48 : index
      %swap3A_74 = tpu.vector_load %arg13[%swap3A_72, %swap3A_73] {strides = array<i32>} : memref<128x128xf32, #tpu.memory_space<vmem>>, vector<1x16xf32>,
      %swap3A_75 = vector.shape_cast %swap3A_74 : vector<1x16xf32> to vector<16xf32>
      %swap3A_76 = vector.shape_cast %broadcast_in_dim3A_0 : vector<16xf32> to vector<1x16xf32>
      tpu.vector_store %arg13[%swap3A_72, %swap3A_73], %swap3A_76 {strides = array<i32>} : memref<128x128xf32, #tpu.memory_space<vmem>>, vector<1x16xf32>,
      %swap3A_77 = arith.index_cast %scan3A_56 : i32 to index
      %swap3A_78 = arith.constant 64 : index
      %swap3A_79 = tpu.vector_load %arg13[%swap3A_77, %swap3A_78] {strides = array<i32>} : memref<128x128xf32, #tpu.memory_space<vmem>>, vector<1x16xf32>,
      %swap3A_80 = vector.shape_cast %swap3A_79 : vector<1x16xf32> to vector<16xf32>
      %swap3A_81 = vector.shape_cast %broadcast_in_dim3A_0 : vector<16xf32> to vector<1x16xf32>
      tpu.vector_store %arg13[%swap3A_77, %swap3A_78], %swap3A_81 {strides = array<i32>} : memref<128x128xf32, #tpu.memory_space<vmem>>, vector<1x16xf32>,
      %swap3A_82 = arith.index_cast %scan3A_56 : i32 to index
      %swap3A_83 = arith.constant 80 : index
      %swap3A_84 = tpu.vector_load %arg13[%swap3A_82, %swap3A_83] {strides = array<i32>} : memref<128x128xf32, #tpu.memory_space<vmem>>, vector<1x16xf32>,
      %swap3A_85 = vector.shape_cast %swap3A_84 : vector<1x16xf32> to vector<16xf32>
      %swap3A_86 = vector.shape_cast %broadcast_in_dim3A_0 : vector<16xf32> to vector<1x16xf32>
      tpu.vector_store %arg13[%swap3A_82, %swap3A_83], %swap3A_86 {strides = array<i32>} : memref<128x128xf32, #tpu.memory_space<vmem>>, vector<1x16xf32>,
      %swap3A_87 = arith.index_cast %scan3A_56 : i32 to index
      %swap3A_88 = arith.constant 96 : index
      %swap3A_89 = tpu.vector_load %arg13[%swap3A_87, %swap3A_88] {strides = array<i32>} : memref<128x128xf32, #tpu.memory_space<vmem>>, vector<1x16xf32>,
      %swap3A_90 = vector.shape_cast %swap3A_89 : vector<1x16xf32> to vector<16xf32>
      %swap3A_91 = vector.shape_cast %broadcast_in_dim3A_0 : vector<16xf32> to vector<1x16xf32>
      tpu.vector_store %arg13[%swap3A_87, %swap3A_88], %swap3A_91 {strides = array<i32>} : memref<128x128xf32, #tpu.memory_space<vmem>>, vector<1x16xf32>,
      %swap3A_92 = arith.index_cast %scan3A_56 : i32 to index
      %swap3A_93 = arith.constant 112 : index
      %swap3A_94 = tpu.vector_load %arg13[%swap3A_92, %swap3A_93] {strides = array<i32>} : memref<128x128xf32, #tpu.memory_space<vmem>>, vector<1x16xf32>,
      %swap3A_95 = vector.shape_cast %swap3A_94 : vector<1x16xf32> to vector<16xf32>
      %swap3A_96 = vector.shape_cast %broadcast_in_dim3A_0 : vector<16xf32> to vector<1x16xf32>
      tpu.vector_store %arg13[%swap3A_92, %swap3A_93], %swap3A_96 {strides = array<i32>} : memref<128x128xf32, #tpu.memory_space<vmem>>, vector<1x16xf32>,
      %swap3A_97 = arith.index_cast %scan3A_56 : i32 to index
      %swap3A_98 = arith.constant 0 : index
      %swap3A_99 = tpu.vector_load %arg14[%swap3A_97, %swap3A_98] {strides = array<i32>} : memref<128x16xf32, #tpu.memory_space<vmem>>, vector<1x16xf32>,
      %swap3A_100 = vector.shape_cast %swap3A_99 : vector<1x16xf32> to vector<16xf32>
      %swap3A_101 = vector.shape_cast %broadcast_in_dim3A_0 : vector<16xf32> to vector<1x16xf32>
      tpu.vector_store %arg14[%swap3A_97, %swap3A_98], %swap3A_101 {strides = array<i32>} : memref<128x16xf32, #tpu.memory_space<vmem>>, vector<1x16xf32>,
      %swap3A_102 = arith.index_cast %scan3A_56 : i32 to index
      %swap3A_103 = arith.constant 0 : index
      %swap3A_104 = tpu.vector_load %arg12[%swap3A_102, %swap3A_103] {strides = array<i32>} : memref<128x16xf32, #tpu.memory_space<vmem>>, vector<1x16xf32>,
      %swap3A_105 = vector.shape_cast %swap3A_104 : vector<1x16xf32> to vector<16xf32>
      %swap3A_106 = vector.shape_cast %broadcast_in_dim3A_2 : vector<16xf32> to vector<1x16xf32>
      tpu.vector_store %arg12[%swap3A_102, %swap3A_103], %swap3A_106 {strides = array<i32>} : memref<128x16xf32, #tpu.memory_space<vmem>>, vector<1x16xf32>,
      %scan3A_107 = arith.constant 0 : i32
      scf.yield %scan3A_107 : i32
    }
    %scan3A_8 = arith.constant 128 : i32
    %mul3A = arith.constant 64 : i32
    %mul3A_9 = arith.muli %arg1, %mul3A : i32
    %multiple_of3A = tpu.assume_multiple %mul3A_9, 8 : i32
    %add3A = arith.constant 0 : i32
    %add3A_10 = arith.addi %multiple_of3A, %add3A : i32
    "tpu.region"() ({
      %run_scoped3A = tpu.sem_alloc : memref<!tpu.dma_semaphore, #tpu.memory_space<semaphore_mem>>
      %dma_start3A = arith.constant 0 : i32
      %dma_start3A_56 = arith.constant 0 : i32
      %dma_start3A_57 = tpu.memref_slice %arg13[%dma_start3A, %dma_start3A_56] : memref<128x128xf32, #tpu.memory_space<vmem>> -> memref<64x128xf32, #tpu.memory_space<vmem>>
      %dma_start3A_58 = arith.constant 0 : i32
      %dma_start3A_59 = tpu.memref_slice %arg15[%add3A_10, %dma_start3A_58] : memref<1024x128xf32, #tpu.memory_space<vmem_shared>> -> memref<64x128xf32, #tpu.memory_space<vmem_shared>>
      %dma_start3A_60 = arith.constant 0 : i32
      %dma_start3A_61 = tpu.memref_slice %arg15[%add3A_10, %dma_start3A_60] : memref<1024x128xf32, #tpu.memory_space<vmem_shared>> -> memref<64x128xf32, #tpu.memory_space<vmem_shared>>
      %dma_start3A_62 = arith.constant 0 : i32
      %dma_start3A_63 = arith.constant 0 : i32
      %dma_start3A_64 = tpu.memref_slice %arg13[%dma_start3A_62, %dma_start3A_63] : memref<128x128xf32, #tpu.memory_space<vmem>> -> memref<64x128xf32, #tpu.memory_space<vmem>>
      tpu.enqueue_dma source(%dma_start3A_64 : memref<64x128xf32, #tpu.memory_space<vmem>>) target(%dma_start3A_61 : memref<64x128xf32, #tpu.memory_space<vmem_shared>>) target_semaphore(%run_scoped3A : memref<!tpu.dma_semaphore, #tpu.memory_space<semaphore_mem>>)
      %dma_wait3A = arith.constant 0 : i32
      %dma_wait3A_65 = arith.constant 0 : i32
      %dma_wait3A_66 = tpu.memref_slice %arg13[%dma_wait3A, %dma_wait3A_65] : memref<128x128xf32, #tpu.memory_space<vmem>> -> memref<64x128xf32, #tpu.memory_space<vmem>>
      %dma_wait3A_67 = arith.constant 0 : i32
      %dma_wait3A_68 = tpu.memref_slice %arg15[%add3A_10, %dma_wait3A_67] : memref<1024x128xf32, #tpu.memory_space<vmem_shared>> -> memref<64x128xf32, #tpu.memory_space<vmem_shared>>
      %dma_wait3A_69 = arith.constant 0 : i32
      %dma_wait3A_70 = tpu.memref_slice %arg15[%add3A_10, %dma_wait3A_69] : memref<1024x128xf32, #tpu.memory_space<vmem_shared>> -> memref<64x128xf32, #tpu.memory_space<vmem_shared>>
      %dma_wait3A_71 = arith.constant 0 : i32
      %dma_wait3A_72 = arith.constant 0 : i32
      %dma_wait3A_73 = tpu.memref_slice %arg13[%dma_wait3A_71, %dma_wait3A_72] : memref<128x128xf32, #tpu.memory_space<vmem>> -> memref<64x128xf32, #tpu.memory_space<vmem>>
      tpu.wait_dma2 semaphore(%run_scoped3A : memref<!tpu.dma_semaphore, #tpu.memory_space<semaphore_mem>>) src(%dma_wait3A_73 : memref<64x128xf32, #tpu.memory_space<vmem>>) dst(%dma_wait3A_70 : memref<64x128xf32, #tpu.memory_space<vmem_shared>>)
      tpu.yield
    }) : () -> ()
    %eq3A = arith.constant 0 : i32
    %eq3A_11 = arith.cmpi eq, %arg0, %eq3A : i32
    %convert_element_type3A = arith.extui %eq3A_11 : i1 to i32
    %cond3A = arith.constant 0 : i32
    %cond3A_12 = arith.cmpi ne, %convert_element_type3A, %cond3A : i32
    scf.if %cond3A_12 {
      %add3A_56 = arith.constant 0 : i32
      %add3A_57 = arith.addi %multiple_of3A, %add3A_56 : i32
      "tpu.region"() ({
        %run_scoped3A = tpu.sem_alloc : memref<!tpu.dma_semaphore, #tpu.memory_space<semaphore_mem>>
        %dma_start3A = arith.constant 0 : i32
        %dma_start3A_58 = arith.constant 0 : i32
        %dma_start3A_59 = tpu.memref_slice %arg14[%dma_start3A, %dma_start3A_58] : memref<128x16xf32, #tpu.memory_space<vmem>> -> memref<64x16xf32, #tpu.memory_space<vmem>>
        %dma_start3A_60 = arith.constant 0 : i32
        %dma_start3A_61 = tpu.memref_slice %arg16[%add3A_57, %dma_start3A_60] : memref<1024x16xf32, #tpu.memory_space<vmem_shared>> -> memref<64x16xf32, #tpu.memory_space<vmem_shared>>
        %dma_start3A_62 = arith.constant 0 : i32
        %dma_start3A_63 = tpu.memref_slice %arg16[%add3A_57, %dma_start3A_62] : memref<1024x16xf32, #tpu.memory_space<vmem_shared>> -> memref<64x16xf32, #tpu.memory_space<vmem_shared>>
        %dma_start3A_64 = arith.constant 0 : i32
        %dma_start3A_65 = arith.constant 0 : i32
        %dma_start3A_66 = tpu.memref_slice %arg14[%dma_start3A_64, %dma_start3A_65] : memref<128x16xf32, #tpu.memory_space<vmem>> -> memref<64x16xf32, #tpu.memory_space<vmem>>
        tpu.enqueue_dma source(%dma_start3A_66 : memref<64x16xf32, #tpu.memory_space<vmem>>) target(%dma_start3A_63 : memref<64x16xf32, #tpu.memory_space<vmem_shared>>) target_semaphore(%run_scoped3A : memref<!tpu.dma_semaphore, #tpu.memory_space<semaphore_mem>>)
        %dma_wait3A = arith.constant 0 : i32
        %dma_wait3A_67 = arith.constant 0 : i32
        %dma_wait3A_68 = tpu.memref_slice %arg14[%dma_wait3A, %dma_wait3A_67] : memref<128x16xf32, #tpu.memory_space<vmem>> -> memref<64x16xf32, #tpu.memory_space<vmem>>
        %dma_wait3A_69 = arith.constant 0 : i32
        %dma_wait3A_70 = tpu.memref_slice %arg16[%add3A_57, %dma_wait3A_69] : memref<1024x16xf32, #tpu.memory_space<vmem_shared>> -> memref<64x16xf32, #tpu.memory_space<vmem_shared>>
        %dma_wait3A_71 = arith.constant 0 : i32
        %dma_wait3A_72 = tpu.memref_slice %arg16[%add3A_57, %dma_wait3A_71] : memref<1024x16xf32, #tpu.memory_space<vmem_shared>> -> memref<64x16xf32, #tpu.memory_space<vmem_shared>>
        %dma_wait3A_73 = arith.constant 0 : i32
        %dma_wait3A_74 = arith.constant 0 : i32
        %dma_wait3A_75 = tpu.memref_slice %arg14[%dma_wait3A_73, %dma_wait3A_74] : memref<128x16xf32, #tpu.memory_space<vmem>> -> memref<64x16xf32, #tpu.memory_space<vmem>>
        tpu.wait_dma2 semaphore(%run_scoped3A : memref<!tpu.dma_semaphore, #tpu.memory_space<semaphore_mem>>) src(%dma_wait3A_75 : memref<64x16xf32, #tpu.memory_space<vmem>>) dst(%dma_wait3A_72 : memref<64x16xf32, #tpu.memory_space<vmem_shared>>)
        tpu.yield
      }) : () -> ()
    } else {
    }
    %barrier3A = arith.constant 0 : index
    tpu.barrier barrier_id(%barrier3A)
    %sub3A = arith.constant 128 : i32
    %sub3A_13 = arith.subi %sub3A, %arg1 : i32
    %add3A_14 = arith.constant 16 : i32
    %add3A_15 = arith.addi %sub3A_13, %add3A_14 : i32
    %sub3A_16 = arith.constant 1 : i32
    %sub3A_17 = arith.subi %add3A_15, %sub3A_16 : i32
    %jit3A = arith.constant 16 : i32
    %div3A = arith.divsi %sub3A_17, %jit3A : i32
    %sign3A = arith.constant 0 : i32
    %sign3A_18 = arith.cmpi sgt, %sub3A_17, %sign3A : i32
    %sign3A_19 = arith.extui %sign3A_18 : i1 to i32
    %sign3A_20 = arith.constant 0 : i32
    %sign3A_21 = arith.cmpi slt, %sub3A_17, %sign3A_20 : i32
    %sign3A_22 = arith.extui %sign3A_21 : i1 to i32
    %sign3A_23 = arith.subi %sign3A_19, %sign3A_22 : i32
    %sign3A_24 = arith.constant 0 : i32
    %sign3A_25 = arith.cmpi sgt, %jit3A, %sign3A_24 : i32
    %sign3A_26 = arith.extui %sign3A_25 : i1 to i32
    %sign3A_27 = arith.constant 0 : i32
    %sign3A_28 = arith.cmpi slt, %jit3A, %sign3A_27 : i32
    %sign3A_29 = arith.extui %sign3A_28 : i1 to i32
    %sign3A_30 = arith.subi %sign3A_26, %sign3A_29 : i32
    %ne3A = arith.cmpi ne, %sign3A_23, %sign3A_30 : i32
    %rem3A = arith.remsi %sub3A_17, %jit3A : i32
    %ne3A_31 = arith.constant 0 : i32
    %ne3A_32 = arith.cmpi ne, %rem3A, %ne3A_31 : i32
    %and3A = arith.andi %ne3A, %ne3A_32 : i1
    %sub3A_33 = arith.constant 1 : i32
    %sub3A_34 = arith.subi %div3A, %sub3A_33 : i32
    %select_n3A = arith.select %and3A, %sub3A_34, %div3A : i32
    %eq3A_35 = arith.constant 0 : i32
    %eq3A_36 = arith.cmpi eq, %arg0, %eq3A_35 : i32
    %convert_element_type3A_37 = arith.extui %eq3A_36 : i1 to i32
    %cond3A_38 = arith.constant 0 : i32
    %cond3A_39 = arith.cmpi ne, %convert_element_type3A_37, %cond3A_38 : i32
    scf.if %cond3A_39 {
      %while3A = arith.constant 0 : i32
      %while3A_56 = arith.constant 0 : i32
      %while3A_57 = arith.subi %select_n3A, %while3A : i32
      %while3A_58 = arith.addi %while3A, %while3A_57 : i32
      %while3A_59 = arith.constant 1 : i32
      %while3A_60 = arith.divsi %while3A_57, %while3A_59 : i32
      %while3A_61 = arith.muli %while3A_60, %while3A_59 : i32
      %while3A_62 = arith.addi %while3A, %while3A_61 : i32
      %while3A_63 = arith.constant 1 : i32
      %while3A_64 = scf.for %while3A_67 = %while3A to %while3A_62 step %while3A_63 iter_args(%while3A_68 = %while3A_56) -> (i32)  : i32 {
        %mul3A_69 = arith.constant 16 : i32
        %mul3A_70 = arith.muli %while3A_67, %mul3A_69 : i32
        %add3A_71 = arith.addi %arg1, %mul3A_70 : i32
        %mul3A_72 = arith.constant 128 : i32
        %mul3A_73 = arith.muli %add3A_71, %mul3A_72 : i32
        "tpu.region"() ({
          %run_scoped3A = tpu.sem_alloc : memref<!tpu.dma_semaphore, #tpu.memory_space<semaphore_mem>>
          %dma_start3A_79 = tpu.memref_slice %arg4[%mul3A_73] : memref<16384xi32, #tpu.memory_space<hbm>> -> memref<128xi32, #tpu.memory_space<hbm>>
          %dma_start3A_80 = tpu.memref_slice %arg4[%mul3A_73] : memref<16384xi32, #tpu.memory_space<hbm>> -> memref<128xi32, #tpu.memory_space<hbm>>
          tpu.enqueue_dma source(%dma_start3A_80 : memref<128xi32, #tpu.memory_space<hbm>>) target(%arg9 : memref<128xi32, #tpu.memory_space<vmem>>) target_semaphore(%run_scoped3A : memref<!tpu.dma_semaphore, #tpu.memory_space<semaphore_mem>>)
          %dma_wait3A_81 = tpu.memref_slice %arg4[%mul3A_73] : memref<16384xi32, #tpu.memory_space<hbm>> -> memref<128xi32, #tpu.memory_space<hbm>>
          %dma_wait3A_82 = tpu.memref_slice %arg4[%mul3A_73] : memref<16384xi32, #tpu.memory_space<hbm>> -> memref<128xi32, #tpu.memory_space<hbm>>
          tpu.wait_dma2 semaphore(%run_scoped3A : memref<!tpu.dma_semaphore, #tpu.memory_space<semaphore_mem>>) src(%dma_wait3A_82 : memref<128xi32, #tpu.memory_space<hbm>>) dst(%arg9 : memref<128xi32, #tpu.memory_space<vmem>>)
          tpu.yield
        }) : () -> ()
        "tpu.region"() ({
          %run_scoped3A = tpu.sem_alloc : memref<!tpu.dma_semaphore, #tpu.memory_space<semaphore_mem>>
          %dma_start3A_79 = tpu.memref_slice %arg5[%mul3A_73] : memref<16384xi32, #tpu.memory_space<hbm>> -> memref<128xi32, #tpu.memory_space<hbm>>
          %dma_start3A_80 = tpu.memref_slice %arg5[%mul3A_73] : memref<16384xi32, #tpu.memory_space<hbm>> -> memref<128xi32, #tpu.memory_space<hbm>>
          tpu.enqueue_dma source(%dma_start3A_80 : memref<128xi32, #tpu.memory_space<hbm>>) target(%arg10 : memref<128xi32, #tpu.memory_space<vmem>>) target_semaphore(%run_scoped3A : memref<!tpu.dma_semaphore, #tpu.memory_space<semaphore_mem>>)
          %dma_wait3A_81 = tpu.memref_slice %arg5[%mul3A_73] : memref<16384xi32, #tpu.memory_space<hbm>> -> memref<128xi32, #tpu.memory_space<hbm>>
          %dma_wait3A_82 = tpu.memref_slice %arg5[%mul3A_73] : memref<16384xi32, #tpu.memory_space<hbm>> -> memref<128xi32, #tpu.memory_space<hbm>>
          tpu.wait_dma2 semaphore(%run_scoped3A : memref<!tpu.dma_semaphore, #tpu.memory_space<semaphore_mem>>) src(%dma_wait3A_82 : memref<128xi32, #tpu.memory_space<hbm>>) dst(%arg10 : memref<128xi32, #tpu.memory_space<vmem>>)
          tpu.yield
        }) : () -> ()
        %dma_start3A = arith.constant 0 : i32
        %dma_start3A_74 = arith.constant 0 : i32
        %dma_start3A_75 = tpu.memref_slice %arg2[%dma_start3A, %dma_start3A_74] : memref<1024x128xf32, #tpu.memory_space<hbm>> -> memref<1024x128xf32, #tpu.memory_space<hbm>>
        tpu.enqueue_indirect_dma source(%dma_start3A_75 : memref<1024x128xf32, #tpu.memory_space<hbm>>) target(%arg11 : memref<128x128xf32, #tpu.memory_space<vmem>>) offsets(%arg9 : memref<128xi32, #tpu.memory_space<vmem>>) semaphore(%arg17 : memref<!tpu.dma_semaphore, #tpu.memory_space<semaphore_mem>>)
        %dma_wait3A = arith.constant 0 : i32
        %dma_wait3A_76 = arith.constant 0 : i32
        %dma_wait3A_77 = tpu.memref_slice %arg2[%dma_wait3A, %dma_wait3A_76] : memref<1024x128xf32, #tpu.memory_space<hbm>> -> memref<1024x128xf32, #tpu.memory_space<hbm>>
        tpu.wait_indirect_dma semaphore(%arg17 : memref<!tpu.dma_semaphore, #tpu.memory_space<semaphore_mem>>) src(%dma_wait3A_77 : memref<1024x128xf32, #tpu.memory_space<hbm>>) dst(%arg11 : memref<128x128xf32, #tpu.memory_space<vmem>>)
        "tpu.region"() ({
          %run_scoped3A = tpu.sem_alloc : memref<!tpu.dma_semaphore, #tpu.memory_space<semaphore_mem>>
          %dma_start3A_79 = arith.constant 0 : i32
          %dma_start3A_80 = arith.constant 0 : i32
          %dma_start3A_81 = tpu.memref_slice %arg15[%dma_start3A_79, %dma_start3A_80] : memref<1024x128xf32, #tpu.memory_space<vmem_shared>> -> memref<1024x128xf32, #tpu.memory_space<vmem_shared>>
          tpu.enqueue_indirect_dma source(%arg11 : memref<128x128xf32, #tpu.memory_space<vmem>>) target(%dma_start3A_81 : memref<1024x128xf32, #tpu.memory_space<vmem_shared>>) offsets(%arg10 : memref<128xi32, #tpu.memory_space<vmem>>) semaphore(%run_scoped3A : memref<!tpu.dma_semaphore, #tpu.memory_space<semaphore_mem>>) {add = true}
          %dma_wait3A_82 = arith.constant 0 : i32
          %dma_wait3A_83 = arith.constant 0 : i32
          %dma_wait3A_84 = tpu.memref_slice %arg15[%dma_wait3A_82, %dma_wait3A_83] : memref<1024x128xf32, #tpu.memory_space<vmem_shared>> -> memref<1024x128xf32, #tpu.memory_space<vmem_shared>>
          tpu.wait_indirect_dma semaphore(%run_scoped3A : memref<!tpu.dma_semaphore, #tpu.memory_space<semaphore_mem>>) src(%arg11 : memref<128x128xf32, #tpu.memory_space<vmem>>) dst(%dma_wait3A_84 : memref<1024x128xf32, #tpu.memory_space<vmem_shared>>)
          tpu.yield
        }) : () -> ()
        "tpu.region"() ({
          %run_scoped3A = tpu.sem_alloc : memref<!tpu.dma_semaphore, #tpu.memory_space<semaphore_mem>>
          %dma_start3A_79 = arith.constant 0 : i32
          %dma_start3A_80 = arith.constant 0 : i32
          %dma_start3A_81 = tpu.memref_slice %arg16[%dma_start3A_79, %dma_start3A_80] : memref<1024x16xf32, #tpu.memory_space<vmem_shared>> -> memref<1024x16xf32, #tpu.memory_space<vmem_shared>>
          tpu.enqueue_indirect_dma source(%arg12 : memref<128x16xf32, #tpu.memory_space<vmem>>) target(%dma_start3A_81 : memref<1024x16xf32, #tpu.memory_space<vmem_shared>>) offsets(%arg10 : memref<128xi32, #tpu.memory_space<vmem>>) semaphore(%run_scoped3A : memref<!tpu.dma_semaphore, #tpu.memory_space<semaphore_mem>>) {add = true}
          %dma_wait3A_82 = arith.constant 0 : i32
          %dma_wait3A_83 = arith.constant 0 : i32
          %dma_wait3A_84 = tpu.memref_slice %arg16[%dma_wait3A_82, %dma_wait3A_83] : memref<1024x16xf32, #tpu.memory_space<vmem_shared>> -> memref<1024x16xf32, #tpu.memory_space<vmem_shared>>
          tpu.wait_indirect_dma semaphore(%run_scoped3A : memref<!tpu.dma_semaphore, #tpu.memory_space<semaphore_mem>>) src(%arg12 : memref<128x16xf32, #tpu.memory_space<vmem>>) dst(%dma_wait3A_84 : memref<1024x16xf32, #tpu.memory_space<vmem_shared>>)
          tpu.yield
        }) : () -> ()
        %while3A_78 = arith.constant 0 : i32
        scf.yield %while3A_78 : i32
      }
      %while3A_65 = arith.constant 1 : i32
      %while3A_66 = scf.for %while3A_67 = %while3A_62 to %while3A_58 step %while3A_65 iter_args(%while3A_68 = %while3A_64) -> (i32)  : i32 {
        %mul3A_69 = arith.constant 16 : i32
        %mul3A_70 = arith.muli %while3A_67, %mul3A_69 : i32
        %add3A_71 = arith.addi %arg1, %mul3A_70 : i32
        %mul3A_72 = arith.constant 128 : i32
        %mul3A_73 = arith.muli %add3A_71, %mul3A_72 : i32
        "tpu.region"() ({
          %run_scoped3A = tpu.sem_alloc : memref<!tpu.dma_semaphore, #tpu.memory_space<semaphore_mem>>
          %dma_start3A_79 = tpu.memref_slice %arg4[%mul3A_73] : memref<16384xi32, #tpu.memory_space<hbm>> -> memref<128xi32, #tpu.memory_space<hbm>>
          %dma_start3A_80 = tpu.memref_slice %arg4[%mul3A_73] : memref<16384xi32, #tpu.memory_space<hbm>> -> memref<128xi32, #tpu.memory_space<hbm>>
          tpu.enqueue_dma source(%dma_start3A_80 : memref<128xi32, #tpu.memory_space<hbm>>) target(%arg9 : memref<128xi32, #tpu.memory_space<vmem>>) target_semaphore(%run_scoped3A : memref<!tpu.dma_semaphore, #tpu.memory_space<semaphore_mem>>)
          %dma_wait3A_81 = tpu.memref_slice %arg4[%mul3A_73] : memref<16384xi32, #tpu.memory_space<hbm>> -> memref<128xi32, #tpu.memory_space<hbm>>
          %dma_wait3A_82 = tpu.memref_slice %arg4[%mul3A_73] : memref<16384xi32, #tpu.memory_space<hbm>> -> memref<128xi32, #tpu.memory_space<hbm>>
          tpu.wait_dma2 semaphore(%run_scoped3A : memref<!tpu.dma_semaphore, #tpu.memory_space<semaphore_mem>>) src(%dma_wait3A_82 : memref<128xi32, #tpu.memory_space<hbm>>) dst(%arg9 : memref<128xi32, #tpu.memory_space<vmem>>)
          tpu.yield
        }) : () -> ()
        "tpu.region"() ({
          %run_scoped3A = tpu.sem_alloc : memref<!tpu.dma_semaphore, #tpu.memory_space<semaphore_mem>>
          %dma_start3A_79 = tpu.memref_slice %arg5[%mul3A_73] : memref<16384xi32, #tpu.memory_space<hbm>> -> memref<128xi32, #tpu.memory_space<hbm>>
          %dma_start3A_80 = tpu.memref_slice %arg5[%mul3A_73] : memref<16384xi32, #tpu.memory_space<hbm>> -> memref<128xi32, #tpu.memory_space<hbm>>
          tpu.enqueue_dma source(%dma_start3A_80 : memref<128xi32, #tpu.memory_space<hbm>>) target(%arg10 : memref<128xi32, #tpu.memory_space<vmem>>) target_semaphore(%run_scoped3A : memref<!tpu.dma_semaphore, #tpu.memory_space<semaphore_mem>>)
          %dma_wait3A_81 = tpu.memref_slice %arg5[%mul3A_73] : memref<16384xi32, #tpu.memory_space<hbm>> -> memref<128xi32, #tpu.memory_space<hbm>>
          %dma_wait3A_82 = tpu.memref_slice %arg5[%mul3A_73] : memref<16384xi32, #tpu.memory_space<hbm>> -> memref<128xi32, #tpu.memory_space<hbm>>
          tpu.wait_dma2 semaphore(%run_scoped3A : memref<!tpu.dma_semaphore, #tpu.memory_space<semaphore_mem>>) src(%dma_wait3A_82 : memref<128xi32, #tpu.memory_space<hbm>>) dst(%arg10 : memref<128xi32, #tpu.memory_space<vmem>>)
          tpu.yield
        }) : () -> ()
        %dma_start3A = arith.constant 0 : i32
        %dma_start3A_74 = arith.constant 0 : i32
        %dma_start3A_75 = tpu.memref_slice %arg2[%dma_start3A, %dma_start3A_74] : memref<1024x128xf32, #tpu.memory_space<hbm>> -> memref<1024x128xf32, #tpu.memory_space<hbm>>
        tpu.enqueue_indirect_dma source(%dma_start3A_75 : memref<1024x128xf32, #tpu.memory_space<hbm>>) target(%arg11 : memref<128x128xf32, #tpu.memory_space<vmem>>) offsets(%arg9 : memref<128xi32, #tpu.memory_space<vmem>>) semaphore(%arg17 : memref<!tpu.dma_semaphore, #tpu.memory_space<semaphore_mem>>)
        %dma_wait3A = arith.constant 0 : i32
        %dma_wait3A_76 = arith.constant 0 : i32
        %dma_wait3A_77 = tpu.memref_slice %arg2[%dma_wait3A, %dma_wait3A_76] : memref<1024x128xf32, #tpu.memory_space<hbm>> -> memref<1024x128xf32, #tpu.memory_space<hbm>>
        tpu.wait_indirect_dma semaphore(%arg17 : memref<!tpu.dma_semaphore, #tpu.memory_space<semaphore_mem>>) src(%dma_wait3A_77 : memref<1024x128xf32, #tpu.memory_space<hbm>>) dst(%arg11 : memref<128x128xf32, #tpu.memory_space<vmem>>)
        "tpu.region"() ({
          %run_scoped3A = tpu.sem_alloc : memref<!tpu.dma_semaphore, #tpu.memory_space<semaphore_mem>>
          %dma_start3A_79 = arith.constant 0 : i32
          %dma_start3A_80 = arith.constant 0 : i32
          %dma_start3A_81 = tpu.memref_slice %arg15[%dma_start3A_79, %dma_start3A_80] : memref<1024x128xf32, #tpu.memory_space<vmem_shared>> -> memref<1024x128xf32, #tpu.memory_space<vmem_shared>>
          tpu.enqueue_indirect_dma source(%arg11 : memref<128x128xf32, #tpu.memory_space<vmem>>) target(%dma_start3A_81 : memref<1024x128xf32, #tpu.memory_space<vmem_shared>>) offsets(%arg10 : memref<128xi32, #tpu.memory_space<vmem>>) semaphore(%run_scoped3A : memref<!tpu.dma_semaphore, #tpu.memory_space<semaphore_mem>>) {add = true}
          %dma_wait3A_82 = arith.constant 0 : i32
          %dma_wait3A_83 = arith.constant 0 : i32
          %dma_wait3A_84 = tpu.memref_slice %arg15[%dma_wait3A_82, %dma_wait3A_83] : memref<1024x128xf32, #tpu.memory_space<vmem_shared>> -> memref<1024x128xf32, #tpu.memory_space<vmem_shared>>
          tpu.wait_indirect_dma semaphore(%run_scoped3A : memref<!tpu.dma_semaphore, #tpu.memory_space<semaphore_mem>>) src(%arg11 : memref<128x128xf32, #tpu.memory_space<vmem>>) dst(%dma_wait3A_84 : memref<1024x128xf32, #tpu.memory_space<vmem_shared>>)
          tpu.yield
        }) : () -> ()
        "tpu.region"() ({
          %run_scoped3A = tpu.sem_alloc : memref<!tpu.dma_semaphore, #tpu.memory_space<semaphore_mem>>
          %dma_start3A_79 = arith.constant 0 : i32
          %dma_start3A_80 = arith.constant 0 : i32
          %dma_start3A_81 = tpu.memref_slice %arg16[%dma_start3A_79, %dma_start3A_80] : memref<1024x16xf32, #tpu.memory_space<vmem_shared>> -> memref<1024x16xf32, #tpu.memory_space<vmem_shared>>
          tpu.enqueue_indirect_dma source(%arg12 : memref<128x16xf32, #tpu.memory_space<vmem>>) target(%dma_start3A_81 : memref<1024x16xf32, #tpu.memory_space<vmem_shared>>) offsets(%arg10 : memref<128xi32, #tpu.memory_space<vmem>>) semaphore(%run_scoped3A : memref<!tpu.dma_semaphore, #tpu.memory_space<semaphore_mem>>) {add = true}
          %dma_wait3A_82 = arith.constant 0 : i32
          %dma_wait3A_83 = arith.constant 0 : i32
          %dma_wait3A_84 = tpu.memref_slice %arg16[%dma_wait3A_82, %dma_wait3A_83] : memref<1024x16xf32, #tpu.memory_space<vmem_shared>> -> memref<1024x16xf32, #tpu.memory_space<vmem_shared>>
          tpu.wait_indirect_dma semaphore(%run_scoped3A : memref<!tpu.dma_semaphore, #tpu.memory_space<semaphore_mem>>) src(%arg12 : memref<128x16xf32, #tpu.memory_space<vmem>>) dst(%dma_wait3A_84 : memref<1024x16xf32, #tpu.memory_space<vmem_shared>>)
          tpu.yield
        }) : () -> ()
        %while3A_78 = arith.constant 0 : i32
        scf.yield %while3A_78 : i32
      }
    } else {
    }
    %eq3A_40 = arith.constant 1 : i32
    %eq3A_41 = arith.cmpi eq, %arg0, %eq3A_40 : i32
    %convert_element_type3A_42 = arith.extui %eq3A_41 : i1 to i32
    %cond3A_43 = arith.constant 0 : i32
    %cond3A_44 = arith.cmpi ne, %convert_element_type3A_42, %cond3A_43 : i32
    scf.if %cond3A_44 {
      %while3A = arith.constant 0 : i32
      %while3A_56 = arith.constant 0 : i32
      %while3A_57 = arith.subi %select_n3A, %while3A : i32
      %while3A_58 = arith.addi %while3A, %while3A_57 : i32
      %while3A_59 = arith.constant 1 : i32
      %while3A_60 = arith.divsi %while3A_57, %while3A_59 : i32
      %while3A_61 = arith.muli %while3A_60, %while3A_59 : i32
      %while3A_62 = arith.addi %while3A, %while3A_61 : i32
      %while3A_63 = arith.constant 1 : i32
      %while3A_64 = scf.for %while3A_67 = %while3A to %while3A_62 step %while3A_63 iter_args(%while3A_68 = %while3A_56) -> (i32)  : i32 {
        %mul3A_69 = arith.constant 16 : i32
        %mul3A_70 = arith.muli %while3A_67, %mul3A_69 : i32
        %add3A_71 = arith.addi %arg1, %mul3A_70 : i32
        %mul3A_72 = arith.constant 128 : i32
        %mul3A_73 = arith.muli %add3A_71, %mul3A_72 : i32
        "tpu.region"() ({
          %run_scoped3A = tpu.sem_alloc : memref<!tpu.dma_semaphore, #tpu.memory_space<semaphore_mem>>
          %dma_start3A_79 = tpu.memref_slice %arg4[%mul3A_73] : memref<16384xi32, #tpu.memory_space<hbm>> -> memref<128xi32, #tpu.memory_space<hbm>>
          %dma_start3A_80 = tpu.memref_slice %arg4[%mul3A_73] : memref<16384xi32, #tpu.memory_space<hbm>> -> memref<128xi32, #tpu.memory_space<hbm>>
          tpu.enqueue_dma source(%dma_start3A_80 : memref<128xi32, #tpu.memory_space<hbm>>) target(%arg9 : memref<128xi32, #tpu.memory_space<vmem>>) target_semaphore(%run_scoped3A : memref<!tpu.dma_semaphore, #tpu.memory_space<semaphore_mem>>)
          %dma_wait3A_81 = tpu.memref_slice %arg4[%mul3A_73] : memref<16384xi32, #tpu.memory_space<hbm>> -> memref<128xi32, #tpu.memory_space<hbm>>
          %dma_wait3A_82 = tpu.memref_slice %arg4[%mul3A_73] : memref<16384xi32, #tpu.memory_space<hbm>> -> memref<128xi32, #tpu.memory_space<hbm>>
          tpu.wait_dma2 semaphore(%run_scoped3A : memref<!tpu.dma_semaphore, #tpu.memory_space<semaphore_mem>>) src(%dma_wait3A_82 : memref<128xi32, #tpu.memory_space<hbm>>) dst(%arg9 : memref<128xi32, #tpu.memory_space<vmem>>)
          tpu.yield
        }) : () -> ()
        "tpu.region"() ({
          %run_scoped3A = tpu.sem_alloc : memref<!tpu.dma_semaphore, #tpu.memory_space<semaphore_mem>>
          %dma_start3A_79 = tpu.memref_slice %arg5[%mul3A_73] : memref<16384xi32, #tpu.memory_space<hbm>> -> memref<128xi32, #tpu.memory_space<hbm>>
          %dma_start3A_80 = tpu.memref_slice %arg5[%mul3A_73] : memref<16384xi32, #tpu.memory_space<hbm>> -> memref<128xi32, #tpu.memory_space<hbm>>
          tpu.enqueue_dma source(%dma_start3A_80 : memref<128xi32, #tpu.memory_space<hbm>>) target(%arg10 : memref<128xi32, #tpu.memory_space<vmem>>) target_semaphore(%run_scoped3A : memref<!tpu.dma_semaphore, #tpu.memory_space<semaphore_mem>>)
          %dma_wait3A_81 = tpu.memref_slice %arg5[%mul3A_73] : memref<16384xi32, #tpu.memory_space<hbm>> -> memref<128xi32, #tpu.memory_space<hbm>>
          %dma_wait3A_82 = tpu.memref_slice %arg5[%mul3A_73] : memref<16384xi32, #tpu.memory_space<hbm>> -> memref<128xi32, #tpu.memory_space<hbm>>
          tpu.wait_dma2 semaphore(%run_scoped3A : memref<!tpu.dma_semaphore, #tpu.memory_space<semaphore_mem>>) src(%dma_wait3A_82 : memref<128xi32, #tpu.memory_space<hbm>>) dst(%arg10 : memref<128xi32, #tpu.memory_space<vmem>>)
          tpu.yield
        }) : () -> ()
        %dma_start3A = arith.constant 0 : i32
        %dma_start3A_74 = arith.constant 0 : i32
        %dma_start3A_75 = tpu.memref_slice %arg3[%dma_start3A, %dma_start3A_74] : memref<1024x128xf32, #tpu.memory_space<hbm>> -> memref<1024x128xf32, #tpu.memory_space<hbm>>
        tpu.enqueue_indirect_dma source(%dma_start3A_75 : memref<1024x128xf32, #tpu.memory_space<hbm>>) target(%arg11 : memref<128x128xf32, #tpu.memory_space<vmem>>) offsets(%arg9 : memref<128xi32, #tpu.memory_space<vmem>>) semaphore(%arg17 : memref<!tpu.dma_semaphore, #tpu.memory_space<semaphore_mem>>)
        %dma_wait3A = arith.constant 0 : i32
        %dma_wait3A_76 = arith.constant 0 : i32
        %dma_wait3A_77 = tpu.memref_slice %arg3[%dma_wait3A, %dma_wait3A_76] : memref<1024x128xf32, #tpu.memory_space<hbm>> -> memref<1024x128xf32, #tpu.memory_space<hbm>>
        tpu.wait_indirect_dma semaphore(%arg17 : memref<!tpu.dma_semaphore, #tpu.memory_space<semaphore_mem>>) src(%dma_wait3A_77 : memref<1024x128xf32, #tpu.memory_space<hbm>>) dst(%arg11 : memref<128x128xf32, #tpu.memory_space<vmem>>)
        "tpu.region"() ({
          %run_scoped3A = tpu.sem_alloc : memref<!tpu.dma_semaphore, #tpu.memory_space<semaphore_mem>>
          %dma_start3A_79 = arith.constant 0 : i32
          %dma_start3A_80 = arith.constant 0 : i32
          %dma_start3A_81 = tpu.memref_slice %arg15[%dma_start3A_79, %dma_start3A_80] : memref<1024x128xf32, #tpu.memory_space<vmem_shared>> -> memref<1024x128xf32, #tpu.memory_space<vmem_shared>>
          tpu.enqueue_indirect_dma source(%arg11 : memref<128x128xf32, #tpu.memory_space<vmem>>) target(%dma_start3A_81 : memref<1024x128xf32, #tpu.memory_space<vmem_shared>>) offsets(%arg10 : memref<128xi32, #tpu.memory_space<vmem>>) semaphore(%run_scoped3A : memref<!tpu.dma_semaphore, #tpu.memory_space<semaphore_mem>>) {add = true}
          %dma_wait3A_82 = arith.constant 0 : i32
          %dma_wait3A_83 = arith.constant 0 : i32
          %dma_wait3A_84 = tpu.memref_slice %arg15[%dma_wait3A_82, %dma_wait3A_83] : memref<1024x128xf32, #tpu.memory_space<vmem_shared>> -> memref<1024x128xf32, #tpu.memory_space<vmem_shared>>
          tpu.wait_indirect_dma semaphore(%run_scoped3A : memref<!tpu.dma_semaphore, #tpu.memory_space<semaphore_mem>>) src(%arg11 : memref<128x128xf32, #tpu.memory_space<vmem>>) dst(%dma_wait3A_84 : memref<1024x128xf32, #tpu.memory_space<vmem_shared>>)
          tpu.yield
        }) : () -> ()
        %while3A_78 = arith.constant 0 : i32
        scf.yield %while3A_78 : i32
      }
      %while3A_65 = arith.constant 1 : i32
      %while3A_66 = scf.for %while3A_67 = %while3A_62 to %while3A_58 step %while3A_65 iter_args(%while3A_68 = %while3A_64) -> (i32)  : i32 {
        %mul3A_69 = arith.constant 16 : i32
        %mul3A_70 = arith.muli %while3A_67, %mul3A_69 : i32
        %add3A_71 = arith.addi %arg1, %mul3A_70 : i32
        %mul3A_72 = arith.constant 128 : i32
        %mul3A_73 = arith.muli %add3A_71, %mul3A_72 : i32
        "tpu.region"() ({
          %run_scoped3A = tpu.sem_alloc : memref<!tpu.dma_semaphore, #tpu.memory_space<semaphore_mem>>
          %dma_start3A_79 = tpu.memref_slice %arg4[%mul3A_73] : memref<16384xi32, #tpu.memory_space<hbm>> -> memref<128xi32, #tpu.memory_space<hbm>>
          %dma_start3A_80 = tpu.memref_slice %arg4[%mul3A_73] : memref<16384xi32, #tpu.memory_space<hbm>> -> memref<128xi32, #tpu.memory_space<hbm>>
          tpu.enqueue_dma source(%dma_start3A_80 : memref<128xi32, #tpu.memory_space<hbm>>) target(%arg9 : memref<128xi32, #tpu.memory_space<vmem>>) target_semaphore(%run_scoped3A : memref<!tpu.dma_semaphore, #tpu.memory_space<semaphore_mem>>)
          %dma_wait3A_81 = tpu.memref_slice %arg4[%mul3A_73] : memref<16384xi32, #tpu.memory_space<hbm>> -> memref<128xi32, #tpu.memory_space<hbm>>
          %dma_wait3A_82 = tpu.memref_slice %arg4[%mul3A_73] : memref<16384xi32, #tpu.memory_space<hbm>> -> memref<128xi32, #tpu.memory_space<hbm>>
          tpu.wait_dma2 semaphore(%run_scoped3A : memref<!tpu.dma_semaphore, #tpu.memory_space<semaphore_mem>>) src(%dma_wait3A_82 : memref<128xi32, #tpu.memory_space<hbm>>) dst(%arg9 : memref<128xi32, #tpu.memory_space<vmem>>)
          tpu.yield
        }) : () -> ()
        "tpu.region"() ({
          %run_scoped3A = tpu.sem_alloc : memref<!tpu.dma_semaphore, #tpu.memory_space<semaphore_mem>>
          %dma_start3A_79 = tpu.memref_slice %arg5[%mul3A_73] : memref<16384xi32, #tpu.memory_space<hbm>> -> memref<128xi32, #tpu.memory_space<hbm>>
          %dma_start3A_80 = tpu.memref_slice %arg5[%mul3A_73] : memref<16384xi32, #tpu.memory_space<hbm>> -> memref<128xi32, #tpu.memory_space<hbm>>
          tpu.enqueue_dma source(%dma_start3A_80 : memref<128xi32, #tpu.memory_space<hbm>>) target(%arg10 : memref<128xi32, #tpu.memory_space<vmem>>) target_semaphore(%run_scoped3A : memref<!tpu.dma_semaphore, #tpu.memory_space<semaphore_mem>>)
          %dma_wait3A_81 = tpu.memref_slice %arg5[%mul3A_73] : memref<16384xi32, #tpu.memory_space<hbm>> -> memref<128xi32, #tpu.memory_space<hbm>>
          %dma_wait3A_82 = tpu.memref_slice %arg5[%mul3A_73] : memref<16384xi32, #tpu.memory_space<hbm>> -> memref<128xi32, #tpu.memory_space<hbm>>
          tpu.wait_dma2 semaphore(%run_scoped3A : memref<!tpu.dma_semaphore, #tpu.memory_space<semaphore_mem>>) src(%dma_wait3A_82 : memref<128xi32, #tpu.memory_space<hbm>>) dst(%arg10 : memref<128xi32, #tpu.memory_space<vmem>>)
          tpu.yield
        }) : () -> ()
        %dma_start3A = arith.constant 0 : i32
        %dma_start3A_74 = arith.constant 0 : i32
        %dma_start3A_75 = tpu.memref_slice %arg3[%dma_start3A, %dma_start3A_74] : memref<1024x128xf32, #tpu.memory_space<hbm>> -> memref<1024x128xf32, #tpu.memory_space<hbm>>
        tpu.enqueue_indirect_dma source(%dma_start3A_75 : memref<1024x128xf32, #tpu.memory_space<hbm>>) target(%arg11 : memref<128x128xf32, #tpu.memory_space<vmem>>) offsets(%arg9 : memref<128xi32, #tpu.memory_space<vmem>>) semaphore(%arg17 : memref<!tpu.dma_semaphore, #tpu.memory_space<semaphore_mem>>)
        %dma_wait3A = arith.constant 0 : i32
        %dma_wait3A_76 = arith.constant 0 : i32
        %dma_wait3A_77 = tpu.memref_slice %arg3[%dma_wait3A, %dma_wait3A_76] : memref<1024x128xf32, #tpu.memory_space<hbm>> -> memref<1024x128xf32, #tpu.memory_space<hbm>>
        tpu.wait_indirect_dma semaphore(%arg17 : memref<!tpu.dma_semaphore, #tpu.memory_space<semaphore_mem>>) src(%dma_wait3A_77 : memref<1024x128xf32, #tpu.memory_space<hbm>>) dst(%arg11 : memref<128x128xf32, #tpu.memory_space<vmem>>)
        "tpu.region"() ({
          %run_scoped3A = tpu.sem_alloc : memref<!tpu.dma_semaphore, #tpu.memory_space<semaphore_mem>>
          %dma_start3A_79 = arith.constant 0 : i32
          %dma_start3A_80 = arith.constant 0 : i32
          %dma_start3A_81 = tpu.memref_slice %arg15[%dma_start3A_79, %dma_start3A_80] : memref<1024x128xf32, #tpu.memory_space<vmem_shared>> -> memref<1024x128xf32, #tpu.memory_space<vmem_shared>>
          tpu.enqueue_indirect_dma source(%arg11 : memref<128x128xf32, #tpu.memory_space<vmem>>) target(%dma_start3A_81 : memref<1024x128xf32, #tpu.memory_space<vmem_shared>>) offsets(%arg10 : memref<128xi32, #tpu.memory_space<vmem>>) semaphore(%run_scoped3A : memref<!tpu.dma_semaphore, #tpu.memory_space<semaphore_mem>>) {add = true}
          %dma_wait3A_82 = arith.constant 0 : i32
          %dma_wait3A_83 = arith.constant 0 : i32
          %dma_wait3A_84 = tpu.memref_slice %arg15[%dma_wait3A_82, %dma_wait3A_83] : memref<1024x128xf32, #tpu.memory_space<vmem_shared>> -> memref<1024x128xf32, #tpu.memory_space<vmem_shared>>
          tpu.wait_indirect_dma semaphore(%run_scoped3A : memref<!tpu.dma_semaphore, #tpu.memory_space<semaphore_mem>>) src(%arg11 : memref<128x128xf32, #tpu.memory_space<vmem>>) dst(%dma_wait3A_84 : memref<1024x128xf32, #tpu.memory_space<vmem_shared>>)
          tpu.yield
        }) : () -> ()
        %while3A_78 = arith.constant 0 : i32
        scf.yield %while3A_78 : i32
      }
    } else {
    }
    %barrier3A_45 = arith.constant 0 : index
    tpu.barrier barrier_id(%barrier3A_45)
    %eq3A_46 = arith.constant 0 : i32
    %eq3A_47 = arith.cmpi eq, %arg0, %eq3A_46 : i32
    %convert_element_type3A_48 = arith.extui %eq3A_47 : i1 to i32
    %cond3A_49 = arith.constant 0 : i32
    %cond3A_50 = arith.cmpi ne, %convert_element_type3A_48, %cond3A_49 : i32
    scf.if %cond3A_50 {
      "tpu.region"() ({
        %run_scoped3A = tpu.sem_alloc : memref<!tpu.dma_semaphore, #tpu.memory_space<semaphore_mem>>
        %dma_start3A = arith.constant 0 : i32
        %dma_start3A_56 = tpu.memref_slice %arg6[%multiple_of3A, %dma_start3A] : memref<1024x128xf32, #tpu.memory_space<hbm>> -> memref<64x128xf32, #tpu.memory_space<hbm>>
        %dma_start3A_57 = arith.constant 0 : i32
        %dma_start3A_58 = tpu.memref_slice %arg15[%multiple_of3A, %dma_start3A_57] : memref<1024x128xf32, #tpu.memory_space<vmem_shared>> -> memref<64x128xf32, #tpu.memory_space<vmem_shared>>
        tpu.enqueue_dma source(%dma_start3A_58 : memref<64x128xf32, #tpu.memory_space<vmem_shared>>) target(%dma_start3A_56 : memref<64x128xf32, #tpu.memory_space<hbm>>) target_semaphore(%run_scoped3A : memref<!tpu.dma_semaphore, #tpu.memory_space<semaphore_mem>>)
        %dma_wait3A = arith.constant 0 : i32
        %dma_wait3A_59 = tpu.memref_slice %arg6[%multiple_of3A, %dma_wait3A] : memref<1024x128xf32, #tpu.memory_space<hbm>> -> memref<64x128xf32, #tpu.memory_space<hbm>>
        %dma_wait3A_60 = arith.constant 0 : i32
        %dma_wait3A_61 = tpu.memref_slice %arg15[%multiple_of3A, %dma_wait3A_60] : memref<1024x128xf32, #tpu.memory_space<vmem_shared>> -> memref<64x128xf32, #tpu.memory_space<vmem_shared>>
        tpu.wait_dma2 semaphore(%run_scoped3A : memref<!tpu.dma_semaphore, #tpu.memory_space<semaphore_mem>>) src(%dma_wait3A_61 : memref<64x128xf32, #tpu.memory_space<vmem_shared>>) dst(%dma_wait3A_59 : memref<64x128xf32, #tpu.memory_space<hbm>>)
        tpu.yield
      }) : () -> ()
      "tpu.region"() ({
        %run_scoped3A = tpu.sem_alloc : memref<!tpu.dma_semaphore, #tpu.memory_space<semaphore_mem>>
        %dma_start3A = arith.constant 0 : i32
        %dma_start3A_56 = tpu.memref_slice %arg8[%multiple_of3A, %dma_start3A] : memref<1024x16xf32, #tpu.memory_space<hbm>> -> memref<64x16xf32, #tpu.memory_space<hbm>>
        %dma_start3A_57 = arith.constant 0 : i32
        %dma_start3A_58 = tpu.memref_slice %arg16[%multiple_of3A, %dma_start3A_57] : memref<1024x16xf32, #tpu.memory_space<vmem_shared>> -> memref<64x16xf32, #tpu.memory_space<vmem_shared>>
        tpu.enqueue_dma source(%dma_start3A_58 : memref<64x16xf32, #tpu.memory_space<vmem_shared>>) target(%dma_start3A_56 : memref<64x16xf32, #tpu.memory_space<hbm>>) target_semaphore(%run_scoped3A : memref<!tpu.dma_semaphore, #tpu.memory_space<semaphore_mem>>)
        %dma_wait3A = arith.constant 0 : i32
        %dma_wait3A_59 = tpu.memref_slice %arg8[%multiple_of3A, %dma_wait3A] : memref<1024x16xf32, #tpu.memory_space<hbm>> -> memref<64x16xf32, #tpu.memory_space<hbm>>
        %dma_wait3A_60 = arith.constant 0 : i32
        %dma_wait3A_61 = tpu.memref_slice %arg16[%multiple_of3A, %dma_wait3A_60] : memref<1024x16xf32, #tpu.memory_space<vmem_shared>> -> memref<64x16xf32, #tpu.memory_space<vmem_shared>>
        tpu.wait_dma2 semaphore(%run_scoped3A : memref<!tpu.dma_semaphore, #tpu.memory_space<semaphore_mem>>) src(%dma_wait3A_61 : memref<64x16xf32, #tpu.memory_space<vmem_shared>>) dst(%dma_wait3A_59 : memref<64x16xf32, #tpu.memory_space<hbm>>)
        tpu.yield
      }) : () -> ()
    } else {
    }
    %eq3A_51 = arith.constant 1 : i32
    %eq3A_52 = arith.cmpi eq, %arg0, %eq3A_51 : i32
    %convert_element_type3A_53 = arith.extui %eq3A_52 : i1 to i32
    %cond3A_54 = arith.constant 0 : i32
    %cond3A_55 = arith.cmpi ne, %convert_element_type3A_53, %cond3A_54 : i32
    scf.if %cond3A_55 {
      "tpu.region"() ({
        %run_scoped3A = tpu.sem_alloc : memref<!tpu.dma_semaphore, #tpu.memory_space<semaphore_mem>>
        %dma_start3A = arith.constant 0 : i32
        %dma_start3A_56 = tpu.memref_slice %arg7[%multiple_of3A, %dma_start3A] : memref<1024x128xf32, #tpu.memory_space<hbm>> -> memref<64x128xf32, #tpu.memory_space<hbm>>
        %dma_start3A_57 = arith.constant 0 : i32
        %dma_start3A_58 = tpu.memref_slice %arg15[%multiple_of3A, %dma_start3A_57] : memref<1024x128xf32, #tpu.memory_space<vmem_shared>> -> memref<64x128xf32, #tpu.memory_space<vmem_shared>>
        tpu.enqueue_dma source(%dma_start3A_58 : memref<64x128xf32, #tpu.memory_space<vmem_shared>>) target(%dma_start3A_56 : memref<64x128xf32, #tpu.memory_space<hbm>>) target_semaphore(%run_scoped3A : memref<!tpu.dma_semaphore, #tpu.memory_space<semaphore_mem>>)
        %dma_wait3A = arith.constant 0 : i32
        %dma_wait3A_59 = tpu.memref_slice %arg7[%multiple_of3A, %dma_wait3A] : memref<1024x128xf32, #tpu.memory_space<hbm>> -> memref<64x128xf32, #tpu.memory_space<hbm>>
        %dma_wait3A_60 = arith.constant 0 : i32
        %dma_wait3A_61 = tpu.memref_slice %arg15[%multiple_of3A, %dma_wait3A_60] : memref<1024x128xf32, #tpu.memory_space<vmem_shared>> -> memref<64x128xf32, #tpu.memory_space<vmem_shared>>
        tpu.wait_dma2 semaphore(%run_scoped3A : memref<!tpu.dma_semaphore, #tpu.memory_space<semaphore_mem>>) src(%dma_wait3A_61 : memref<64x128xf32, #tpu.memory_space<vmem_shared>>) dst(%dma_wait3A_59 : memref<64x128xf32, #tpu.memory_space<hbm>>)
        tpu.yield
      }) : () -> ()
    } else {
    }
    return
  }
}

#map = affine_map<(d0, d1) -> (0, 0)>
#map1 = affine_map<(d0, d1) -> (0)>
module attributes {stable_mosaic.version = 14 : i64} {
  func.func @agg(%arg0: i32, %arg1: i32, %arg2: memref<20000x64xf32, #tpu.memory_space<hbm>>, %arg3: memref<20000x64xf32, #tpu.memory_space<hbm>>, %arg4: memref<320000xi32, #tpu.memory_space<hbm>>, %arg5: memref<320000xi32, #tpu.memory_space<hbm>>, %arg6: memref<20096x64xf32, #tpu.memory_space<hbm>>, %arg7: memref<20096x64xf32, #tpu.memory_space<hbm>>, %arg8: memref<20096x16xf32, #tpu.memory_space<hbm>>, %arg9: memref<128xi32, #tpu.memory_space<vmem>>, %arg10: memref<128xi32, #tpu.memory_space<vmem>>, %arg11: memref<128x64xf32, #tpu.memory_space<vmem>>, %arg12: memref<128x16xf32, #tpu.memory_space<vmem>>, %arg13: memref<128x64xf32, #tpu.memory_space<vmem>>, %arg14: memref<128x16xf32, #tpu.memory_space<vmem>>, %arg15: memref<20096x64xf32, #tpu.memory_space<vmem_shared>>, %arg16: memref<20096x16xf32, #tpu.memory_space<vmem_shared>>, %arg17: memref<!tpu.dma_semaphore, #tpu.memory_space<semaphore_mem>>) attributes {dimension_semantics = [#tpu.dimension_semantics<core_parallel>, #tpu.dimension_semantics<subcore_parallel>], iteration_bounds = array<i64: 2, 16>, scalar_prefetch = 0 : i64, scratch_operands = 9 : i64, tpu.core_type = #tpu.core_type<sc_vector_subcore>, window_params = [{transform_indices = #map}, {transform_indices = #map}, {transform_indices = #map1}, {transform_indices = #map1}, {transform_indices = #map}, {transform_indices = #map}, {transform_indices = #map}]} {
    %broadcast_in_dim3A = arith.constant 0.000000e+00 : f32
    %broadcast_in_dim3A_0 = vector.broadcast %broadcast_in_dim3A : f32 to vector<16xf32>
    %broadcast_in_dim3A_1 = arith.constant 1.000000e+00 : f32
    %broadcast_in_dim3A_2 = vector.broadcast %broadcast_in_dim3A_1 : f32 to vector<16xf32>
    %scan3A = arith.constant 0 : i32
    %scan3A_3 = arith.constant 0 : i32
    %scan3A_4 = arith.constant 128 : i32
    %scan3A_5 = arith.addi %scan3A_3, %scan3A_4 : i32
    %scan3A_6 = arith.constant 1 : i32
    %scan3A_7 = scf.for %scan3A_74 = %scan3A_3 to %scan3A_5 step %scan3A_6 iter_args(%scan3A_75 = %scan3A) -> (i32)  : i32 {
      %swap3A = arith.index_cast %scan3A_74 : i32 to index
      %swap3A_76 = arith.constant 0 : index
      %swap3A_77 = tpu.vector_load %arg13[%swap3A, %swap3A_76] {strides = array<i32>} : memref<128x64xf32, #tpu.memory_space<vmem>>, vector<1x16xf32>,
      %swap3A_78 = vector.shape_cast %swap3A_77 : vector<1x16xf32> to vector<16xf32>
      %swap3A_79 = vector.shape_cast %broadcast_in_dim3A_0 : vector<16xf32> to vector<1x16xf32>
      tpu.vector_store %arg13[%swap3A, %swap3A_76], %swap3A_79 {strides = array<i32>} : memref<128x64xf32, #tpu.memory_space<vmem>>, vector<1x16xf32>,
      %swap3A_80 = arith.index_cast %scan3A_74 : i32 to index
      %swap3A_81 = arith.constant 16 : index
      %swap3A_82 = tpu.vector_load %arg13[%swap3A_80, %swap3A_81] {strides = array<i32>} : memref<128x64xf32, #tpu.memory_space<vmem>>, vector<1x16xf32>,
      %swap3A_83 = vector.shape_cast %swap3A_82 : vector<1x16xf32> to vector<16xf32>
      %swap3A_84 = vector.shape_cast %broadcast_in_dim3A_0 : vector<16xf32> to vector<1x16xf32>
      tpu.vector_store %arg13[%swap3A_80, %swap3A_81], %swap3A_84 {strides = array<i32>} : memref<128x64xf32, #tpu.memory_space<vmem>>, vector<1x16xf32>,
      %swap3A_85 = arith.index_cast %scan3A_74 : i32 to index
      %swap3A_86 = arith.constant 32 : index
      %swap3A_87 = tpu.vector_load %arg13[%swap3A_85, %swap3A_86] {strides = array<i32>} : memref<128x64xf32, #tpu.memory_space<vmem>>, vector<1x16xf32>,
      %swap3A_88 = vector.shape_cast %swap3A_87 : vector<1x16xf32> to vector<16xf32>
      %swap3A_89 = vector.shape_cast %broadcast_in_dim3A_0 : vector<16xf32> to vector<1x16xf32>
      tpu.vector_store %arg13[%swap3A_85, %swap3A_86], %swap3A_89 {strides = array<i32>} : memref<128x64xf32, #tpu.memory_space<vmem>>, vector<1x16xf32>,
      %swap3A_90 = arith.index_cast %scan3A_74 : i32 to index
      %swap3A_91 = arith.constant 48 : index
      %swap3A_92 = tpu.vector_load %arg13[%swap3A_90, %swap3A_91] {strides = array<i32>} : memref<128x64xf32, #tpu.memory_space<vmem>>, vector<1x16xf32>,
      %swap3A_93 = vector.shape_cast %swap3A_92 : vector<1x16xf32> to vector<16xf32>
      %swap3A_94 = vector.shape_cast %broadcast_in_dim3A_0 : vector<16xf32> to vector<1x16xf32>
      tpu.vector_store %arg13[%swap3A_90, %swap3A_91], %swap3A_94 {strides = array<i32>} : memref<128x64xf32, #tpu.memory_space<vmem>>, vector<1x16xf32>,
      %swap3A_95 = arith.index_cast %scan3A_74 : i32 to index
      %swap3A_96 = arith.constant 0 : index
      %swap3A_97 = tpu.vector_load %arg14[%swap3A_95, %swap3A_96] {strides = array<i32>} : memref<128x16xf32, #tpu.memory_space<vmem>>, vector<1x16xf32>,
      %swap3A_98 = vector.shape_cast %swap3A_97 : vector<1x16xf32> to vector<16xf32>
      %swap3A_99 = vector.shape_cast %broadcast_in_dim3A_0 : vector<16xf32> to vector<1x16xf32>
      tpu.vector_store %arg14[%swap3A_95, %swap3A_96], %swap3A_99 {strides = array<i32>} : memref<128x16xf32, #tpu.memory_space<vmem>>, vector<1x16xf32>,
      %swap3A_100 = arith.index_cast %scan3A_74 : i32 to index
      %swap3A_101 = arith.constant 0 : index
      %swap3A_102 = tpu.vector_load %arg12[%swap3A_100, %swap3A_101] {strides = array<i32>} : memref<128x16xf32, #tpu.memory_space<vmem>>, vector<1x16xf32>,
      %swap3A_103 = vector.shape_cast %swap3A_102 : vector<1x16xf32> to vector<16xf32>
      %swap3A_104 = vector.shape_cast %broadcast_in_dim3A_2 : vector<16xf32> to vector<1x16xf32>
      tpu.vector_store %arg12[%swap3A_100, %swap3A_101], %swap3A_104 {strides = array<i32>} : memref<128x16xf32, #tpu.memory_space<vmem>>, vector<1x16xf32>,
      %scan3A_105 = arith.constant 0 : i32
      scf.yield %scan3A_105 : i32
    }
    %scan3A_8 = arith.constant 128 : i32
    %mul3A = arith.constant 1256 : i32
    %mul3A_9 = arith.muli %arg1, %mul3A : i32
    %multiple_of3A = tpu.assume_multiple %mul3A_9, 8 : i32
    %add3A = arith.constant 0 : i32
    %add3A_10 = arith.addi %multiple_of3A, %add3A : i32
    "tpu.region"() ({
      %run_scoped3A = tpu.sem_alloc : memref<!tpu.dma_semaphore, #tpu.memory_space<semaphore_mem>>
      %dma_start3A = arith.constant 0 : i32
      %dma_start3A_74 = tpu.memref_slice %arg15[%add3A_10, %dma_start3A] : memref<20096x64xf32, #tpu.memory_space<vmem_shared>> -> memref<128x64xf32, #tpu.memory_space<vmem_shared>>
      %dma_start3A_75 = arith.constant 0 : i32
      %dma_start3A_76 = tpu.memref_slice %arg15[%add3A_10, %dma_start3A_75] : memref<20096x64xf32, #tpu.memory_space<vmem_shared>> -> memref<128x64xf32, #tpu.memory_space<vmem_shared>>
      tpu.enqueue_dma source(%arg13 : memref<128x64xf32, #tpu.memory_space<vmem>>) target(%dma_start3A_76 : memref<128x64xf32, #tpu.memory_space<vmem_shared>>) target_semaphore(%run_scoped3A : memref<!tpu.dma_semaphore, #tpu.memory_space<semaphore_mem>>)
      %dma_wait3A = arith.constant 0 : i32
      %dma_wait3A_77 = tpu.memref_slice %arg15[%add3A_10, %dma_wait3A] : memref<20096x64xf32, #tpu.memory_space<vmem_shared>> -> memref<128x64xf32, #tpu.memory_space<vmem_shared>>
      %dma_wait3A_78 = arith.constant 0 : i32
      %dma_wait3A_79 = tpu.memref_slice %arg15[%add3A_10, %dma_wait3A_78] : memref<20096x64xf32, #tpu.memory_space<vmem_shared>> -> memref<128x64xf32, #tpu.memory_space<vmem_shared>>
      tpu.wait_dma2 semaphore(%run_scoped3A : memref<!tpu.dma_semaphore, #tpu.memory_space<semaphore_mem>>) src(%arg13 : memref<128x64xf32, #tpu.memory_space<vmem>>) dst(%dma_wait3A_79 : memref<128x64xf32, #tpu.memory_space<vmem_shared>>)
      tpu.yield
    }) : () -> ()
    %add3A_11 = arith.constant 128 : i32
    %add3A_12 = arith.addi %multiple_of3A, %add3A_11 : i32
    "tpu.region"() ({
      %run_scoped3A = tpu.sem_alloc : memref<!tpu.dma_semaphore, #tpu.memory_space<semaphore_mem>>
      %dma_start3A = arith.constant 0 : i32
      %dma_start3A_74 = tpu.memref_slice %arg15[%add3A_12, %dma_start3A] : memref<20096x64xf32, #tpu.memory_space<vmem_shared>> -> memref<128x64xf32, #tpu.memory_space<vmem_shared>>
      %dma_start3A_75 = arith.constant 0 : i32
      %dma_start3A_76 = tpu.memref_slice %arg15[%add3A_12, %dma_start3A_75] : memref<20096x64xf32, #tpu.memory_space<vmem_shared>> -> memref<128x64xf32, #tpu.memory_space<vmem_shared>>
      tpu.enqueue_dma source(%arg13 : memref<128x64xf32, #tpu.memory_space<vmem>>) target(%dma_start3A_76 : memref<128x64xf32, #tpu.memory_space<vmem_shared>>) target_semaphore(%run_scoped3A : memref<!tpu.dma_semaphore, #tpu.memory_space<semaphore_mem>>)
      %dma_wait3A = arith.constant 0 : i32
      %dma_wait3A_77 = tpu.memref_slice %arg15[%add3A_12, %dma_wait3A] : memref<20096x64xf32, #tpu.memory_space<vmem_shared>> -> memref<128x64xf32, #tpu.memory_space<vmem_shared>>
      %dma_wait3A_78 = arith.constant 0 : i32
      %dma_wait3A_79 = tpu.memref_slice %arg15[%add3A_12, %dma_wait3A_78] : memref<20096x64xf32, #tpu.memory_space<vmem_shared>> -> memref<128x64xf32, #tpu.memory_space<vmem_shared>>
      tpu.wait_dma2 semaphore(%run_scoped3A : memref<!tpu.dma_semaphore, #tpu.memory_space<semaphore_mem>>) src(%arg13 : memref<128x64xf32, #tpu.memory_space<vmem>>) dst(%dma_wait3A_79 : memref<128x64xf32, #tpu.memory_space<vmem_shared>>)
      tpu.yield
    }) : () -> ()
    %add3A_13 = arith.constant 256 : i32
    %add3A_14 = arith.addi %multiple_of3A, %add3A_13 : i32
    "tpu.region"() ({
      %run_scoped3A = tpu.sem_alloc : memref<!tpu.dma_semaphore, #tpu.memory_space<semaphore_mem>>
      %dma_start3A = arith.constant 0 : i32
      %dma_start3A_74 = tpu.memref_slice %arg15[%add3A_14, %dma_start3A] : memref<20096x64xf32, #tpu.memory_space<vmem_shared>> -> memref<128x64xf32, #tpu.memory_space<vmem_shared>>
      %dma_start3A_75 = arith.constant 0 : i32
      %dma_start3A_76 = tpu.memref_slice %arg15[%add3A_14, %dma_start3A_75] : memref<20096x64xf32, #tpu.memory_space<vmem_shared>> -> memref<128x64xf32, #tpu.memory_space<vmem_shared>>
      tpu.enqueue_dma source(%arg13 : memref<128x64xf32, #tpu.memory_space<vmem>>) target(%dma_start3A_76 : memref<128x64xf32, #tpu.memory_space<vmem_shared>>) target_semaphore(%run_scoped3A : memref<!tpu.dma_semaphore, #tpu.memory_space<semaphore_mem>>)
      %dma_wait3A = arith.constant 0 : i32
      %dma_wait3A_77 = tpu.memref_slice %arg15[%add3A_14, %dma_wait3A] : memref<20096x64xf32, #tpu.memory_space<vmem_shared>> -> memref<128x64xf32, #tpu.memory_space<vmem_shared>>
      %dma_wait3A_78 = arith.constant 0 : i32
      %dma_wait3A_79 = tpu.memref_slice %arg15[%add3A_14, %dma_wait3A_78] : memref<20096x64xf32, #tpu.memory_space<vmem_shared>> -> memref<128x64xf32, #tpu.memory_space<vmem_shared>>
      tpu.wait_dma2 semaphore(%run_scoped3A : memref<!tpu.dma_semaphore, #tpu.memory_space<semaphore_mem>>) src(%arg13 : memref<128x64xf32, #tpu.memory_space<vmem>>) dst(%dma_wait3A_79 : memref<128x64xf32, #tpu.memory_space<vmem_shared>>)
      tpu.yield
    }) : () -> ()
    %add3A_15 = arith.constant 384 : i32
    %add3A_16 = arith.addi %multiple_of3A, %add3A_15 : i32
    "tpu.region"() ({
      %run_scoped3A = tpu.sem_alloc : memref<!tpu.dma_semaphore, #tpu.memory_space<semaphore_mem>>
      %dma_start3A = arith.constant 0 : i32
      %dma_start3A_74 = tpu.memref_slice %arg15[%add3A_16, %dma_start3A] : memref<20096x64xf32, #tpu.memory_space<vmem_shared>> -> memref<128x64xf32, #tpu.memory_space<vmem_shared>>
      %dma_start3A_75 = arith.constant 0 : i32
      %dma_start3A_76 = tpu.memref_slice %arg15[%add3A_16, %dma_start3A_75] : memref<20096x64xf32, #tpu.memory_space<vmem_shared>> -> memref<128x64xf32, #tpu.memory_space<vmem_shared>>
      tpu.enqueue_dma source(%arg13 : memref<128x64xf32, #tpu.memory_space<vmem>>) target(%dma_start3A_76 : memref<128x64xf32, #tpu.memory_space<vmem_shared>>) target_semaphore(%run_scoped3A : memref<!tpu.dma_semaphore, #tpu.memory_space<semaphore_mem>>)
      %dma_wait3A = arith.constant 0 : i32
      %dma_wait3A_77 = tpu.memref_slice %arg15[%add3A_16, %dma_wait3A] : memref<20096x64xf32, #tpu.memory_space<vmem_shared>> -> memref<128x64xf32, #tpu.memory_space<vmem_shared>>
      %dma_wait3A_78 = arith.constant 0 : i32
      %dma_wait3A_79 = tpu.memref_slice %arg15[%add3A_16, %dma_wait3A_78] : memref<20096x64xf32, #tpu.memory_space<vmem_shared>> -> memref<128x64xf32, #tpu.memory_space<vmem_shared>>
      tpu.wait_dma2 semaphore(%run_scoped3A : memref<!tpu.dma_semaphore, #tpu.memory_space<semaphore_mem>>) src(%arg13 : memref<128x64xf32, #tpu.memory_space<vmem>>) dst(%dma_wait3A_79 : memref<128x64xf32, #tpu.memory_space<vmem_shared>>)
      tpu.yield
    }) : () -> ()
    %add3A_17 = arith.constant 512 : i32
    %add3A_18 = arith.addi %multiple_of3A, %add3A_17 : i32
    "tpu.region"() ({
      %run_scoped3A = tpu.sem_alloc : memref<!tpu.dma_semaphore, #tpu.memory_space<semaphore_mem>>
      %dma_start3A = arith.constant 0 : i32
      %dma_start3A_74 = tpu.memref_slice %arg15[%add3A_18, %dma_start3A] : memref<20096x64xf32, #tpu.memory_space<vmem_shared>> -> memref<128x64xf32, #tpu.memory_space<vmem_shared>>
      %dma_start3A_75 = arith.constant 0 : i32
      %dma_start3A_76 = tpu.memref_slice %arg15[%add3A_18, %dma_start3A_75] : memref<20096x64xf32, #tpu.memory_space<vmem_shared>> -> memref<128x64xf32, #tpu.memory_space<vmem_shared>>
      tpu.enqueue_dma source(%arg13 : memref<128x64xf32, #tpu.memory_space<vmem>>) target(%dma_start3A_76 : memref<128x64xf32, #tpu.memory_space<vmem_shared>>) target_semaphore(%run_scoped3A : memref<!tpu.dma_semaphore, #tpu.memory_space<semaphore_mem>>)
      %dma_wait3A = arith.constant 0 : i32
      %dma_wait3A_77 = tpu.memref_slice %arg15[%add3A_18, %dma_wait3A] : memref<20096x64xf32, #tpu.memory_space<vmem_shared>> -> memref<128x64xf32, #tpu.memory_space<vmem_shared>>
      %dma_wait3A_78 = arith.constant 0 : i32
      %dma_wait3A_79 = tpu.memref_slice %arg15[%add3A_18, %dma_wait3A_78] : memref<20096x64xf32, #tpu.memory_space<vmem_shared>> -> memref<128x64xf32, #tpu.memory_space<vmem_shared>>
      tpu.wait_dma2 semaphore(%run_scoped3A : memref<!tpu.dma_semaphore, #tpu.memory_space<semaphore_mem>>) src(%arg13 : memref<128x64xf32, #tpu.memory_space<vmem>>) dst(%dma_wait3A_79 : memref<128x64xf32, #tpu.memory_space<vmem_shared>>)
      tpu.yield
    }) : () -> ()
    %add3A_19 = arith.constant 640 : i32
    %add3A_20 = arith.addi %multiple_of3A, %add3A_19 : i32
    "tpu.region"() ({
      %run_scoped3A = tpu.sem_alloc : memref<!tpu.dma_semaphore, #tpu.memory_space<semaphore_mem>>
      %dma_start3A = arith.constant 0 : i32
      %dma_start3A_74 = tpu.memref_slice %arg15[%add3A_20, %dma_start3A] : memref<20096x64xf32, #tpu.memory_space<vmem_shared>> -> memref<128x64xf32, #tpu.memory_space<vmem_shared>>
      %dma_start3A_75 = arith.constant 0 : i32
      %dma_start3A_76 = tpu.memref_slice %arg15[%add3A_20, %dma_start3A_75] : memref<20096x64xf32, #tpu.memory_space<vmem_shared>> -> memref<128x64xf32, #tpu.memory_space<vmem_shared>>
      tpu.enqueue_dma source(%arg13 : memref<128x64xf32, #tpu.memory_space<vmem>>) target(%dma_start3A_76 : memref<128x64xf32, #tpu.memory_space<vmem_shared>>) target_semaphore(%run_scoped3A : memref<!tpu.dma_semaphore, #tpu.memory_space<semaphore_mem>>)
      %dma_wait3A = arith.constant 0 : i32
      %dma_wait3A_77 = tpu.memref_slice %arg15[%add3A_20, %dma_wait3A] : memref<20096x64xf32, #tpu.memory_space<vmem_shared>> -> memref<128x64xf32, #tpu.memory_space<vmem_shared>>
      %dma_wait3A_78 = arith.constant 0 : i32
      %dma_wait3A_79 = tpu.memref_slice %arg15[%add3A_20, %dma_wait3A_78] : memref<20096x64xf32, #tpu.memory_space<vmem_shared>> -> memref<128x64xf32, #tpu.memory_space<vmem_shared>>
      tpu.wait_dma2 semaphore(%run_scoped3A : memref<!tpu.dma_semaphore, #tpu.memory_space<semaphore_mem>>) src(%arg13 : memref<128x64xf32, #tpu.memory_space<vmem>>) dst(%dma_wait3A_79 : memref<128x64xf32, #tpu.memory_space<vmem_shared>>)
      tpu.yield
    }) : () -> ()
    %add3A_21 = arith.constant 768 : i32
    %add3A_22 = arith.addi %multiple_of3A, %add3A_21 : i32
    "tpu.region"() ({
      %run_scoped3A = tpu.sem_alloc : memref<!tpu.dma_semaphore, #tpu.memory_space<semaphore_mem>>
      %dma_start3A = arith.constant 0 : i32
      %dma_start3A_74 = tpu.memref_slice %arg15[%add3A_22, %dma_start3A] : memref<20096x64xf32, #tpu.memory_space<vmem_shared>> -> memref<128x64xf32, #tpu.memory_space<vmem_shared>>
      %dma_start3A_75 = arith.constant 0 : i32
      %dma_start3A_76 = tpu.memref_slice %arg15[%add3A_22, %dma_start3A_75] : memref<20096x64xf32, #tpu.memory_space<vmem_shared>> -> memref<128x64xf32, #tpu.memory_space<vmem_shared>>
      tpu.enqueue_dma source(%arg13 : memref<128x64xf32, #tpu.memory_space<vmem>>) target(%dma_start3A_76 : memref<128x64xf32, #tpu.memory_space<vmem_shared>>) target_semaphore(%run_scoped3A : memref<!tpu.dma_semaphore, #tpu.memory_space<semaphore_mem>>)
      %dma_wait3A = arith.constant 0 : i32
      %dma_wait3A_77 = tpu.memref_slice %arg15[%add3A_22, %dma_wait3A] : memref<20096x64xf32, #tpu.memory_space<vmem_shared>> -> memref<128x64xf32, #tpu.memory_space<vmem_shared>>
      %dma_wait3A_78 = arith.constant 0 : i32
      %dma_wait3A_79 = tpu.memref_slice %arg15[%add3A_22, %dma_wait3A_78] : memref<20096x64xf32, #tpu.memory_space<vmem_shared>> -> memref<128x64xf32, #tpu.memory_space<vmem_shared>>
      tpu.wait_dma2 semaphore(%run_scoped3A : memref<!tpu.dma_semaphore, #tpu.memory_space<semaphore_mem>>) src(%arg13 : memref<128x64xf32, #tpu.memory_space<vmem>>) dst(%dma_wait3A_79 : memref<128x64xf32, #tpu.memory_space<vmem_shared>>)
      tpu.yield
    }) : () -> ()
    %add3A_23 = arith.constant 896 : i32
    %add3A_24 = arith.addi %multiple_of3A, %add3A_23 : i32
    "tpu.region"() ({
      %run_scoped3A = tpu.sem_alloc : memref<!tpu.dma_semaphore, #tpu.memory_space<semaphore_mem>>
      %dma_start3A = arith.constant 0 : i32
      %dma_start3A_74 = tpu.memref_slice %arg15[%add3A_24, %dma_start3A] : memref<20096x64xf32, #tpu.memory_space<vmem_shared>> -> memref<128x64xf32, #tpu.memory_space<vmem_shared>>
      %dma_start3A_75 = arith.constant 0 : i32
      %dma_start3A_76 = tpu.memref_slice %arg15[%add3A_24, %dma_start3A_75] : memref<20096x64xf32, #tpu.memory_space<vmem_shared>> -> memref<128x64xf32, #tpu.memory_space<vmem_shared>>
      tpu.enqueue_dma source(%arg13 : memref<128x64xf32, #tpu.memory_space<vmem>>) target(%dma_start3A_76 : memref<128x64xf32, #tpu.memory_space<vmem_shared>>) target_semaphore(%run_scoped3A : memref<!tpu.dma_semaphore, #tpu.memory_space<semaphore_mem>>)
      %dma_wait3A = arith.constant 0 : i32
      %dma_wait3A_77 = tpu.memref_slice %arg15[%add3A_24, %dma_wait3A] : memref<20096x64xf32, #tpu.memory_space<vmem_shared>> -> memref<128x64xf32, #tpu.memory_space<vmem_shared>>
      %dma_wait3A_78 = arith.constant 0 : i32
      %dma_wait3A_79 = tpu.memref_slice %arg15[%add3A_24, %dma_wait3A_78] : memref<20096x64xf32, #tpu.memory_space<vmem_shared>> -> memref<128x64xf32, #tpu.memory_space<vmem_shared>>
      tpu.wait_dma2 semaphore(%run_scoped3A : memref<!tpu.dma_semaphore, #tpu.memory_space<semaphore_mem>>) src(%arg13 : memref<128x64xf32, #tpu.memory_space<vmem>>) dst(%dma_wait3A_79 : memref<128x64xf32, #tpu.memory_space<vmem_shared>>)
      tpu.yield
    }) : () -> ()
    %add3A_25 = arith.constant 1024 : i32
    %add3A_26 = arith.addi %multiple_of3A, %add3A_25 : i32
    "tpu.region"() ({
      %run_scoped3A = tpu.sem_alloc : memref<!tpu.dma_semaphore, #tpu.memory_space<semaphore_mem>>
      %dma_start3A = arith.constant 0 : i32
      %dma_start3A_74 = tpu.memref_slice %arg15[%add3A_26, %dma_start3A] : memref<20096x64xf32, #tpu.memory_space<vmem_shared>> -> memref<128x64xf32, #tpu.memory_space<vmem_shared>>
      %dma_start3A_75 = arith.constant 0 : i32
      %dma_start3A_76 = tpu.memref_slice %arg15[%add3A_26, %dma_start3A_75] : memref<20096x64xf32, #tpu.memory_space<vmem_shared>> -> memref<128x64xf32, #tpu.memory_space<vmem_shared>>
      tpu.enqueue_dma source(%arg13 : memref<128x64xf32, #tpu.memory_space<vmem>>) target(%dma_start3A_76 : memref<128x64xf32, #tpu.memory_space<vmem_shared>>) target_semaphore(%run_scoped3A : memref<!tpu.dma_semaphore, #tpu.memory_space<semaphore_mem>>)
      %dma_wait3A = arith.constant 0 : i32
      %dma_wait3A_77 = tpu.memref_slice %arg15[%add3A_26, %dma_wait3A] : memref<20096x64xf32, #tpu.memory_space<vmem_shared>> -> memref<128x64xf32, #tpu.memory_space<vmem_shared>>
      %dma_wait3A_78 = arith.constant 0 : i32
      %dma_wait3A_79 = tpu.memref_slice %arg15[%add3A_26, %dma_wait3A_78] : memref<20096x64xf32, #tpu.memory_space<vmem_shared>> -> memref<128x64xf32, #tpu.memory_space<vmem_shared>>
      tpu.wait_dma2 semaphore(%run_scoped3A : memref<!tpu.dma_semaphore, #tpu.memory_space<semaphore_mem>>) src(%arg13 : memref<128x64xf32, #tpu.memory_space<vmem>>) dst(%dma_wait3A_79 : memref<128x64xf32, #tpu.memory_space<vmem_shared>>)
      tpu.yield
    }) : () -> ()
    %add3A_27 = arith.constant 1152 : i32
    %add3A_28 = arith.addi %multiple_of3A, %add3A_27 : i32
    "tpu.region"() ({
      %run_scoped3A = tpu.sem_alloc : memref<!tpu.dma_semaphore, #tpu.memory_space<semaphore_mem>>
      %dma_start3A = arith.constant 0 : i32
      %dma_start3A_74 = arith.constant 0 : i32
      %dma_start3A_75 = tpu.memref_slice %arg13[%dma_start3A, %dma_start3A_74] : memref<128x64xf32, #tpu.memory_space<vmem>> -> memref<104x64xf32, #tpu.memory_space<vmem>>
      %dma_start3A_76 = arith.constant 0 : i32
      %dma_start3A_77 = tpu.memref_slice %arg15[%add3A_28, %dma_start3A_76] : memref<20096x64xf32, #tpu.memory_space<vmem_shared>> -> memref<104x64xf32, #tpu.memory_space<vmem_shared>>
      %dma_start3A_78 = arith.constant 0 : i32
      %dma_start3A_79 = tpu.memref_slice %arg15[%add3A_28, %dma_start3A_78] : memref<20096x64xf32, #tpu.memory_space<vmem_shared>> -> memref<104x64xf32, #tpu.memory_space<vmem_shared>>
      %dma_start3A_80 = arith.constant 0 : i32
      %dma_start3A_81 = arith.constant 0 : i32
      %dma_start3A_82 = tpu.memref_slice %arg13[%dma_start3A_80, %dma_start3A_81] : memref<128x64xf32, #tpu.memory_space<vmem>> -> memref<104x64xf32, #tpu.memory_space<vmem>>
      tpu.enqueue_dma source(%dma_start3A_82 : memref<104x64xf32, #tpu.memory_space<vmem>>) target(%dma_start3A_79 : memref<104x64xf32, #tpu.memory_space<vmem_shared>>) target_semaphore(%run_scoped3A : memref<!tpu.dma_semaphore, #tpu.memory_space<semaphore_mem>>)
      %dma_wait3A = arith.constant 0 : i32
      %dma_wait3A_83 = arith.constant 0 : i32
      %dma_wait3A_84 = tpu.memref_slice %arg13[%dma_wait3A, %dma_wait3A_83] : memref<128x64xf32, #tpu.memory_space<vmem>> -> memref<104x64xf32, #tpu.memory_space<vmem>>
      %dma_wait3A_85 = arith.constant 0 : i32
      %dma_wait3A_86 = tpu.memref_slice %arg15[%add3A_28, %dma_wait3A_85] : memref<20096x64xf32, #tpu.memory_space<vmem_shared>> -> memref<104x64xf32, #tpu.memory_space<vmem_shared>>
      %dma_wait3A_87 = arith.constant 0 : i32
      %dma_wait3A_88 = tpu.memref_slice %arg15[%add3A_28, %dma_wait3A_87] : memref<20096x64xf32, #tpu.memory_space<vmem_shared>> -> memref<104x64xf32, #tpu.memory_space<vmem_shared>>
      %dma_wait3A_89 = arith.constant 0 : i32
      %dma_wait3A_90 = arith.constant 0 : i32
      %dma_wait3A_91 = tpu.memref_slice %arg13[%dma_wait3A_89, %dma_wait3A_90] : memref<128x64xf32, #tpu.memory_space<vmem>> -> memref<104x64xf32, #tpu.memory_space<vmem>>
      tpu.wait_dma2 semaphore(%run_scoped3A : memref<!tpu.dma_semaphore, #tpu.memory_space<semaphore_mem>>) src(%dma_wait3A_91 : memref<104x64xf32, #tpu.memory_space<vmem>>) dst(%dma_wait3A_88 : memref<104x64xf32, #tpu.memory_space<vmem_shared>>)
      tpu.yield
    }) : () -> ()
    %eq3A = arith.constant 0 : i32
    %eq3A_29 = arith.cmpi eq, %arg0, %eq3A : i32
    %convert_element_type3A = arith.extui %eq3A_29 : i1 to i32
    %cond3A = arith.constant 0 : i32
    %cond3A_30 = arith.cmpi ne, %convert_element_type3A, %cond3A : i32
    scf.if %cond3A_30 {
      %add3A_74 = arith.constant 0 : i32
      %add3A_75 = arith.addi %multiple_of3A, %add3A_74 : i32
      "tpu.region"() ({
        %run_scoped3A = tpu.sem_alloc : memref<!tpu.dma_semaphore, #tpu.memory_space<semaphore_mem>>
        %dma_start3A = arith.constant 0 : i32
        %dma_start3A_94 = tpu.memref_slice %arg16[%add3A_75, %dma_start3A] : memref<20096x16xf32, #tpu.memory_space<vmem_shared>> -> memref<128x16xf32, #tpu.memory_space<vmem_shared>>
        %dma_start3A_95 = arith.constant 0 : i32
        %dma_start3A_96 = tpu.memref_slice %arg16[%add3A_75, %dma_start3A_95] : memref<20096x16xf32, #tpu.memory_space<vmem_shared>> -> memref<128x16xf32, #tpu.memory_space<vmem_shared>>
        tpu.enqueue_dma source(%arg14 : memref<128x16xf32, #tpu.memory_space<vmem>>) target(%dma_start3A_96 : memref<128x16xf32, #tpu.memory_space<vmem_shared>>) target_semaphore(%run_scoped3A : memref<!tpu.dma_semaphore, #tpu.memory_space<semaphore_mem>>)
        %dma_wait3A = arith.constant 0 : i32
        %dma_wait3A_97 = tpu.memref_slice %arg16[%add3A_75, %dma_wait3A] : memref<20096x16xf32, #tpu.memory_space<vmem_shared>> -> memref<128x16xf32, #tpu.memory_space<vmem_shared>>
        %dma_wait3A_98 = arith.constant 0 : i32
        %dma_wait3A_99 = tpu.memref_slice %arg16[%add3A_75, %dma_wait3A_98] : memref<20096x16xf32, #tpu.memory_space<vmem_shared>> -> memref<128x16xf32, #tpu.memory_space<vmem_shared>>
        tpu.wait_dma2 semaphore(%run_scoped3A : memref<!tpu.dma_semaphore, #tpu.memory_space<semaphore_mem>>) src(%arg14 : memref<128x16xf32, #tpu.memory_space<vmem>>) dst(%dma_wait3A_99 : memref<128x16xf32, #tpu.memory_space<vmem_shared>>)
        tpu.yield
      }) : () -> ()
      %add3A_76 = arith.constant 128 : i32
      %add3A_77 = arith.addi %multiple_of3A, %add3A_76 : i32
      "tpu.region"() ({
        %run_scoped3A = tpu.sem_alloc : memref<!tpu.dma_semaphore, #tpu.memory_space<semaphore_mem>>
        %dma_start3A = arith.constant 0 : i32
        %dma_start3A_94 = tpu.memref_slice %arg16[%add3A_77, %dma_start3A] : memref<20096x16xf32, #tpu.memory_space<vmem_shared>> -> memref<128x16xf32, #tpu.memory_space<vmem_shared>>
        %dma_start3A_95 = arith.constant 0 : i32
        %dma_start3A_96 = tpu.memref_slice %arg16[%add3A_77, %dma_start3A_95] : memref<20096x16xf32, #tpu.memory_space<vmem_shared>> -> memref<128x16xf32, #tpu.memory_space<vmem_shared>>
        tpu.enqueue_dma source(%arg14 : memref<128x16xf32, #tpu.memory_space<vmem>>) target(%dma_start3A_96 : memref<128x16xf32, #tpu.memory_space<vmem_shared>>) target_semaphore(%run_scoped3A : memref<!tpu.dma_semaphore, #tpu.memory_space<semaphore_mem>>)
        %dma_wait3A = arith.constant 0 : i32
        %dma_wait3A_97 = tpu.memref_slice %arg16[%add3A_77, %dma_wait3A] : memref<20096x16xf32, #tpu.memory_space<vmem_shared>> -> memref<128x16xf32, #tpu.memory_space<vmem_shared>>
        %dma_wait3A_98 = arith.constant 0 : i32
        %dma_wait3A_99 = tpu.memref_slice %arg16[%add3A_77, %dma_wait3A_98] : memref<20096x16xf32, #tpu.memory_space<vmem_shared>> -> memref<128x16xf32, #tpu.memory_space<vmem_shared>>
        tpu.wait_dma2 semaphore(%run_scoped3A : memref<!tpu.dma_semaphore, #tpu.memory_space<semaphore_mem>>) src(%arg14 : memref<128x16xf32, #tpu.memory_space<vmem>>) dst(%dma_wait3A_99 : memref<128x16xf32, #tpu.memory_space<vmem_shared>>)
        tpu.yield
      }) : () -> ()
      %add3A_78 = arith.constant 256 : i32
      %add3A_79 = arith.addi %multiple_of3A, %add3A_78 : i32
      "tpu.region"() ({
        %run_scoped3A = tpu.sem_alloc : memref<!tpu.dma_semaphore, #tpu.memory_space<semaphore_mem>>
        %dma_start3A = arith.constant 0 : i32
        %dma_start3A_94 = tpu.memref_slice %arg16[%add3A_79, %dma_start3A] : memref<20096x16xf32, #tpu.memory_space<vmem_shared>> -> memref<128x16xf32, #tpu.memory_space<vmem_shared>>
        %dma_start3A_95 = arith.constant 0 : i32
        %dma_start3A_96 = tpu.memref_slice %arg16[%add3A_79, %dma_start3A_95] : memref<20096x16xf32, #tpu.memory_space<vmem_shared>> -> memref<128x16xf32, #tpu.memory_space<vmem_shared>>
        tpu.enqueue_dma source(%arg14 : memref<128x16xf32, #tpu.memory_space<vmem>>) target(%dma_start3A_96 : memref<128x16xf32, #tpu.memory_space<vmem_shared>>) target_semaphore(%run_scoped3A : memref<!tpu.dma_semaphore, #tpu.memory_space<semaphore_mem>>)
        %dma_wait3A = arith.constant 0 : i32
        %dma_wait3A_97 = tpu.memref_slice %arg16[%add3A_79, %dma_wait3A] : memref<20096x16xf32, #tpu.memory_space<vmem_shared>> -> memref<128x16xf32, #tpu.memory_space<vmem_shared>>
        %dma_wait3A_98 = arith.constant 0 : i32
        %dma_wait3A_99 = tpu.memref_slice %arg16[%add3A_79, %dma_wait3A_98] : memref<20096x16xf32, #tpu.memory_space<vmem_shared>> -> memref<128x16xf32, #tpu.memory_space<vmem_shared>>
        tpu.wait_dma2 semaphore(%run_scoped3A : memref<!tpu.dma_semaphore, #tpu.memory_space<semaphore_mem>>) src(%arg14 : memref<128x16xf32, #tpu.memory_space<vmem>>) dst(%dma_wait3A_99 : memref<128x16xf32, #tpu.memory_space<vmem_shared>>)
        tpu.yield
      }) : () -> ()
      %add3A_80 = arith.constant 384 : i32
      %add3A_81 = arith.addi %multiple_of3A, %add3A_80 : i32
      "tpu.region"() ({
        %run_scoped3A = tpu.sem_alloc : memref<!tpu.dma_semaphore, #tpu.memory_space<semaphore_mem>>
        %dma_start3A = arith.constant 0 : i32
        %dma_start3A_94 = tpu.memref_slice %arg16[%add3A_81, %dma_start3A] : memref<20096x16xf32, #tpu.memory_space<vmem_shared>> -> memref<128x16xf32, #tpu.memory_space<vmem_shared>>
        %dma_start3A_95 = arith.constant 0 : i32
        %dma_start3A_96 = tpu.memref_slice %arg16[%add3A_81, %dma_start3A_95] : memref<20096x16xf32, #tpu.memory_space<vmem_shared>> -> memref<128x16xf32, #tpu.memory_space<vmem_shared>>
        tpu.enqueue_dma source(%arg14 : memref<128x16xf32, #tpu.memory_space<vmem>>) target(%dma_start3A_96 : memref<128x16xf32, #tpu.memory_space<vmem_shared>>) target_semaphore(%run_scoped3A : memref<!tpu.dma_semaphore, #tpu.memory_space<semaphore_mem>>)
        %dma_wait3A = arith.constant 0 : i32
        %dma_wait3A_97 = tpu.memref_slice %arg16[%add3A_81, %dma_wait3A] : memref<20096x16xf32, #tpu.memory_space<vmem_shared>> -> memref<128x16xf32, #tpu.memory_space<vmem_shared>>
        %dma_wait3A_98 = arith.constant 0 : i32
        %dma_wait3A_99 = tpu.memref_slice %arg16[%add3A_81, %dma_wait3A_98] : memref<20096x16xf32, #tpu.memory_space<vmem_shared>> -> memref<128x16xf32, #tpu.memory_space<vmem_shared>>
        tpu.wait_dma2 semaphore(%run_scoped3A : memref<!tpu.dma_semaphore, #tpu.memory_space<semaphore_mem>>) src(%arg14 : memref<128x16xf32, #tpu.memory_space<vmem>>) dst(%dma_wait3A_99 : memref<128x16xf32, #tpu.memory_space<vmem_shared>>)
        tpu.yield
      }) : () -> ()
      %add3A_82 = arith.constant 512 : i32
      %add3A_83 = arith.addi %multiple_of3A, %add3A_82 : i32
      "tpu.region"() ({
        %run_scoped3A = tpu.sem_alloc : memref<!tpu.dma_semaphore, #tpu.memory_space<semaphore_mem>>
        %dma_start3A = arith.constant 0 : i32
        %dma_start3A_94 = tpu.memref_slice %arg16[%add3A_83, %dma_start3A] : memref<20096x16xf32, #tpu.memory_space<vmem_shared>> -> memref<128x16xf32, #tpu.memory_space<vmem_shared>>
        %dma_start3A_95 = arith.constant 0 : i32
        %dma_start3A_96 = tpu.memref_slice %arg16[%add3A_83, %dma_start3A_95] : memref<20096x16xf32, #tpu.memory_space<vmem_shared>> -> memref<128x16xf32, #tpu.memory_space<vmem_shared>>
        tpu.enqueue_dma source(%arg14 : memref<128x16xf32, #tpu.memory_space<vmem>>) target(%dma_start3A_96 : memref<128x16xf32, #tpu.memory_space<vmem_shared>>) target_semaphore(%run_scoped3A : memref<!tpu.dma_semaphore, #tpu.memory_space<semaphore_mem>>)
        %dma_wait3A = arith.constant 0 : i32
        %dma_wait3A_97 = tpu.memref_slice %arg16[%add3A_83, %dma_wait3A] : memref<20096x16xf32, #tpu.memory_space<vmem_shared>> -> memref<128x16xf32, #tpu.memory_space<vmem_shared>>
        %dma_wait3A_98 = arith.constant 0 : i32
        %dma_wait3A_99 = tpu.memref_slice %arg16[%add3A_83, %dma_wait3A_98] : memref<20096x16xf32, #tpu.memory_space<vmem_shared>> -> memref<128x16xf32, #tpu.memory_space<vmem_shared>>
        tpu.wait_dma2 semaphore(%run_scoped3A : memref<!tpu.dma_semaphore, #tpu.memory_space<semaphore_mem>>) src(%arg14 : memref<128x16xf32, #tpu.memory_space<vmem>>) dst(%dma_wait3A_99 : memref<128x16xf32, #tpu.memory_space<vmem_shared>>)
        tpu.yield
      }) : () -> ()
      %add3A_84 = arith.constant 640 : i32
      %add3A_85 = arith.addi %multiple_of3A, %add3A_84 : i32
      "tpu.region"() ({
        %run_scoped3A = tpu.sem_alloc : memref<!tpu.dma_semaphore, #tpu.memory_space<semaphore_mem>>
        %dma_start3A = arith.constant 0 : i32
        %dma_start3A_94 = tpu.memref_slice %arg16[%add3A_85, %dma_start3A] : memref<20096x16xf32, #tpu.memory_space<vmem_shared>> -> memref<128x16xf32, #tpu.memory_space<vmem_shared>>
        %dma_start3A_95 = arith.constant 0 : i32
        %dma_start3A_96 = tpu.memref_slice %arg16[%add3A_85, %dma_start3A_95] : memref<20096x16xf32, #tpu.memory_space<vmem_shared>> -> memref<128x16xf32, #tpu.memory_space<vmem_shared>>
        tpu.enqueue_dma source(%arg14 : memref<128x16xf32, #tpu.memory_space<vmem>>) target(%dma_start3A_96 : memref<128x16xf32, #tpu.memory_space<vmem_shared>>) target_semaphore(%run_scoped3A : memref<!tpu.dma_semaphore, #tpu.memory_space<semaphore_mem>>)
        %dma_wait3A = arith.constant 0 : i32
        %dma_wait3A_97 = tpu.memref_slice %arg16[%add3A_85, %dma_wait3A] : memref<20096x16xf32, #tpu.memory_space<vmem_shared>> -> memref<128x16xf32, #tpu.memory_space<vmem_shared>>
        %dma_wait3A_98 = arith.constant 0 : i32
        %dma_wait3A_99 = tpu.memref_slice %arg16[%add3A_85, %dma_wait3A_98] : memref<20096x16xf32, #tpu.memory_space<vmem_shared>> -> memref<128x16xf32, #tpu.memory_space<vmem_shared>>
        tpu.wait_dma2 semaphore(%run_scoped3A : memref<!tpu.dma_semaphore, #tpu.memory_space<semaphore_mem>>) src(%arg14 : memref<128x16xf32, #tpu.memory_space<vmem>>) dst(%dma_wait3A_99 : memref<128x16xf32, #tpu.memory_space<vmem_shared>>)
        tpu.yield
      }) : () -> ()
      %add3A_86 = arith.constant 768 : i32
      %add3A_87 = arith.addi %multiple_of3A, %add3A_86 : i32
      "tpu.region"() ({
        %run_scoped3A = tpu.sem_alloc : memref<!tpu.dma_semaphore, #tpu.memory_space<semaphore_mem>>
        %dma_start3A = arith.constant 0 : i32
        %dma_start3A_94 = tpu.memref_slice %arg16[%add3A_87, %dma_start3A] : memref<20096x16xf32, #tpu.memory_space<vmem_shared>> -> memref<128x16xf32, #tpu.memory_space<vmem_shared>>
        %dma_start3A_95 = arith.constant 0 : i32
        %dma_start3A_96 = tpu.memref_slice %arg16[%add3A_87, %dma_start3A_95] : memref<20096x16xf32, #tpu.memory_space<vmem_shared>> -> memref<128x16xf32, #tpu.memory_space<vmem_shared>>
        tpu.enqueue_dma source(%arg14 : memref<128x16xf32, #tpu.memory_space<vmem>>) target(%dma_start3A_96 : memref<128x16xf32, #tpu.memory_space<vmem_shared>>) target_semaphore(%run_scoped3A : memref<!tpu.dma_semaphore, #tpu.memory_space<semaphore_mem>>)
        %dma_wait3A = arith.constant 0 : i32
        %dma_wait3A_97 = tpu.memref_slice %arg16[%add3A_87, %dma_wait3A] : memref<20096x16xf32, #tpu.memory_space<vmem_shared>> -> memref<128x16xf32, #tpu.memory_space<vmem_shared>>
        %dma_wait3A_98 = arith.constant 0 : i32
        %dma_wait3A_99 = tpu.memref_slice %arg16[%add3A_87, %dma_wait3A_98] : memref<20096x16xf32, #tpu.memory_space<vmem_shared>> -> memref<128x16xf32, #tpu.memory_space<vmem_shared>>
        tpu.wait_dma2 semaphore(%run_scoped3A : memref<!tpu.dma_semaphore, #tpu.memory_space<semaphore_mem>>) src(%arg14 : memref<128x16xf32, #tpu.memory_space<vmem>>) dst(%dma_wait3A_99 : memref<128x16xf32, #tpu.memory_space<vmem_shared>>)
        tpu.yield
      }) : () -> ()
      %add3A_88 = arith.constant 896 : i32
      %add3A_89 = arith.addi %multiple_of3A, %add3A_88 : i32
      "tpu.region"() ({
        %run_scoped3A = tpu.sem_alloc : memref<!tpu.dma_semaphore, #tpu.memory_space<semaphore_mem>>
        %dma_start3A = arith.constant 0 : i32
        %dma_start3A_94 = tpu.memref_slice %arg16[%add3A_89, %dma_start3A] : memref<20096x16xf32, #tpu.memory_space<vmem_shared>> -> memref<128x16xf32, #tpu.memory_space<vmem_shared>>
        %dma_start3A_95 = arith.constant 0 : i32
        %dma_start3A_96 = tpu.memref_slice %arg16[%add3A_89, %dma_start3A_95] : memref<20096x16xf32, #tpu.memory_space<vmem_shared>> -> memref<128x16xf32, #tpu.memory_space<vmem_shared>>
        tpu.enqueue_dma source(%arg14 : memref<128x16xf32, #tpu.memory_space<vmem>>) target(%dma_start3A_96 : memref<128x16xf32, #tpu.memory_space<vmem_shared>>) target_semaphore(%run_scoped3A : memref<!tpu.dma_semaphore, #tpu.memory_space<semaphore_mem>>)
        %dma_wait3A = arith.constant 0 : i32
        %dma_wait3A_97 = tpu.memref_slice %arg16[%add3A_89, %dma_wait3A] : memref<20096x16xf32, #tpu.memory_space<vmem_shared>> -> memref<128x16xf32, #tpu.memory_space<vmem_shared>>
        %dma_wait3A_98 = arith.constant 0 : i32
        %dma_wait3A_99 = tpu.memref_slice %arg16[%add3A_89, %dma_wait3A_98] : memref<20096x16xf32, #tpu.memory_space<vmem_shared>> -> memref<128x16xf32, #tpu.memory_space<vmem_shared>>
        tpu.wait_dma2 semaphore(%run_scoped3A : memref<!tpu.dma_semaphore, #tpu.memory_space<semaphore_mem>>) src(%arg14 : memref<128x16xf32, #tpu.memory_space<vmem>>) dst(%dma_wait3A_99 : memref<128x16xf32, #tpu.memory_space<vmem_shared>>)
        tpu.yield
      }) : () -> ()
      %add3A_90 = arith.constant 1024 : i32
      %add3A_91 = arith.addi %multiple_of3A, %add3A_90 : i32
      "tpu.region"() ({
        %run_scoped3A = tpu.sem_alloc : memref<!tpu.dma_semaphore, #tpu.memory_space<semaphore_mem>>
        %dma_start3A = arith.constant 0 : i32
        %dma_start3A_94 = tpu.memref_slice %arg16[%add3A_91, %dma_start3A] : memref<20096x16xf32, #tpu.memory_space<vmem_shared>> -> memref<128x16xf32, #tpu.memory_space<vmem_shared>>
        %dma_start3A_95 = arith.constant 0 : i32
        %dma_start3A_96 = tpu.memref_slice %arg16[%add3A_91, %dma_start3A_95] : memref<20096x16xf32, #tpu.memory_space<vmem_shared>> -> memref<128x16xf32, #tpu.memory_space<vmem_shared>>
        tpu.enqueue_dma source(%arg14 : memref<128x16xf32, #tpu.memory_space<vmem>>) target(%dma_start3A_96 : memref<128x16xf32, #tpu.memory_space<vmem_shared>>) target_semaphore(%run_scoped3A : memref<!tpu.dma_semaphore, #tpu.memory_space<semaphore_mem>>)
        %dma_wait3A = arith.constant 0 : i32
        %dma_wait3A_97 = tpu.memref_slice %arg16[%add3A_91, %dma_wait3A] : memref<20096x16xf32, #tpu.memory_space<vmem_shared>> -> memref<128x16xf32, #tpu.memory_space<vmem_shared>>
        %dma_wait3A_98 = arith.constant 0 : i32
        %dma_wait3A_99 = tpu.memref_slice %arg16[%add3A_91, %dma_wait3A_98] : memref<20096x16xf32, #tpu.memory_space<vmem_shared>> -> memref<128x16xf32, #tpu.memory_space<vmem_shared>>
        tpu.wait_dma2 semaphore(%run_scoped3A : memref<!tpu.dma_semaphore, #tpu.memory_space<semaphore_mem>>) src(%arg14 : memref<128x16xf32, #tpu.memory_space<vmem>>) dst(%dma_wait3A_99 : memref<128x16xf32, #tpu.memory_space<vmem_shared>>)
        tpu.yield
      }) : () -> ()
      %add3A_92 = arith.constant 1152 : i32
      %add3A_93 = arith.addi %multiple_of3A, %add3A_92 : i32
      "tpu.region"() ({
        %run_scoped3A = tpu.sem_alloc : memref<!tpu.dma_semaphore, #tpu.memory_space<semaphore_mem>>
        %dma_start3A = arith.constant 0 : i32
        %dma_start3A_94 = arith.constant 0 : i32
        %dma_start3A_95 = tpu.memref_slice %arg14[%dma_start3A, %dma_start3A_94] : memref<128x16xf32, #tpu.memory_space<vmem>> -> memref<104x16xf32, #tpu.memory_space<vmem>>
        %dma_start3A_96 = arith.constant 0 : i32
        %dma_start3A_97 = tpu.memref_slice %arg16[%add3A_93, %dma_start3A_96] : memref<20096x16xf32, #tpu.memory_space<vmem_shared>> -> memref<104x16xf32, #tpu.memory_space<vmem_shared>>
        %dma_start3A_98 = arith.constant 0 : i32
        %dma_start3A_99 = tpu.memref_slice %arg16[%add3A_93, %dma_start3A_98] : memref<20096x16xf32, #tpu.memory_space<vmem_shared>> -> memref<104x16xf32, #tpu.memory_space<vmem_shared>>
        %dma_start3A_100 = arith.constant 0 : i32
        %dma_start3A_101 = arith.constant 0 : i32
        %dma_start3A_102 = tpu.memref_slice %arg14[%dma_start3A_100, %dma_start3A_101] : memref<128x16xf32, #tpu.memory_space<vmem>> -> memref<104x16xf32, #tpu.memory_space<vmem>>
        tpu.enqueue_dma source(%dma_start3A_102 : memref<104x16xf32, #tpu.memory_space<vmem>>) target(%dma_start3A_99 : memref<104x16xf32, #tpu.memory_space<vmem_shared>>) target_semaphore(%run_scoped3A : memref<!tpu.dma_semaphore, #tpu.memory_space<semaphore_mem>>)
        %dma_wait3A = arith.constant 0 : i32
        %dma_wait3A_103 = arith.constant 0 : i32
        %dma_wait3A_104 = tpu.memref_slice %arg14[%dma_wait3A, %dma_wait3A_103] : memref<128x16xf32, #tpu.memory_space<vmem>> -> memref<104x16xf32, #tpu.memory_space<vmem>>
        %dma_wait3A_105 = arith.constant 0 : i32
        %dma_wait3A_106 = tpu.memref_slice %arg16[%add3A_93, %dma_wait3A_105] : memref<20096x16xf32, #tpu.memory_space<vmem_shared>> -> memref<104x16xf32, #tpu.memory_space<vmem_shared>>
        %dma_wait3A_107 = arith.constant 0 : i32
        %dma_wait3A_108 = tpu.memref_slice %arg16[%add3A_93, %dma_wait3A_107] : memref<20096x16xf32, #tpu.memory_space<vmem_shared>> -> memref<104x16xf32, #tpu.memory_space<vmem_shared>>
        %dma_wait3A_109 = arith.constant 0 : i32
        %dma_wait3A_110 = arith.constant 0 : i32
        %dma_wait3A_111 = tpu.memref_slice %arg14[%dma_wait3A_109, %dma_wait3A_110] : memref<128x16xf32, #tpu.memory_space<vmem>> -> memref<104x16xf32, #tpu.memory_space<vmem>>
        tpu.wait_dma2 semaphore(%run_scoped3A : memref<!tpu.dma_semaphore, #tpu.memory_space<semaphore_mem>>) src(%dma_wait3A_111 : memref<104x16xf32, #tpu.memory_space<vmem>>) dst(%dma_wait3A_108 : memref<104x16xf32, #tpu.memory_space<vmem_shared>>)
        tpu.yield
      }) : () -> ()
    } else {
    }
    %barrier3A = arith.constant 0 : index
    tpu.barrier barrier_id(%barrier3A)
    %sub3A = arith.constant 2500 : i32
    %sub3A_31 = arith.subi %sub3A, %arg1 : i32
    %add3A_32 = arith.constant 16 : i32
    %add3A_33 = arith.addi %sub3A_31, %add3A_32 : i32
    %sub3A_34 = arith.constant 1 : i32
    %sub3A_35 = arith.subi %add3A_33, %sub3A_34 : i32
    %jit3A = arith.constant 16 : i32
    %div3A = arith.divsi %sub3A_35, %jit3A : i32
    %sign3A = arith.constant 0 : i32
    %sign3A_36 = arith.cmpi sgt, %sub3A_35, %sign3A : i32
    %sign3A_37 = arith.extui %sign3A_36 : i1 to i32
    %sign3A_38 = arith.constant 0 : i32
    %sign3A_39 = arith.cmpi slt, %sub3A_35, %sign3A_38 : i32
    %sign3A_40 = arith.extui %sign3A_39 : i1 to i32
    %sign3A_41 = arith.subi %sign3A_37, %sign3A_40 : i32
    %sign3A_42 = arith.constant 0 : i32
    %sign3A_43 = arith.cmpi sgt, %jit3A, %sign3A_42 : i32
    %sign3A_44 = arith.extui %sign3A_43 : i1 to i32
    %sign3A_45 = arith.constant 0 : i32
    %sign3A_46 = arith.cmpi slt, %jit3A, %sign3A_45 : i32
    %sign3A_47 = arith.extui %sign3A_46 : i1 to i32
    %sign3A_48 = arith.subi %sign3A_44, %sign3A_47 : i32
    %ne3A = arith.cmpi ne, %sign3A_41, %sign3A_48 : i32
    %rem3A = arith.remsi %sub3A_35, %jit3A : i32
    %ne3A_49 = arith.constant 0 : i32
    %ne3A_50 = arith.cmpi ne, %rem3A, %ne3A_49 : i32
    %and3A = arith.andi %ne3A, %ne3A_50 : i1
    %sub3A_51 = arith.constant 1 : i32
    %sub3A_52 = arith.subi %div3A, %sub3A_51 : i32
    %select_n3A = arith.select %and3A, %sub3A_52, %div3A : i32
    %eq3A_53 = arith.constant 0 : i32
    %eq3A_54 = arith.cmpi eq, %arg0, %eq3A_53 : i32
    %convert_element_type3A_55 = arith.extui %eq3A_54 : i1 to i32
    %cond3A_56 = arith.constant 0 : i32
    %cond3A_57 = arith.cmpi ne, %convert_element_type3A_55, %cond3A_56 : i32
    scf.if %cond3A_57 {
      %while3A = arith.constant 0 : i32
      %while3A_74 = arith.constant 0 : i32
      %while3A_75 = arith.subi %select_n3A, %while3A : i32
      %while3A_76 = arith.addi %while3A, %while3A_75 : i32
      %while3A_77 = arith.constant 1 : i32
      %while3A_78 = arith.divsi %while3A_75, %while3A_77 : i32
      %while3A_79 = arith.muli %while3A_78, %while3A_77 : i32
      %while3A_80 = arith.addi %while3A, %while3A_79 : i32
      %while3A_81 = arith.constant 1 : i32
      %while3A_82 = scf.for %while3A_85 = %while3A to %while3A_80 step %while3A_81 iter_args(%while3A_86 = %while3A_74) -> (i32)  : i32 {
        %mul3A_87 = arith.constant 16 : i32
        %mul3A_88 = arith.muli %while3A_85, %mul3A_87 : i32
        %add3A_89 = arith.addi %arg1, %mul3A_88 : i32
        %mul3A_90 = arith.constant 128 : i32
        %mul3A_91 = arith.muli %add3A_89, %mul3A_90 : i32
        "tpu.region"() ({
          %run_scoped3A = tpu.sem_alloc : memref<!tpu.dma_semaphore, #tpu.memory_space<semaphore_mem>>
          %dma_start3A_97 = tpu.memref_slice %arg4[%mul3A_91] : memref<320000xi32, #tpu.memory_space<hbm>> -> memref<128xi32, #tpu.memory_space<hbm>>
          %dma_start3A_98 = tpu.memref_slice %arg4[%mul3A_91] : memref<320000xi32, #tpu.memory_space<hbm>> -> memref<128xi32, #tpu.memory_space<hbm>>
          tpu.enqueue_dma source(%dma_start3A_98 : memref<128xi32, #tpu.memory_space<hbm>>) target(%arg9 : memref<128xi32, #tpu.memory_space<vmem>>) target_semaphore(%run_scoped3A : memref<!tpu.dma_semaphore, #tpu.memory_space<semaphore_mem>>)
          %dma_wait3A_99 = tpu.memref_slice %arg4[%mul3A_91] : memref<320000xi32, #tpu.memory_space<hbm>> -> memref<128xi32, #tpu.memory_space<hbm>>
          %dma_wait3A_100 = tpu.memref_slice %arg4[%mul3A_91] : memref<320000xi32, #tpu.memory_space<hbm>> -> memref<128xi32, #tpu.memory_space<hbm>>
          tpu.wait_dma2 semaphore(%run_scoped3A : memref<!tpu.dma_semaphore, #tpu.memory_space<semaphore_mem>>) src(%dma_wait3A_100 : memref<128xi32, #tpu.memory_space<hbm>>) dst(%arg9 : memref<128xi32, #tpu.memory_space<vmem>>)
          tpu.yield
        }) : () -> ()
        "tpu.region"() ({
          %run_scoped3A = tpu.sem_alloc : memref<!tpu.dma_semaphore, #tpu.memory_space<semaphore_mem>>
          %dma_start3A_97 = tpu.memref_slice %arg5[%mul3A_91] : memref<320000xi32, #tpu.memory_space<hbm>> -> memref<128xi32, #tpu.memory_space<hbm>>
          %dma_start3A_98 = tpu.memref_slice %arg5[%mul3A_91] : memref<320000xi32, #tpu.memory_space<hbm>> -> memref<128xi32, #tpu.memory_space<hbm>>
          tpu.enqueue_dma source(%dma_start3A_98 : memref<128xi32, #tpu.memory_space<hbm>>) target(%arg10 : memref<128xi32, #tpu.memory_space<vmem>>) target_semaphore(%run_scoped3A : memref<!tpu.dma_semaphore, #tpu.memory_space<semaphore_mem>>)
          %dma_wait3A_99 = tpu.memref_slice %arg5[%mul3A_91] : memref<320000xi32, #tpu.memory_space<hbm>> -> memref<128xi32, #tpu.memory_space<hbm>>
          %dma_wait3A_100 = tpu.memref_slice %arg5[%mul3A_91] : memref<320000xi32, #tpu.memory_space<hbm>> -> memref<128xi32, #tpu.memory_space<hbm>>
          tpu.wait_dma2 semaphore(%run_scoped3A : memref<!tpu.dma_semaphore, #tpu.memory_space<semaphore_mem>>) src(%dma_wait3A_100 : memref<128xi32, #tpu.memory_space<hbm>>) dst(%arg10 : memref<128xi32, #tpu.memory_space<vmem>>)
          tpu.yield
        }) : () -> ()
        %dma_start3A = arith.constant 0 : i32
        %dma_start3A_92 = arith.constant 0 : i32
        %dma_start3A_93 = tpu.memref_slice %arg2[%dma_start3A, %dma_start3A_92] : memref<20000x64xf32, #tpu.memory_space<hbm>> -> memref<20000x64xf32, #tpu.memory_space<hbm>>
        tpu.enqueue_indirect_dma source(%dma_start3A_93 : memref<20000x64xf32, #tpu.memory_space<hbm>>) target(%arg11 : memref<128x64xf32, #tpu.memory_space<vmem>>) offsets(%arg9 : memref<128xi32, #tpu.memory_space<vmem>>) semaphore(%arg17 : memref<!tpu.dma_semaphore, #tpu.memory_space<semaphore_mem>>)
        %dma_wait3A = arith.constant 0 : i32
        %dma_wait3A_94 = arith.constant 0 : i32
        %dma_wait3A_95 = tpu.memref_slice %arg2[%dma_wait3A, %dma_wait3A_94] : memref<20000x64xf32, #tpu.memory_space<hbm>> -> memref<20000x64xf32, #tpu.memory_space<hbm>>
        tpu.wait_indirect_dma semaphore(%arg17 : memref<!tpu.dma_semaphore, #tpu.memory_space<semaphore_mem>>) src(%dma_wait3A_95 : memref<20000x64xf32, #tpu.memory_space<hbm>>) dst(%arg11 : memref<128x64xf32, #tpu.memory_space<vmem>>)
        "tpu.region"() ({
          %run_scoped3A = tpu.sem_alloc : memref<!tpu.dma_semaphore, #tpu.memory_space<semaphore_mem>>
          %dma_start3A_97 = arith.constant 0 : i32
          %dma_start3A_98 = arith.constant 0 : i32
          %dma_start3A_99 = tpu.memref_slice %arg15[%dma_start3A_97, %dma_start3A_98] : memref<20096x64xf32, #tpu.memory_space<vmem_shared>> -> memref<20096x64xf32, #tpu.memory_space<vmem_shared>>
          tpu.enqueue_indirect_dma source(%arg11 : memref<128x64xf32, #tpu.memory_space<vmem>>) target(%dma_start3A_99 : memref<20096x64xf32, #tpu.memory_space<vmem_shared>>) offsets(%arg10 : memref<128xi32, #tpu.memory_space<vmem>>) semaphore(%run_scoped3A : memref<!tpu.dma_semaphore, #tpu.memory_space<semaphore_mem>>) {add = true}
          %dma_wait3A_100 = arith.constant 0 : i32
          %dma_wait3A_101 = arith.constant 0 : i32
          %dma_wait3A_102 = tpu.memref_slice %arg15[%dma_wait3A_100, %dma_wait3A_101] : memref<20096x64xf32, #tpu.memory_space<vmem_shared>> -> memref<20096x64xf32, #tpu.memory_space<vmem_shared>>
          tpu.wait_indirect_dma semaphore(%run_scoped3A : memref<!tpu.dma_semaphore, #tpu.memory_space<semaphore_mem>>) src(%arg11 : memref<128x64xf32, #tpu.memory_space<vmem>>) dst(%dma_wait3A_102 : memref<20096x64xf32, #tpu.memory_space<vmem_shared>>)
          tpu.yield
        }) : () -> ()
        "tpu.region"() ({
          %run_scoped3A = tpu.sem_alloc : memref<!tpu.dma_semaphore, #tpu.memory_space<semaphore_mem>>
          %dma_start3A_97 = arith.constant 0 : i32
          %dma_start3A_98 = arith.constant 0 : i32
          %dma_start3A_99 = tpu.memref_slice %arg16[%dma_start3A_97, %dma_start3A_98] : memref<20096x16xf32, #tpu.memory_space<vmem_shared>> -> memref<20096x16xf32, #tpu.memory_space<vmem_shared>>
          tpu.enqueue_indirect_dma source(%arg12 : memref<128x16xf32, #tpu.memory_space<vmem>>) target(%dma_start3A_99 : memref<20096x16xf32, #tpu.memory_space<vmem_shared>>) offsets(%arg10 : memref<128xi32, #tpu.memory_space<vmem>>) semaphore(%run_scoped3A : memref<!tpu.dma_semaphore, #tpu.memory_space<semaphore_mem>>) {add = true}
          %dma_wait3A_100 = arith.constant 0 : i32
          %dma_wait3A_101 = arith.constant 0 : i32
          %dma_wait3A_102 = tpu.memref_slice %arg16[%dma_wait3A_100, %dma_wait3A_101] : memref<20096x16xf32, #tpu.memory_space<vmem_shared>> -> memref<20096x16xf32, #tpu.memory_space<vmem_shared>>
          tpu.wait_indirect_dma semaphore(%run_scoped3A : memref<!tpu.dma_semaphore, #tpu.memory_space<semaphore_mem>>) src(%arg12 : memref<128x16xf32, #tpu.memory_space<vmem>>) dst(%dma_wait3A_102 : memref<20096x16xf32, #tpu.memory_space<vmem_shared>>)
          tpu.yield
        }) : () -> ()
        %while3A_96 = arith.constant 0 : i32
        scf.yield %while3A_96 : i32
      }
      %while3A_83 = arith.constant 1 : i32
      %while3A_84 = scf.for %while3A_85 = %while3A_80 to %while3A_76 step %while3A_83 iter_args(%while3A_86 = %while3A_82) -> (i32)  : i32 {
        %mul3A_87 = arith.constant 16 : i32
        %mul3A_88 = arith.muli %while3A_85, %mul3A_87 : i32
        %add3A_89 = arith.addi %arg1, %mul3A_88 : i32
        %mul3A_90 = arith.constant 128 : i32
        %mul3A_91 = arith.muli %add3A_89, %mul3A_90 : i32
        "tpu.region"() ({
          %run_scoped3A = tpu.sem_alloc : memref<!tpu.dma_semaphore, #tpu.memory_space<semaphore_mem>>
          %dma_start3A_97 = tpu.memref_slice %arg4[%mul3A_91] : memref<320000xi32, #tpu.memory_space<hbm>> -> memref<128xi32, #tpu.memory_space<hbm>>
          %dma_start3A_98 = tpu.memref_slice %arg4[%mul3A_91] : memref<320000xi32, #tpu.memory_space<hbm>> -> memref<128xi32, #tpu.memory_space<hbm>>
          tpu.enqueue_dma source(%dma_start3A_98 : memref<128xi32, #tpu.memory_space<hbm>>) target(%arg9 : memref<128xi32, #tpu.memory_space<vmem>>) target_semaphore(%run_scoped3A : memref<!tpu.dma_semaphore, #tpu.memory_space<semaphore_mem>>)
          %dma_wait3A_99 = tpu.memref_slice %arg4[%mul3A_91] : memref<320000xi32, #tpu.memory_space<hbm>> -> memref<128xi32, #tpu.memory_space<hbm>>
          %dma_wait3A_100 = tpu.memref_slice %arg4[%mul3A_91] : memref<320000xi32, #tpu.memory_space<hbm>> -> memref<128xi32, #tpu.memory_space<hbm>>
          tpu.wait_dma2 semaphore(%run_scoped3A : memref<!tpu.dma_semaphore, #tpu.memory_space<semaphore_mem>>) src(%dma_wait3A_100 : memref<128xi32, #tpu.memory_space<hbm>>) dst(%arg9 : memref<128xi32, #tpu.memory_space<vmem>>)
          tpu.yield
        }) : () -> ()
        "tpu.region"() ({
          %run_scoped3A = tpu.sem_alloc : memref<!tpu.dma_semaphore, #tpu.memory_space<semaphore_mem>>
          %dma_start3A_97 = tpu.memref_slice %arg5[%mul3A_91] : memref<320000xi32, #tpu.memory_space<hbm>> -> memref<128xi32, #tpu.memory_space<hbm>>
          %dma_start3A_98 = tpu.memref_slice %arg5[%mul3A_91] : memref<320000xi32, #tpu.memory_space<hbm>> -> memref<128xi32, #tpu.memory_space<hbm>>
          tpu.enqueue_dma source(%dma_start3A_98 : memref<128xi32, #tpu.memory_space<hbm>>) target(%arg10 : memref<128xi32, #tpu.memory_space<vmem>>) target_semaphore(%run_scoped3A : memref<!tpu.dma_semaphore, #tpu.memory_space<semaphore_mem>>)
          %dma_wait3A_99 = tpu.memref_slice %arg5[%mul3A_91] : memref<320000xi32, #tpu.memory_space<hbm>> -> memref<128xi32, #tpu.memory_space<hbm>>
          %dma_wait3A_100 = tpu.memref_slice %arg5[%mul3A_91] : memref<320000xi32, #tpu.memory_space<hbm>> -> memref<128xi32, #tpu.memory_space<hbm>>
          tpu.wait_dma2 semaphore(%run_scoped3A : memref<!tpu.dma_semaphore, #tpu.memory_space<semaphore_mem>>) src(%dma_wait3A_100 : memref<128xi32, #tpu.memory_space<hbm>>) dst(%arg10 : memref<128xi32, #tpu.memory_space<vmem>>)
          tpu.yield
        }) : () -> ()
        %dma_start3A = arith.constant 0 : i32
        %dma_start3A_92 = arith.constant 0 : i32
        %dma_start3A_93 = tpu.memref_slice %arg2[%dma_start3A, %dma_start3A_92] : memref<20000x64xf32, #tpu.memory_space<hbm>> -> memref<20000x64xf32, #tpu.memory_space<hbm>>
        tpu.enqueue_indirect_dma source(%dma_start3A_93 : memref<20000x64xf32, #tpu.memory_space<hbm>>) target(%arg11 : memref<128x64xf32, #tpu.memory_space<vmem>>) offsets(%arg9 : memref<128xi32, #tpu.memory_space<vmem>>) semaphore(%arg17 : memref<!tpu.dma_semaphore, #tpu.memory_space<semaphore_mem>>)
        %dma_wait3A = arith.constant 0 : i32
        %dma_wait3A_94 = arith.constant 0 : i32
        %dma_wait3A_95 = tpu.memref_slice %arg2[%dma_wait3A, %dma_wait3A_94] : memref<20000x64xf32, #tpu.memory_space<hbm>> -> memref<20000x64xf32, #tpu.memory_space<hbm>>
        tpu.wait_indirect_dma semaphore(%arg17 : memref<!tpu.dma_semaphore, #tpu.memory_space<semaphore_mem>>) src(%dma_wait3A_95 : memref<20000x64xf32, #tpu.memory_space<hbm>>) dst(%arg11 : memref<128x64xf32, #tpu.memory_space<vmem>>)
        "tpu.region"() ({
          %run_scoped3A = tpu.sem_alloc : memref<!tpu.dma_semaphore, #tpu.memory_space<semaphore_mem>>
          %dma_start3A_97 = arith.constant 0 : i32
          %dma_start3A_98 = arith.constant 0 : i32
          %dma_start3A_99 = tpu.memref_slice %arg15[%dma_start3A_97, %dma_start3A_98] : memref<20096x64xf32, #tpu.memory_space<vmem_shared>> -> memref<20096x64xf32, #tpu.memory_space<vmem_shared>>
          tpu.enqueue_indirect_dma source(%arg11 : memref<128x64xf32, #tpu.memory_space<vmem>>) target(%dma_start3A_99 : memref<20096x64xf32, #tpu.memory_space<vmem_shared>>) offsets(%arg10 : memref<128xi32, #tpu.memory_space<vmem>>) semaphore(%run_scoped3A : memref<!tpu.dma_semaphore, #tpu.memory_space<semaphore_mem>>) {add = true}
          %dma_wait3A_100 = arith.constant 0 : i32
          %dma_wait3A_101 = arith.constant 0 : i32
          %dma_wait3A_102 = tpu.memref_slice %arg15[%dma_wait3A_100, %dma_wait3A_101] : memref<20096x64xf32, #tpu.memory_space<vmem_shared>> -> memref<20096x64xf32, #tpu.memory_space<vmem_shared>>
          tpu.wait_indirect_dma semaphore(%run_scoped3A : memref<!tpu.dma_semaphore, #tpu.memory_space<semaphore_mem>>) src(%arg11 : memref<128x64xf32, #tpu.memory_space<vmem>>) dst(%dma_wait3A_102 : memref<20096x64xf32, #tpu.memory_space<vmem_shared>>)
          tpu.yield
        }) : () -> ()
        "tpu.region"() ({
          %run_scoped3A = tpu.sem_alloc : memref<!tpu.dma_semaphore, #tpu.memory_space<semaphore_mem>>
          %dma_start3A_97 = arith.constant 0 : i32
          %dma_start3A_98 = arith.constant 0 : i32
          %dma_start3A_99 = tpu.memref_slice %arg16[%dma_start3A_97, %dma_start3A_98] : memref<20096x16xf32, #tpu.memory_space<vmem_shared>> -> memref<20096x16xf32, #tpu.memory_space<vmem_shared>>
          tpu.enqueue_indirect_dma source(%arg12 : memref<128x16xf32, #tpu.memory_space<vmem>>) target(%dma_start3A_99 : memref<20096x16xf32, #tpu.memory_space<vmem_shared>>) offsets(%arg10 : memref<128xi32, #tpu.memory_space<vmem>>) semaphore(%run_scoped3A : memref<!tpu.dma_semaphore, #tpu.memory_space<semaphore_mem>>) {add = true}
          %dma_wait3A_100 = arith.constant 0 : i32
          %dma_wait3A_101 = arith.constant 0 : i32
          %dma_wait3A_102 = tpu.memref_slice %arg16[%dma_wait3A_100, %dma_wait3A_101] : memref<20096x16xf32, #tpu.memory_space<vmem_shared>> -> memref<20096x16xf32, #tpu.memory_space<vmem_shared>>
          tpu.wait_indirect_dma semaphore(%run_scoped3A : memref<!tpu.dma_semaphore, #tpu.memory_space<semaphore_mem>>) src(%arg12 : memref<128x16xf32, #tpu.memory_space<vmem>>) dst(%dma_wait3A_102 : memref<20096x16xf32, #tpu.memory_space<vmem_shared>>)
          tpu.yield
        }) : () -> ()
        %while3A_96 = arith.constant 0 : i32
        scf.yield %while3A_96 : i32
      }
    } else {
    }
    %eq3A_58 = arith.constant 1 : i32
    %eq3A_59 = arith.cmpi eq, %arg0, %eq3A_58 : i32
    %convert_element_type3A_60 = arith.extui %eq3A_59 : i1 to i32
    %cond3A_61 = arith.constant 0 : i32
    %cond3A_62 = arith.cmpi ne, %convert_element_type3A_60, %cond3A_61 : i32
    scf.if %cond3A_62 {
      %while3A = arith.constant 0 : i32
      %while3A_74 = arith.constant 0 : i32
      %while3A_75 = arith.subi %select_n3A, %while3A : i32
      %while3A_76 = arith.addi %while3A, %while3A_75 : i32
      %while3A_77 = arith.constant 1 : i32
      %while3A_78 = arith.divsi %while3A_75, %while3A_77 : i32
      %while3A_79 = arith.muli %while3A_78, %while3A_77 : i32
      %while3A_80 = arith.addi %while3A, %while3A_79 : i32
      %while3A_81 = arith.constant 1 : i32
      %while3A_82 = scf.for %while3A_85 = %while3A to %while3A_80 step %while3A_81 iter_args(%while3A_86 = %while3A_74) -> (i32)  : i32 {
        %mul3A_87 = arith.constant 16 : i32
        %mul3A_88 = arith.muli %while3A_85, %mul3A_87 : i32
        %add3A_89 = arith.addi %arg1, %mul3A_88 : i32
        %mul3A_90 = arith.constant 128 : i32
        %mul3A_91 = arith.muli %add3A_89, %mul3A_90 : i32
        "tpu.region"() ({
          %run_scoped3A = tpu.sem_alloc : memref<!tpu.dma_semaphore, #tpu.memory_space<semaphore_mem>>
          %dma_start3A_97 = tpu.memref_slice %arg4[%mul3A_91] : memref<320000xi32, #tpu.memory_space<hbm>> -> memref<128xi32, #tpu.memory_space<hbm>>
          %dma_start3A_98 = tpu.memref_slice %arg4[%mul3A_91] : memref<320000xi32, #tpu.memory_space<hbm>> -> memref<128xi32, #tpu.memory_space<hbm>>
          tpu.enqueue_dma source(%dma_start3A_98 : memref<128xi32, #tpu.memory_space<hbm>>) target(%arg9 : memref<128xi32, #tpu.memory_space<vmem>>) target_semaphore(%run_scoped3A : memref<!tpu.dma_semaphore, #tpu.memory_space<semaphore_mem>>)
          %dma_wait3A_99 = tpu.memref_slice %arg4[%mul3A_91] : memref<320000xi32, #tpu.memory_space<hbm>> -> memref<128xi32, #tpu.memory_space<hbm>>
          %dma_wait3A_100 = tpu.memref_slice %arg4[%mul3A_91] : memref<320000xi32, #tpu.memory_space<hbm>> -> memref<128xi32, #tpu.memory_space<hbm>>
          tpu.wait_dma2 semaphore(%run_scoped3A : memref<!tpu.dma_semaphore, #tpu.memory_space<semaphore_mem>>) src(%dma_wait3A_100 : memref<128xi32, #tpu.memory_space<hbm>>) dst(%arg9 : memref<128xi32, #tpu.memory_space<vmem>>)
          tpu.yield
        }) : () -> ()
        "tpu.region"() ({
          %run_scoped3A = tpu.sem_alloc : memref<!tpu.dma_semaphore, #tpu.memory_space<semaphore_mem>>
          %dma_start3A_97 = tpu.memref_slice %arg5[%mul3A_91] : memref<320000xi32, #tpu.memory_space<hbm>> -> memref<128xi32, #tpu.memory_space<hbm>>
          %dma_start3A_98 = tpu.memref_slice %arg5[%mul3A_91] : memref<320000xi32, #tpu.memory_space<hbm>> -> memref<128xi32, #tpu.memory_space<hbm>>
          tpu.enqueue_dma source(%dma_start3A_98 : memref<128xi32, #tpu.memory_space<hbm>>) target(%arg10 : memref<128xi32, #tpu.memory_space<vmem>>) target_semaphore(%run_scoped3A : memref<!tpu.dma_semaphore, #tpu.memory_space<semaphore_mem>>)
          %dma_wait3A_99 = tpu.memref_slice %arg5[%mul3A_91] : memref<320000xi32, #tpu.memory_space<hbm>> -> memref<128xi32, #tpu.memory_space<hbm>>
          %dma_wait3A_100 = tpu.memref_slice %arg5[%mul3A_91] : memref<320000xi32, #tpu.memory_space<hbm>> -> memref<128xi32, #tpu.memory_space<hbm>>
          tpu.wait_dma2 semaphore(%run_scoped3A : memref<!tpu.dma_semaphore, #tpu.memory_space<semaphore_mem>>) src(%dma_wait3A_100 : memref<128xi32, #tpu.memory_space<hbm>>) dst(%arg10 : memref<128xi32, #tpu.memory_space<vmem>>)
          tpu.yield
        }) : () -> ()
        %dma_start3A = arith.constant 0 : i32
        %dma_start3A_92 = arith.constant 0 : i32
        %dma_start3A_93 = tpu.memref_slice %arg3[%dma_start3A, %dma_start3A_92] : memref<20000x64xf32, #tpu.memory_space<hbm>> -> memref<20000x64xf32, #tpu.memory_space<hbm>>
        tpu.enqueue_indirect_dma source(%dma_start3A_93 : memref<20000x64xf32, #tpu.memory_space<hbm>>) target(%arg11 : memref<128x64xf32, #tpu.memory_space<vmem>>) offsets(%arg9 : memref<128xi32, #tpu.memory_space<vmem>>) semaphore(%arg17 : memref<!tpu.dma_semaphore, #tpu.memory_space<semaphore_mem>>)
        %dma_wait3A = arith.constant 0 : i32
        %dma_wait3A_94 = arith.constant 0 : i32
        %dma_wait3A_95 = tpu.memref_slice %arg3[%dma_wait3A, %dma_wait3A_94] : memref<20000x64xf32, #tpu.memory_space<hbm>> -> memref<20000x64xf32, #tpu.memory_space<hbm>>
        tpu.wait_indirect_dma semaphore(%arg17 : memref<!tpu.dma_semaphore, #tpu.memory_space<semaphore_mem>>) src(%dma_wait3A_95 : memref<20000x64xf32, #tpu.memory_space<hbm>>) dst(%arg11 : memref<128x64xf32, #tpu.memory_space<vmem>>)
        "tpu.region"() ({
          %run_scoped3A = tpu.sem_alloc : memref<!tpu.dma_semaphore, #tpu.memory_space<semaphore_mem>>
          %dma_start3A_97 = arith.constant 0 : i32
          %dma_start3A_98 = arith.constant 0 : i32
          %dma_start3A_99 = tpu.memref_slice %arg15[%dma_start3A_97, %dma_start3A_98] : memref<20096x64xf32, #tpu.memory_space<vmem_shared>> -> memref<20096x64xf32, #tpu.memory_space<vmem_shared>>
          tpu.enqueue_indirect_dma source(%arg11 : memref<128x64xf32, #tpu.memory_space<vmem>>) target(%dma_start3A_99 : memref<20096x64xf32, #tpu.memory_space<vmem_shared>>) offsets(%arg10 : memref<128xi32, #tpu.memory_space<vmem>>) semaphore(%run_scoped3A : memref<!tpu.dma_semaphore, #tpu.memory_space<semaphore_mem>>) {add = true}
          %dma_wait3A_100 = arith.constant 0 : i32
          %dma_wait3A_101 = arith.constant 0 : i32
          %dma_wait3A_102 = tpu.memref_slice %arg15[%dma_wait3A_100, %dma_wait3A_101] : memref<20096x64xf32, #tpu.memory_space<vmem_shared>> -> memref<20096x64xf32, #tpu.memory_space<vmem_shared>>
          tpu.wait_indirect_dma semaphore(%run_scoped3A : memref<!tpu.dma_semaphore, #tpu.memory_space<semaphore_mem>>) src(%arg11 : memref<128x64xf32, #tpu.memory_space<vmem>>) dst(%dma_wait3A_102 : memref<20096x64xf32, #tpu.memory_space<vmem_shared>>)
          tpu.yield
        }) : () -> ()
        %while3A_96 = arith.constant 0 : i32
        scf.yield %while3A_96 : i32
      }
      %while3A_83 = arith.constant 1 : i32
      %while3A_84 = scf.for %while3A_85 = %while3A_80 to %while3A_76 step %while3A_83 iter_args(%while3A_86 = %while3A_82) -> (i32)  : i32 {
        %mul3A_87 = arith.constant 16 : i32
        %mul3A_88 = arith.muli %while3A_85, %mul3A_87 : i32
        %add3A_89 = arith.addi %arg1, %mul3A_88 : i32
        %mul3A_90 = arith.constant 128 : i32
        %mul3A_91 = arith.muli %add3A_89, %mul3A_90 : i32
        "tpu.region"() ({
          %run_scoped3A = tpu.sem_alloc : memref<!tpu.dma_semaphore, #tpu.memory_space<semaphore_mem>>
          %dma_start3A_97 = tpu.memref_slice %arg4[%mul3A_91] : memref<320000xi32, #tpu.memory_space<hbm>> -> memref<128xi32, #tpu.memory_space<hbm>>
          %dma_start3A_98 = tpu.memref_slice %arg4[%mul3A_91] : memref<320000xi32, #tpu.memory_space<hbm>> -> memref<128xi32, #tpu.memory_space<hbm>>
          tpu.enqueue_dma source(%dma_start3A_98 : memref<128xi32, #tpu.memory_space<hbm>>) target(%arg9 : memref<128xi32, #tpu.memory_space<vmem>>) target_semaphore(%run_scoped3A : memref<!tpu.dma_semaphore, #tpu.memory_space<semaphore_mem>>)
          %dma_wait3A_99 = tpu.memref_slice %arg4[%mul3A_91] : memref<320000xi32, #tpu.memory_space<hbm>> -> memref<128xi32, #tpu.memory_space<hbm>>
          %dma_wait3A_100 = tpu.memref_slice %arg4[%mul3A_91] : memref<320000xi32, #tpu.memory_space<hbm>> -> memref<128xi32, #tpu.memory_space<hbm>>
          tpu.wait_dma2 semaphore(%run_scoped3A : memref<!tpu.dma_semaphore, #tpu.memory_space<semaphore_mem>>) src(%dma_wait3A_100 : memref<128xi32, #tpu.memory_space<hbm>>) dst(%arg9 : memref<128xi32, #tpu.memory_space<vmem>>)
          tpu.yield
        }) : () -> ()
        "tpu.region"() ({
          %run_scoped3A = tpu.sem_alloc : memref<!tpu.dma_semaphore, #tpu.memory_space<semaphore_mem>>
          %dma_start3A_97 = tpu.memref_slice %arg5[%mul3A_91] : memref<320000xi32, #tpu.memory_space<hbm>> -> memref<128xi32, #tpu.memory_space<hbm>>
          %dma_start3A_98 = tpu.memref_slice %arg5[%mul3A_91] : memref<320000xi32, #tpu.memory_space<hbm>> -> memref<128xi32, #tpu.memory_space<hbm>>
          tpu.enqueue_dma source(%dma_start3A_98 : memref<128xi32, #tpu.memory_space<hbm>>) target(%arg10 : memref<128xi32, #tpu.memory_space<vmem>>) target_semaphore(%run_scoped3A : memref<!tpu.dma_semaphore, #tpu.memory_space<semaphore_mem>>)
          %dma_wait3A_99 = tpu.memref_slice %arg5[%mul3A_91] : memref<320000xi32, #tpu.memory_space<hbm>> -> memref<128xi32, #tpu.memory_space<hbm>>
          %dma_wait3A_100 = tpu.memref_slice %arg5[%mul3A_91] : memref<320000xi32, #tpu.memory_space<hbm>> -> memref<128xi32, #tpu.memory_space<hbm>>
          tpu.wait_dma2 semaphore(%run_scoped3A : memref<!tpu.dma_semaphore, #tpu.memory_space<semaphore_mem>>) src(%dma_wait3A_100 : memref<128xi32, #tpu.memory_space<hbm>>) dst(%arg10 : memref<128xi32, #tpu.memory_space<vmem>>)
          tpu.yield
        }) : () -> ()
        %dma_start3A = arith.constant 0 : i32
        %dma_start3A_92 = arith.constant 0 : i32
        %dma_start3A_93 = tpu.memref_slice %arg3[%dma_start3A, %dma_start3A_92] : memref<20000x64xf32, #tpu.memory_space<hbm>> -> memref<20000x64xf32, #tpu.memory_space<hbm>>
        tpu.enqueue_indirect_dma source(%dma_start3A_93 : memref<20000x64xf32, #tpu.memory_space<hbm>>) target(%arg11 : memref<128x64xf32, #tpu.memory_space<vmem>>) offsets(%arg9 : memref<128xi32, #tpu.memory_space<vmem>>) semaphore(%arg17 : memref<!tpu.dma_semaphore, #tpu.memory_space<semaphore_mem>>)
        %dma_wait3A = arith.constant 0 : i32
        %dma_wait3A_94 = arith.constant 0 : i32
        %dma_wait3A_95 = tpu.memref_slice %arg3[%dma_wait3A, %dma_wait3A_94] : memref<20000x64xf32, #tpu.memory_space<hbm>> -> memref<20000x64xf32, #tpu.memory_space<hbm>>
        tpu.wait_indirect_dma semaphore(%arg17 : memref<!tpu.dma_semaphore, #tpu.memory_space<semaphore_mem>>) src(%dma_wait3A_95 : memref<20000x64xf32, #tpu.memory_space<hbm>>) dst(%arg11 : memref<128x64xf32, #tpu.memory_space<vmem>>)
        "tpu.region"() ({
          %run_scoped3A = tpu.sem_alloc : memref<!tpu.dma_semaphore, #tpu.memory_space<semaphore_mem>>
          %dma_start3A_97 = arith.constant 0 : i32
          %dma_start3A_98 = arith.constant 0 : i32
          %dma_start3A_99 = tpu.memref_slice %arg15[%dma_start3A_97, %dma_start3A_98] : memref<20096x64xf32, #tpu.memory_space<vmem_shared>> -> memref<20096x64xf32, #tpu.memory_space<vmem_shared>>
          tpu.enqueue_indirect_dma source(%arg11 : memref<128x64xf32, #tpu.memory_space<vmem>>) target(%dma_start3A_99 : memref<20096x64xf32, #tpu.memory_space<vmem_shared>>) offsets(%arg10 : memref<128xi32, #tpu.memory_space<vmem>>) semaphore(%run_scoped3A : memref<!tpu.dma_semaphore, #tpu.memory_space<semaphore_mem>>) {add = true}
          %dma_wait3A_100 = arith.constant 0 : i32
          %dma_wait3A_101 = arith.constant 0 : i32
          %dma_wait3A_102 = tpu.memref_slice %arg15[%dma_wait3A_100, %dma_wait3A_101] : memref<20096x64xf32, #tpu.memory_space<vmem_shared>> -> memref<20096x64xf32, #tpu.memory_space<vmem_shared>>
          tpu.wait_indirect_dma semaphore(%run_scoped3A : memref<!tpu.dma_semaphore, #tpu.memory_space<semaphore_mem>>) src(%arg11 : memref<128x64xf32, #tpu.memory_space<vmem>>) dst(%dma_wait3A_102 : memref<20096x64xf32, #tpu.memory_space<vmem_shared>>)
          tpu.yield
        }) : () -> ()
        %while3A_96 = arith.constant 0 : i32
        scf.yield %while3A_96 : i32
      }
    } else {
    }
    %barrier3A_63 = arith.constant 0 : index
    tpu.barrier barrier_id(%barrier3A_63)
    %eq3A_64 = arith.constant 0 : i32
    %eq3A_65 = arith.cmpi eq, %arg0, %eq3A_64 : i32
    %convert_element_type3A_66 = arith.extui %eq3A_65 : i1 to i32
    %cond3A_67 = arith.constant 0 : i32
    %cond3A_68 = arith.cmpi ne, %convert_element_type3A_66, %cond3A_67 : i32
    scf.if %cond3A_68 {
      "tpu.region"() ({
        %run_scoped3A = tpu.sem_alloc : memref<!tpu.dma_semaphore, #tpu.memory_space<semaphore_mem>>
        %dma_start3A = arith.constant 0 : i32
        %dma_start3A_74 = tpu.memref_slice %arg6[%multiple_of3A, %dma_start3A] : memref<20096x64xf32, #tpu.memory_space<hbm>> -> memref<1256x64xf32, #tpu.memory_space<hbm>>
        %dma_start3A_75 = arith.constant 0 : i32
        %dma_start3A_76 = tpu.memref_slice %arg15[%multiple_of3A, %dma_start3A_75] : memref<20096x64xf32, #tpu.memory_space<vmem_shared>> -> memref<1256x64xf32, #tpu.memory_space<vmem_shared>>
        tpu.enqueue_dma source(%dma_start3A_76 : memref<1256x64xf32, #tpu.memory_space<vmem_shared>>) target(%dma_start3A_74 : memref<1256x64xf32, #tpu.memory_space<hbm>>) target_semaphore(%run_scoped3A : memref<!tpu.dma_semaphore, #tpu.memory_space<semaphore_mem>>)
        %dma_wait3A = arith.constant 0 : i32
        %dma_wait3A_77 = tpu.memref_slice %arg6[%multiple_of3A, %dma_wait3A] : memref<20096x64xf32, #tpu.memory_space<hbm>> -> memref<1256x64xf32, #tpu.memory_space<hbm>>
        %dma_wait3A_78 = arith.constant 0 : i32
        %dma_wait3A_79 = tpu.memref_slice %arg15[%multiple_of3A, %dma_wait3A_78] : memref<20096x64xf32, #tpu.memory_space<vmem_shared>> -> memref<1256x64xf32, #tpu.memory_space<vmem_shared>>
        tpu.wait_dma2 semaphore(%run_scoped3A : memref<!tpu.dma_semaphore, #tpu.memory_space<semaphore_mem>>) src(%dma_wait3A_79 : memref<1256x64xf32, #tpu.memory_space<vmem_shared>>) dst(%dma_wait3A_77 : memref<1256x64xf32, #tpu.memory_space<hbm>>)
        tpu.yield
      }) : () -> ()
      "tpu.region"() ({
        %run_scoped3A = tpu.sem_alloc : memref<!tpu.dma_semaphore, #tpu.memory_space<semaphore_mem>>
        %dma_start3A = arith.constant 0 : i32
        %dma_start3A_74 = tpu.memref_slice %arg8[%multiple_of3A, %dma_start3A] : memref<20096x16xf32, #tpu.memory_space<hbm>> -> memref<1256x16xf32, #tpu.memory_space<hbm>>
        %dma_start3A_75 = arith.constant 0 : i32
        %dma_start3A_76 = tpu.memref_slice %arg16[%multiple_of3A, %dma_start3A_75] : memref<20096x16xf32, #tpu.memory_space<vmem_shared>> -> memref<1256x16xf32, #tpu.memory_space<vmem_shared>>
        tpu.enqueue_dma source(%dma_start3A_76 : memref<1256x16xf32, #tpu.memory_space<vmem_shared>>) target(%dma_start3A_74 : memref<1256x16xf32, #tpu.memory_space<hbm>>) target_semaphore(%run_scoped3A : memref<!tpu.dma_semaphore, #tpu.memory_space<semaphore_mem>>)
        %dma_wait3A = arith.constant 0 : i32
        %dma_wait3A_77 = tpu.memref_slice %arg8[%multiple_of3A, %dma_wait3A] : memref<20096x16xf32, #tpu.memory_space<hbm>> -> memref<1256x16xf32, #tpu.memory_space<hbm>>
        %dma_wait3A_78 = arith.constant 0 : i32
        %dma_wait3A_79 = tpu.memref_slice %arg16[%multiple_of3A, %dma_wait3A_78] : memref<20096x16xf32, #tpu.memory_space<vmem_shared>> -> memref<1256x16xf32, #tpu.memory_space<vmem_shared>>
        tpu.wait_dma2 semaphore(%run_scoped3A : memref<!tpu.dma_semaphore, #tpu.memory_space<semaphore_mem>>) src(%dma_wait3A_79 : memref<1256x16xf32, #tpu.memory_space<vmem_shared>>) dst(%dma_wait3A_77 : memref<1256x16xf32, #tpu.memory_space<hbm>>)
        tpu.yield
      }) : () -> ()
    } else {
    }
    %eq3A_69 = arith.constant 1 : i32
    %eq3A_70 = arith.cmpi eq, %arg0, %eq3A_69 : i32
    %convert_element_type3A_71 = arith.extui %eq3A_70 : i1 to i32
    %cond3A_72 = arith.constant 0 : i32
    %cond3A_73 = arith.cmpi ne, %convert_element_type3A_71, %cond3A_72 : i32
    scf.if %cond3A_73 {
      "tpu.region"() ({
        %run_scoped3A = tpu.sem_alloc : memref<!tpu.dma_semaphore, #tpu.memory_space<semaphore_mem>>
        %dma_start3A = arith.constant 0 : i32
        %dma_start3A_74 = tpu.memref_slice %arg7[%multiple_of3A, %dma_start3A] : memref<20096x64xf32, #tpu.memory_space<hbm>> -> memref<1256x64xf32, #tpu.memory_space<hbm>>
        %dma_start3A_75 = arith.constant 0 : i32
        %dma_start3A_76 = tpu.memref_slice %arg15[%multiple_of3A, %dma_start3A_75] : memref<20096x64xf32, #tpu.memory_space<vmem_shared>> -> memref<1256x64xf32, #tpu.memory_space<vmem_shared>>
        tpu.enqueue_dma source(%dma_start3A_76 : memref<1256x64xf32, #tpu.memory_space<vmem_shared>>) target(%dma_start3A_74 : memref<1256x64xf32, #tpu.memory_space<hbm>>) target_semaphore(%run_scoped3A : memref<!tpu.dma_semaphore, #tpu.memory_space<semaphore_mem>>)
        %dma_wait3A = arith.constant 0 : i32
        %dma_wait3A_77 = tpu.memref_slice %arg7[%multiple_of3A, %dma_wait3A] : memref<20096x64xf32, #tpu.memory_space<hbm>> -> memref<1256x64xf32, #tpu.memory_space<hbm>>
        %dma_wait3A_78 = arith.constant 0 : i32
        %dma_wait3A_79 = tpu.memref_slice %arg15[%multiple_of3A, %dma_wait3A_78] : memref<20096x64xf32, #tpu.memory_space<vmem_shared>> -> memref<1256x64xf32, #tpu.memory_space<vmem_shared>>
        tpu.wait_dma2 semaphore(%run_scoped3A : memref<!tpu.dma_semaphore, #tpu.memory_space<semaphore_mem>>) src(%dma_wait3A_79 : memref<1256x64xf32, #tpu.memory_space<vmem_shared>>) dst(%dma_wait3A_77 : memref<1256x64xf32, #tpu.memory_space<hbm>>)
        tpu.yield
      }) : () -> ()
    } else {
    }
    return
  }
}

module attributes {stable_mosaic.version = 14 : i64} {
  func.func @body(%arg0: i32, %arg1: memref<400x64xf32, #tpu.memory_space<vmem>>, %arg2: memref<400x64xf32, #tpu.memory_space<vmem>>, %arg3: memref<400x16xf32, #tpu.memory_space<vmem>>, %arg4: memref<400x128xf32, #tpu.memory_space<vmem>>, %arg5: memref<128x256xf32, #tpu.memory_space<vmem>>, %arg6: memref<128x256xf32, #tpu.memory_space<vmem>>, %arg7: memref<1x256xf32, #tpu.memory_space<vmem>>, %arg8: memref<400x256xf32, #tpu.memory_space<vmem>>) attributes {dimension_semantics = [#tpu.dimension_semantics<arbitrary>], iteration_bounds = array<i64: 50>, scalar_prefetch = 0 : i64, scratch_operands = 0 : i64, tpu.core_type = #tpu.core_type<tc>, window_params = [{transform_indices = @transform_0, window_bounds = array<i64: 400, 64>}, {transform_indices = @transform_1, window_bounds = array<i64: 400, 64>}, {transform_indices = @transform_2, window_bounds = array<i64: 400, 16>}, {transform_indices = @transform_3, window_bounds = array<i64: 400, 128>}, {pipeline_mode = #tpu.pipeline_mode<synchronous>, transform_indices = @transform_4, window_bounds = array<i64: 128, 256>}, {pipeline_mode = #tpu.pipeline_mode<synchronous>, transform_indices = @transform_5, window_bounds = array<i64: 128, 256>}, {pipeline_mode = #tpu.pipeline_mode<synchronous>, transform_indices = @transform_6, window_bounds = array<i64: 1, 256>}, {transform_indices = @transform_7, window_bounds = array<i64: 400, 256>}]} {
    %get3A = arith.constant 0 : index
    %get3A_0 = arith.constant 0 : index
    %get3A_1 = vector.load %arg3[%get3A, %get3A_0] : memref<400x16xf32, #tpu.memory_space<vmem>>, vector<400x1xf32>
    %max3A = arith.constant 1.000000e+00 : f32
    %max3A_2 = vector.broadcast %max3A : f32 to vector<400x1xf32>
    %max3A_3 = arith.maximumf %get3A_1, %max3A_2 : vector<400x1xf32>
    %div3A = arith.constant 1.000000e+00 : f32
    %div3A_4 = vector.broadcast %div3A : f32 to vector<400x1xf32>
    %div3A_5 = arith.divf %div3A_4, %max3A_3 : vector<400x1xf32>
    %get3A_6 = arith.constant 0 : index
    %get3A_7 = arith.constant 0 : index
    %get3A_8 = vector.load %arg1[%get3A_6, %get3A_7] : memref<400x64xf32, #tpu.memory_space<vmem>>, vector<400x64xf32>
    %mul3A = vector.broadcast %div3A_5 : vector<400x1xf32> to vector<400x64xf32>
    %mul3A_9 = arith.mulf %get3A_8, %mul3A : vector<400x64xf32>
    %get3A_10 = arith.constant 0 : index
    %get3A_11 = arith.constant 0 : index
    %get3A_12 = vector.load %arg2[%get3A_10, %get3A_11] : memref<400x64xf32, #tpu.memory_space<vmem>>, vector<400x64xf32>
    %mul3A_13 = vector.broadcast %div3A_5 : vector<400x1xf32> to vector<400x64xf32>
    %mul3A_14 = arith.mulf %get3A_12, %mul3A_13 : vector<400x64xf32>
    %get3A_15 = arith.constant 0 : index
    %get3A_16 = arith.constant 0 : index
    %get3A_17 = vector.load %arg5[%get3A_15, %get3A_16] : memref<128x256xf32, #tpu.memory_space<vmem>>, vector<64x256xf32>
    %dot_general3A = arith.constant dense<0.000000e+00> : vector<400x256xf32>
    %dot_general3A_18 = tpu.matmul %mul3A_9, %get3A_17, %dot_general3A {dimension_numbers = #tpu.dot_dimension_numbers<[1], [0], [0], [1], [0, 0, 1, 1], [], []>, transpose_lhs_hint = false} : vector<400x64xf32>, vector<64x256xf32>, vector<400x256xf32> -> vector<400x256xf32>
    %get3A_19 = arith.constant 64 : index
    %get3A_20 = arith.constant 0 : index
    %get3A_21 = vector.load %arg5[%get3A_19, %get3A_20] : memref<128x256xf32, #tpu.memory_space<vmem>>, vector<64x256xf32>
    %dot_general3A_22 = arith.constant dense<0.000000e+00> : vector<400x256xf32>
    %dot_general3A_23 = tpu.matmul %mul3A_14, %get3A_21, %dot_general3A_22 {dimension_numbers = #tpu.dot_dimension_numbers<[1], [0], [0], [1], [0, 0, 1, 1], [], []>, transpose_lhs_hint = false} : vector<400x64xf32>, vector<64x256xf32>, vector<400x256xf32> -> vector<400x256xf32>
    %add3A = arith.addf %dot_general3A_18, %dot_general3A_23 : vector<400x256xf32>
    %get3A_24 = arith.constant 0 : index
    %get3A_25 = arith.constant 0 : index
    %get3A_26 = vector.load %arg4[%get3A_24, %get3A_25] : memref<400x128xf32, #tpu.memory_space<vmem>>, vector<400x128xf32>
    %get3A_27 = arith.constant 0 : index
    %get3A_28 = arith.constant 0 : index
    %get3A_29 = vector.load %arg6[%get3A_27, %get3A_28] : memref<128x256xf32, #tpu.memory_space<vmem>>, vector<128x256xf32>
    %dot_general3A_30 = arith.constant dense<0.000000e+00> : vector<400x256xf32>
    %dot_general3A_31 = tpu.matmul %get3A_26, %get3A_29, %dot_general3A_30 {dimension_numbers = #tpu.dot_dimension_numbers<[1], [0], [0], [1], [0, 0, 1, 1], [], []>, transpose_lhs_hint = false} : vector<400x128xf32>, vector<128x256xf32>, vector<400x256xf32> -> vector<400x256xf32>
    %add3A_32 = arith.addf %add3A, %dot_general3A_31 : vector<400x256xf32>
    %get3A_33 = arith.constant 0 : index
    %get3A_34 = arith.constant 0 : index
    %get3A_35 = vector.load %arg7[%get3A_33, %get3A_34] : memref<1x256xf32, #tpu.memory_space<vmem>>, vector<1x256xf32>
    %add3A_36 = vector.broadcast %get3A_35 : vector<1x256xf32> to vector<400x256xf32>
    %add3A_37 = arith.addf %add3A_32, %add3A_36 : vector<400x256xf32>
    %max3A_38 = arith.constant 0.000000e+00 : f32
    %max3A_39 = vector.broadcast %max3A_38 : f32 to vector<400x256xf32>
    %max3A_40 = arith.maximumf %add3A_37, %max3A_39 : vector<400x256xf32>
    %swap3A = arith.constant 0 : index
    %swap3A_41 = arith.constant 0 : index
    %swap3A_42 = vector.load %arg8[%swap3A, %swap3A_41] : memref<400x256xf32, #tpu.memory_space<vmem>>, vector<400x256xf32>
    tpu.vector_store %arg8[%swap3A, %swap3A_41], %max3A_40 {strides = array<i32>} : memref<400x256xf32, #tpu.memory_space<vmem>>, vector<400x256xf32>,
    return
  }
  func.func @transform_0(%arg0: i32) -> (i32, i32) {
    %c0_i32 = arith.constant 0 : i32
    %c0_i32_0 = arith.constant 0 : i32
    return %arg0, %c0_i32 : i32, i32
  }
  func.func @transform_1(%arg0: i32) -> (i32, i32) {
    %c0_i32 = arith.constant 0 : i32
    %c0_i32_0 = arith.constant 0 : i32
    return %arg0, %c0_i32 : i32, i32
  }
  func.func @transform_2(%arg0: i32) -> (i32, i32) {
    %c0_i32 = arith.constant 0 : i32
    %c0_i32_0 = arith.constant 0 : i32
    return %arg0, %c0_i32 : i32, i32
  }
  func.func @transform_3(%arg0: i32) -> (i32, i32) {
    %c0_i32 = arith.constant 0 : i32
    %c0_i32_0 = arith.constant 0 : i32
    return %arg0, %c0_i32 : i32, i32
  }
  func.func @transform_4(%arg0: i32) -> (i32, i32) {
    %c0_i32 = arith.constant 0 : i32
    %c0_i32_0 = arith.constant 0 : i32
    %c0_i32_1 = arith.constant 0 : i32
    return %c0_i32, %c0_i32_0 : i32, i32
  }
  func.func @transform_5(%arg0: i32) -> (i32, i32) {
    %c0_i32 = arith.constant 0 : i32
    %c0_i32_0 = arith.constant 0 : i32
    %c0_i32_1 = arith.constant 0 : i32
    return %c0_i32, %c0_i32_0 : i32, i32
  }
  func.func @transform_6(%arg0: i32) -> (i32, i32) {
    %c0_i32 = arith.constant 0 : i32
    %c0_i32_0 = arith.constant 0 : i32
    %c0_i32_1 = arith.constant 0 : i32
    return %c0_i32, %c0_i32_0 : i32, i32
  }
  func.func @transform_7(%arg0: i32) -> (i32, i32) {
    %c0_i32 = arith.constant 0 : i32
    %c0_i32_0 = arith.constant 0 : i32
    return %arg0, %c0_i32 : i32, i32
  }
}

module attributes {stable_mosaic.version = 14 : i64} {
  func.func @body(%arg0: i32, %arg1: memref<200x128xf32, #tpu.memory_space<vmem>>, %arg2: memref<200x128xf32, #tpu.memory_space<vmem>>, %arg3: memref<200x16xf32, #tpu.memory_space<vmem>>, %arg4: memref<200x256xf32, #tpu.memory_space<vmem>>, %arg5: memref<256x256xf32, #tpu.memory_space<vmem>>, %arg6: memref<256x256xf32, #tpu.memory_space<vmem>>, %arg7: memref<1x256xf32, #tpu.memory_space<vmem>>, %arg8: memref<200x256xf32, #tpu.memory_space<vmem>>) attributes {dimension_semantics = [#tpu.dimension_semantics<arbitrary>], iteration_bounds = array<i64: 25>, scalar_prefetch = 0 : i64, scratch_operands = 0 : i64, tpu.core_type = #tpu.core_type<tc>, window_params = [{transform_indices = @transform_0, window_bounds = array<i64: 200, 128>}, {transform_indices = @transform_1, window_bounds = array<i64: 200, 128>}, {transform_indices = @transform_2, window_bounds = array<i64: 200, 16>}, {transform_indices = @transform_3, window_bounds = array<i64: 200, 256>}, {pipeline_mode = #tpu.pipeline_mode<synchronous>, transform_indices = @transform_4, window_bounds = array<i64: 256, 256>}, {pipeline_mode = #tpu.pipeline_mode<synchronous>, transform_indices = @transform_5, window_bounds = array<i64: 256, 256>}, {pipeline_mode = #tpu.pipeline_mode<synchronous>, transform_indices = @transform_6, window_bounds = array<i64: 1, 256>}, {transform_indices = @transform_7, window_bounds = array<i64: 200, 256>}]} {
    %get3A = arith.constant 0 : index
    %get3A_0 = arith.constant 0 : index
    %get3A_1 = vector.load %arg3[%get3A, %get3A_0] : memref<200x16xf32, #tpu.memory_space<vmem>>, vector<200x1xf32>
    %max3A = arith.constant 1.000000e+00 : f32
    %max3A_2 = vector.broadcast %max3A : f32 to vector<200x1xf32>
    %max3A_3 = arith.maximumf %get3A_1, %max3A_2 : vector<200x1xf32>
    %div3A = arith.constant 1.000000e+00 : f32
    %div3A_4 = vector.broadcast %div3A : f32 to vector<200x1xf32>
    %div3A_5 = arith.divf %div3A_4, %max3A_3 : vector<200x1xf32>
    %get3A_6 = arith.constant 0 : index
    %get3A_7 = arith.constant 0 : index
    %get3A_8 = vector.load %arg1[%get3A_6, %get3A_7] : memref<200x128xf32, #tpu.memory_space<vmem>>, vector<200x128xf32>
    %mul3A = vector.broadcast %div3A_5 : vector<200x1xf32> to vector<200x128xf32>
    %mul3A_9 = arith.mulf %get3A_8, %mul3A : vector<200x128xf32>
    %get3A_10 = arith.constant 0 : index
    %get3A_11 = arith.constant 0 : index
    %get3A_12 = vector.load %arg2[%get3A_10, %get3A_11] : memref<200x128xf32, #tpu.memory_space<vmem>>, vector<200x128xf32>
    %mul3A_13 = vector.broadcast %div3A_5 : vector<200x1xf32> to vector<200x128xf32>
    %mul3A_14 = arith.mulf %get3A_12, %mul3A_13 : vector<200x128xf32>
    %get3A_15 = arith.constant 0 : index
    %get3A_16 = arith.constant 0 : index
    %get3A_17 = vector.load %arg5[%get3A_15, %get3A_16] : memref<256x256xf32, #tpu.memory_space<vmem>>, vector<128x256xf32>
    %dot_general3A = arith.constant dense<0.000000e+00> : vector<200x256xf32>
    %dot_general3A_18 = tpu.matmul %mul3A_9, %get3A_17, %dot_general3A {dimension_numbers = #tpu.dot_dimension_numbers<[1], [0], [0], [1], [0, 0, 1, 1], [], []>, transpose_lhs_hint = false} : vector<200x128xf32>, vector<128x256xf32>, vector<200x256xf32> -> vector<200x256xf32>
    %get3A_19 = arith.constant 128 : index
    %get3A_20 = arith.constant 0 : index
    %get3A_21 = vector.load %arg5[%get3A_19, %get3A_20] : memref<256x256xf32, #tpu.memory_space<vmem>>, vector<128x256xf32>
    %dot_general3A_22 = arith.constant dense<0.000000e+00> : vector<200x256xf32>
    %dot_general3A_23 = tpu.matmul %mul3A_14, %get3A_21, %dot_general3A_22 {dimension_numbers = #tpu.dot_dimension_numbers<[1], [0], [0], [1], [0, 0, 1, 1], [], []>, transpose_lhs_hint = false} : vector<200x128xf32>, vector<128x256xf32>, vector<200x256xf32> -> vector<200x256xf32>
    %add3A = arith.addf %dot_general3A_18, %dot_general3A_23 : vector<200x256xf32>
    %get3A_24 = arith.constant 0 : index
    %get3A_25 = arith.constant 0 : index
    %get3A_26 = vector.load %arg4[%get3A_24, %get3A_25] : memref<200x256xf32, #tpu.memory_space<vmem>>, vector<200x256xf32>
    %get3A_27 = arith.constant 0 : index
    %get3A_28 = arith.constant 0 : index
    %get3A_29 = vector.load %arg6[%get3A_27, %get3A_28] : memref<256x256xf32, #tpu.memory_space<vmem>>, vector<256x256xf32>
    %dot_general3A_30 = arith.constant dense<0.000000e+00> : vector<200x256xf32>
    %dot_general3A_31 = tpu.matmul %get3A_26, %get3A_29, %dot_general3A_30 {dimension_numbers = #tpu.dot_dimension_numbers<[1], [0], [0], [1], [0, 0, 1, 1], [], []>, transpose_lhs_hint = false} : vector<200x256xf32>, vector<256x256xf32>, vector<200x256xf32> -> vector<200x256xf32>
    %add3A_32 = arith.addf %add3A, %dot_general3A_31 : vector<200x256xf32>
    %get3A_33 = arith.constant 0 : index
    %get3A_34 = arith.constant 0 : index
    %get3A_35 = vector.load %arg7[%get3A_33, %get3A_34] : memref<1x256xf32, #tpu.memory_space<vmem>>, vector<1x256xf32>
    %add3A_36 = vector.broadcast %get3A_35 : vector<1x256xf32> to vector<200x256xf32>
    %add3A_37 = arith.addf %add3A_32, %add3A_36 : vector<200x256xf32>
    %max3A_38 = arith.constant 0.000000e+00 : f32
    %max3A_39 = vector.broadcast %max3A_38 : f32 to vector<200x256xf32>
    %max3A_40 = arith.maximumf %add3A_37, %max3A_39 : vector<200x256xf32>
    %swap3A = arith.constant 0 : index
    %swap3A_41 = arith.constant 0 : index
    %swap3A_42 = vector.load %arg8[%swap3A, %swap3A_41] : memref<200x256xf32, #tpu.memory_space<vmem>>, vector<200x256xf32>
    tpu.vector_store %arg8[%swap3A, %swap3A_41], %max3A_40 {strides = array<i32>} : memref<200x256xf32, #tpu.memory_space<vmem>>, vector<200x256xf32>,
    return
  }
  func.func @transform_0(%arg0: i32) -> (i32, i32) {
    %c0_i32 = arith.constant 0 : i32
    %c0_i32_0 = arith.constant 0 : i32
    return %arg0, %c0_i32 : i32, i32
  }
  func.func @transform_1(%arg0: i32) -> (i32, i32) {
    %c0_i32 = arith.constant 0 : i32
    %c0_i32_0 = arith.constant 0 : i32
    return %arg0, %c0_i32 : i32, i32
  }
  func.func @transform_2(%arg0: i32) -> (i32, i32) {
    %c0_i32 = arith.constant 0 : i32
    %c0_i32_0 = arith.constant 0 : i32
    return %arg0, %c0_i32 : i32, i32
  }
  func.func @transform_3(%arg0: i32) -> (i32, i32) {
    %c0_i32 = arith.constant 0 : i32
    %c0_i32_0 = arith.constant 0 : i32
    return %arg0, %c0_i32 : i32, i32
  }
  func.func @transform_4(%arg0: i32) -> (i32, i32) {
    %c0_i32 = arith.constant 0 : i32
    %c0_i32_0 = arith.constant 0 : i32
    %c0_i32_1 = arith.constant 0 : i32
    return %c0_i32, %c0_i32_0 : i32, i32
  }
  func.func @transform_5(%arg0: i32) -> (i32, i32) {
    %c0_i32 = arith.constant 0 : i32
    %c0_i32_0 = arith.constant 0 : i32
    %c0_i32_1 = arith.constant 0 : i32
    return %c0_i32, %c0_i32_0 : i32, i32
  }
  func.func @transform_6(%arg0: i32) -> (i32, i32) {
    %c0_i32 = arith.constant 0 : i32
    %c0_i32_0 = arith.constant 0 : i32
    %c0_i32_1 = arith.constant 0 : i32
    return %c0_i32, %c0_i32_0 : i32, i32
  }
  func.func @transform_7(%arg0: i32) -> (i32, i32) {
    %c0_i32 = arith.constant 0 : i32
    %c0_i32_0 = arith.constant 0 : i32
    return %arg0, %c0_i32 : i32, i32
  }
}

module attributes {stable_mosaic.version = 14 : i64} {
  func.func @body(%arg0: i32, %arg1: memref<256x128xf32, #tpu.memory_space<vmem>>, %arg2: memref<256x128xf32, #tpu.memory_space<vmem>>, %arg3: memref<256x16xf32, #tpu.memory_space<vmem>>, %arg4: memref<256x256xf32, #tpu.memory_space<vmem>>, %arg5: memref<256x256xf32, #tpu.memory_space<vmem>>, %arg6: memref<256x256xf32, #tpu.memory_space<vmem>>, %arg7: memref<1x256xf32, #tpu.memory_space<vmem>>, %arg8: memref<256x256xf32, #tpu.memory_space<vmem>>) attributes {dimension_semantics = [#tpu.dimension_semantics<arbitrary>], iteration_bounds = array<i64: 4>, scalar_prefetch = 0 : i64, scratch_operands = 0 : i64, tpu.core_type = #tpu.core_type<tc>, window_params = [{transform_indices = @transform_0, window_bounds = array<i64: 256, 128>}, {transform_indices = @transform_1, window_bounds = array<i64: 256, 128>}, {transform_indices = @transform_2, window_bounds = array<i64: 256, 16>}, {transform_indices = @transform_3, window_bounds = array<i64: 256, 256>}, {pipeline_mode = #tpu.pipeline_mode<synchronous>, transform_indices = @transform_4, window_bounds = array<i64: 256, 256>}, {pipeline_mode = #tpu.pipeline_mode<synchronous>, transform_indices = @transform_5, window_bounds = array<i64: 256, 256>}, {pipeline_mode = #tpu.pipeline_mode<synchronous>, transform_indices = @transform_6, window_bounds = array<i64: 1, 256>}, {transform_indices = @transform_7, window_bounds = array<i64: 256, 256>}]} {
    %get3A = arith.constant 0 : index
    %get3A_0 = arith.constant 0 : index
    %get3A_1 = vector.load %arg3[%get3A, %get3A_0] : memref<256x16xf32, #tpu.memory_space<vmem>>, vector<256x1xf32>
    %max3A = arith.constant 1.000000e+00 : f32
    %max3A_2 = vector.broadcast %max3A : f32 to vector<256x1xf32>
    %max3A_3 = arith.maximumf %get3A_1, %max3A_2 : vector<256x1xf32>
    %div3A = arith.constant 1.000000e+00 : f32
    %div3A_4 = vector.broadcast %div3A : f32 to vector<256x1xf32>
    %div3A_5 = arith.divf %div3A_4, %max3A_3 : vector<256x1xf32>
    %get3A_6 = arith.constant 0 : index
    %get3A_7 = arith.constant 0 : index
    %get3A_8 = vector.load %arg1[%get3A_6, %get3A_7] : memref<256x128xf32, #tpu.memory_space<vmem>>, vector<256x128xf32>
    %mul3A = vector.broadcast %div3A_5 : vector<256x1xf32> to vector<256x128xf32>
    %mul3A_9 = arith.mulf %get3A_8, %mul3A : vector<256x128xf32>
    %get3A_10 = arith.constant 0 : index
    %get3A_11 = arith.constant 0 : index
    %get3A_12 = vector.load %arg2[%get3A_10, %get3A_11] : memref<256x128xf32, #tpu.memory_space<vmem>>, vector<256x128xf32>
    %mul3A_13 = vector.broadcast %div3A_5 : vector<256x1xf32> to vector<256x128xf32>
    %mul3A_14 = arith.mulf %get3A_12, %mul3A_13 : vector<256x128xf32>
    %get3A_15 = arith.constant 0 : index
    %get3A_16 = arith.constant 0 : index
    %get3A_17 = vector.load %arg5[%get3A_15, %get3A_16] : memref<256x256xf32, #tpu.memory_space<vmem>>, vector<128x256xf32>
    %dot_general3A = arith.constant dense<0.000000e+00> : vector<256x256xf32>
    %dot_general3A_18 = tpu.matmul %mul3A_9, %get3A_17, %dot_general3A {dimension_numbers = #tpu.dot_dimension_numbers<[1], [0], [0], [1], [0, 0, 1, 1], [], []>, transpose_lhs_hint = false} : vector<256x128xf32>, vector<128x256xf32>, vector<256x256xf32> -> vector<256x256xf32>
    %get3A_19 = arith.constant 128 : index
    %get3A_20 = arith.constant 0 : index
    %get3A_21 = vector.load %arg5[%get3A_19, %get3A_20] : memref<256x256xf32, #tpu.memory_space<vmem>>, vector<128x256xf32>
    %dot_general3A_22 = arith.constant dense<0.000000e+00> : vector<256x256xf32>
    %dot_general3A_23 = tpu.matmul %mul3A_14, %get3A_21, %dot_general3A_22 {dimension_numbers = #tpu.dot_dimension_numbers<[1], [0], [0], [1], [0, 0, 1, 1], [], []>, transpose_lhs_hint = false} : vector<256x128xf32>, vector<128x256xf32>, vector<256x256xf32> -> vector<256x256xf32>
    %add3A = arith.addf %dot_general3A_18, %dot_general3A_23 : vector<256x256xf32>
    %get3A_24 = arith.constant 0 : index
    %get3A_25 = arith.constant 0 : index
    %get3A_26 = vector.load %arg4[%get3A_24, %get3A_25] : memref<256x256xf32, #tpu.memory_space<vmem>>, vector<256x256xf32>
    %get3A_27 = arith.constant 0 : index
    %get3A_28 = arith.constant 0 : index
    %get3A_29 = vector.load %arg6[%get3A_27, %get3A_28] : memref<256x256xf32, #tpu.memory_space<vmem>>, vector<256x256xf32>
    %dot_general3A_30 = arith.constant dense<0.000000e+00> : vector<256x256xf32>
    %dot_general3A_31 = tpu.matmul %get3A_26, %get3A_29, %dot_general3A_30 {dimension_numbers = #tpu.dot_dimension_numbers<[1], [0], [0], [1], [0, 0, 1, 1], [], []>, transpose_lhs_hint = false} : vector<256x256xf32>, vector<256x256xf32>, vector<256x256xf32> -> vector<256x256xf32>
    %add3A_32 = arith.addf %add3A, %dot_general3A_31 : vector<256x256xf32>
    %get3A_33 = arith.constant 0 : index
    %get3A_34 = arith.constant 0 : index
    %get3A_35 = vector.load %arg7[%get3A_33, %get3A_34] : memref<1x256xf32, #tpu.memory_space<vmem>>, vector<1x256xf32>
    %add3A_36 = vector.broadcast %get3A_35 : vector<1x256xf32> to vector<256x256xf32>
    %add3A_37 = arith.addf %add3A_32, %add3A_36 : vector<256x256xf32>
    %swap3A = arith.constant 0 : index
    %swap3A_38 = arith.constant 0 : index
    %swap3A_39 = vector.load %arg8[%swap3A, %swap3A_38] : memref<256x256xf32, #tpu.memory_space<vmem>>, vector<256x256xf32>
    tpu.vector_store %arg8[%swap3A, %swap3A_38], %add3A_37 {strides = array<i32>} : memref<256x256xf32, #tpu.memory_space<vmem>>, vector<256x256xf32>,
    return
  }
  func.func @transform_0(%arg0: i32) -> (i32, i32) {
    %c0_i32 = arith.constant 0 : i32
    %c0_i32_0 = arith.constant 0 : i32
    return %arg0, %c0_i32 : i32, i32
  }
  func.func @transform_1(%arg0: i32) -> (i32, i32) {
    %c0_i32 = arith.constant 0 : i32
    %c0_i32_0 = arith.constant 0 : i32
    return %arg0, %c0_i32 : i32, i32
  }
  func.func @transform_2(%arg0: i32) -> (i32, i32) {
    %c0_i32 = arith.constant 0 : i32
    %c0_i32_0 = arith.constant 0 : i32
    return %arg0, %c0_i32 : i32, i32
  }
  func.func @transform_3(%arg0: i32) -> (i32, i32) {
    %c0_i32 = arith.constant 0 : i32
    %c0_i32_0 = arith.constant 0 : i32
    return %arg0, %c0_i32 : i32, i32
  }
  func.func @transform_4(%arg0: i32) -> (i32, i32) {
    %c0_i32 = arith.constant 0 : i32
    %c0_i32_0 = arith.constant 0 : i32
    %c0_i32_1 = arith.constant 0 : i32
    return %c0_i32, %c0_i32_0 : i32, i32
  }
  func.func @transform_5(%arg0: i32) -> (i32, i32) {
    %c0_i32 = arith.constant 0 : i32
    %c0_i32_0 = arith.constant 0 : i32
    %c0_i32_1 = arith.constant 0 : i32
    return %c0_i32, %c0_i32_0 : i32, i32
  }
  func.func @transform_6(%arg0: i32) -> (i32, i32) {
    %c0_i32 = arith.constant 0 : i32
    %c0_i32_0 = arith.constant 0 : i32
    %c0_i32_1 = arith.constant 0 : i32
    return %c0_i32, %c0_i32_0 : i32, i32
  }
  func.func @transform_7(%arg0: i32) -> (i32, i32) {
    %c0_i32 = arith.constant 0 : i32
    %c0_i32_0 = arith.constant 0 : i32
    return %arg0, %c0_i32 : i32, i32
  }
}

</mosaic_0001>

<sc_bundles>
// kernel: kernel.11.cloned.1.call-start
scs
__scs_entry_jumppad:
0x0: {  	(pc) =	sbr.rel $0x88, $3  }
0x1: {  	(tag) =	ssettag $0x0;
	lr =	simm.s32 $0x1  }
0x2: {  	[smem:$0x3F91] =	sst lr;
	_ =	strace $0xD0000000  }
0x3: {  	_ = 	snop  }
0x4: {  	_ = 	snop  }
0x5: {  	_ = 	snop  }
0x6: {  	_ = 	snop  }
0x7: {  	_ = 	snop  }
__scs_overlays_trampoline_lowered:
0x8: {  	[smem:$0x3FA0] =	sst s0  }
0x9: {  	[smem:$0x3FA1] =	sst s1  }
0xa: {  	[smem:$0x3FA2] =	sst s2  }
0xb: {  	[smem:$0x3FA3] =	sst s3  }
0xc: {  	[smem:$0x3FA4] =	sst s4  }
0xd: {  	[smem:$0x3FA5] =	sst s5  }
0xe: {  	[smem:$0x3FA6] =	sst s6  }
0xf: {  	[smem:$0x3FA7] =	sst s7  }
0x10: {  	[smem:$0x3FA8] =	sst s8  }
0x11: {  	[smem:$0x3FA9] =	sst s9;
	s0 =	simm.s32 @!p0 $0x0  }
0x12: {  	s1 =	sld [smem:$0x3F8F];
	s0 =	simm.s32 @p0 $0x1  }
0x13: {  	[smem:$0x3FAA] =	sst s0;
	s0 =	simm.s32 @!p1 $0x0  }
0x14: {  	s2 =	sld [smem:$0x3F8E];
	s0 =	simm.s32 @p1 $0x1  }
0x15: {  	[smem:$0x3FAB] =	sst s0;
	s0 =	simm.s32 @!p2 $0x0  }
0x16: {  	s3 =	sld [smem:$0x3FDB];
	s0 =	simm.s32 @p2 $0x1  }
0x17: {  	s4 =	simm.s32 $0x1BF5;
	[smem:$0x3FAD] =	sst s0  }
0x18: {  	s0 =	sld [smem:$0x3F90];
	_ =	swait.ge [sflag:s4], $0x0  }
0x19: {  	s7 =	sld [smem:$0x3F91]  }
0x1a: {  	s8 =	sadd.s32 $0xFFFFE003, lr  }
0x1b: {  	s9 =	sadd.s32 $0xFFFFFEF7, lr;
	s5 =	simm.s32 $0xFFFFFFFF;
	p2 =	slt.u32 s8, $0xFFFFF086  }
0x1c: {  	p1 =	slt.u32 s9, $0xF7A;
	s5 =	simm.s32 @!p2 $0x0  }
0x1d: {  	s5 =	simm.s32 @p1 $0x1;
	p0 =	seq.s32 s7, s2  }
0x1e: {  	s7 =	smul.u32 @!p0 $0xF7A, s2;
	p2 =	seq.s32 @!p0 s5, $0x0  }
0x1f: {  	s9 =	smul.u32 $0xF7A, s1;
	s8 =	simm.s32 @!p0 $0x1BF5;
	p2 =	por !p2, p0  }
0x20: {  	[sflag:s8] =	ssyncset.s32 @!p0 $0xFFFFF086;
	s6 =	sadd.s32 @!p0 s3, s7;
	s7 =	simm.s32 @!p0 $0x108  }
0x21: {  	s3 =	sadd.s32 s3, s9;
	s6 =	sadd.s32 @!p0 $0x88, s6;
	s7 =	simm.s32 @p2 $0x1082  }
0x22: {  	[simem:s7], [sflag:s8] =	dma.local @!p0 [hbm:s6], $0xF7A  }
0x23: {  	s9 =	sor.u32 $0xD0000000, s2;
	s6 =	simm.s32 $0x108;
	_ =	swait.ge @!p0 [sflag:s8], $0x0  }
0x24: {  	s3 =	sadd.s32 $0x88, s3;
	s6 =	simm.s32 @!p1 $0x1082;
	[sflag:s4] =	ssyncset.s32 $0xFFFFF086  }
0x25: {  	[simem:s6], [sflag:s4] =	dma.local [hbm:s3], $0xF7A  }
0x26: {  	[smem:$0x3F91] =	sst s1;
	(tag) =	ssettag s2;
	_ =	strace s9  }
0x27: {  	s1 =	sld [smem:$0x3FA1]  }
0x28: {  	s2 =	sld [smem:$0x3FA2]  }
0x29: {  	s4 =	sld [smem:$0x3FA4]  }
0x2a: {  	p0 =	seq.s32 s5, $0x0;
	s5 =	sld [smem:$0x3FA5]  }
0x2b: {  	s6 =	sld [smem:$0x3FA6]  }
0x2c: {  	s7 =	sld [smem:$0x3FA7]  }
0x2d: {  	s3 =	simm.s32 $0x108;
	s8 =	sld [smem:$0x3FA8]  }
0x2e: {  	s3 =	simm.s32 @!p0 $0x1082;
	s9 =	sld [smem:$0x3FA9]  }
0x2f: {  	lr =	sadd.s32 s0, s3;
	s0 =	sld [smem:$0x3FA0]  }
0x30: {  	s3 =	sld [smem:$0x3FA3]  }
0x31: {  	[smem:$0x3FAC] =	sst s10  }
0x32: {  	s10 =	sld [smem:$0x3FAA];
	_ =	sdelay $0x3  }
0x33: {  	p0 =	seq.s32 s10, $0x1;
	s10 =	sld [smem:$0x3FAC];
	_ =	sdelay $0x3  }
0x34: {  	[smem:$0x3FAC] =	sst s10  }
0x35: {  	s10 =	sld [smem:$0x3FAB];
	_ =	sdelay $0x3  }
0x36: {  	p1 =	seq.s32 s10, $0x1;
	s10 =	sld [smem:$0x3FAC];
	_ =	sdelay $0x3  }
0x37: {  	[smem:$0x3FAC] =	sst s10  }
0x38: {  	s10 =	sld [smem:$0x3FAD]  }
0x39: {  	_ = 	snop;
	(pc) =	sbr.ind lr, $3  }
0x3a: {  	_ = 	snop  }
0x3b: {  	_ = 	snop  }
0x3c: {  	p2 =	seq.s32 s10, $0x1;
	s10 =	sld [smem:$0x3FAC]  }
0x3d: {  	_ =	shalt  }
0x3e: {  	_ =	shalt  }
0x3f: {  	_ =	shalt  }
0x40: {  	_ =	shalt  }
0x41: {  	_ =	shalt  }
0x42: {  	_ =	shalt  }
0x43: {  	_ =	shalt  }
0x44: {  	_ =	shalt  }
0x45: {  	_ =	shalt  }
0x46: {  	_ =	shalt  }
0x47: {  	_ =	shalt  }
0x48: {  	_ =	shalt  }
0x49: {  	_ =	shalt  }
0x4a: {  	_ =	shalt  }
0x4b: {  	_ =	shalt  }
0x4c: {  	_ =	shalt  }
0x4d: {  	_ =	shalt  }
0x4e: {  	_ =	shalt  }
0x4f: {  	_ =	shalt  }
0x50: {  	_ =	shalt  }
0x51: {  	_ =	shalt  }
0x52: {  	_ =	shalt  }
0x53: {  	_ =	shalt  }
0x54: {  	_ =	shalt  }
0x55: {  	_ =	shalt  }
0x56: {  	_ =	shalt  }
0x57: {  	_ =	shalt  }
0x58: {  	_ =	shalt  }
0x59: {  	_ =	shalt  }
0x5a: {  	_ =	shalt  }
0x5b: {  	_ =	shalt  }
0x5c: {  	_ =	shalt  }
0x5d: {  	_ =	shalt  }
0x5e: {  	_ =	shalt  }
0x5f: {  	_ =	shalt  }
0x60: {  	_ =	shalt  }
0x61: {  	_ =	shalt  }
0x62: {  	_ =	shalt  }
0x63: {  	_ =	shalt  }
0x64: {  	_ =	shalt  }
0x65: {  	_ =	shalt  }
0x66: {  	_ =	shalt  }
0x67: {  	_ =	shalt  }
0x68: {  	_ =	shalt  }
0x69: {  	_ =	shalt  }
0x6a: {  	_ =	shalt  }
0x6b: {  	_ =	shalt  }
0x6c: {  	_ =	shalt  }
0x6d: {  	_ =	shalt  }
0x6e: {  	_ =	shalt  }
0x6f: {  	_ =	shalt  }
0x70: {  	_ =	shalt  }
0x71: {  	_ =	shalt  }
0x72: {  	_ =	shalt  }
0x73: {  	_ =	shalt  }
0x74: {  	_ =	shalt  }
0x75: {  	_ =	shalt  }
0x76: {  	_ =	shalt  }
0x77: {  	_ =	shalt  }
0x78: {  	_ =	shalt  }
0x79: {  	_ =	shalt  }
0x7a: {  	_ =	shalt  }
0x7b: {  	_ =	shalt  }
0x7c: {  	_ =	shalt  }
0x7d: {  	_ =	shalt  }
0x7e: {  	_ =	shalt  }
0x7f: {  	_ =	shalt  }
0x80: {  	_ =	shalt  }
0x81: {  	_ =	shalt  }
0x82: {  	_ =	shalt  }
0x83: {  	_ =	shalt  }
0x84: {  	_ =	shalt  }
0x85: {  	_ =	shalt  }
0x86: {  	_ =	shalt  }
0x87: {  	_ =	shalt  }
.Lfunc_end0:
.L_simem_size_0:
called_computation.1_lowered:
.L_overlay_start_0:
0x88: {  	s2 =	sld [smem:$0x3FD9]  }
0x89: {  	s3 =	sld [smem:$0x3FFE];
	_ =	sdelay $0x1  }
0x8a: {  	s1 =	srdreg.scid  }
0x8b: {  	s0 =	sand.u32 $0x1, s1  }
0x8c: {  	s14 =	sshll.u32 s0, $0xA;
	s2 =	sadd.s32 s3, s2  }
0x8d: {  	s2 =	sadd.s32 s2, s14  }
0x8e: {  	[smem:$0x3FB8] =	sst s2  }
0x8f: {  	_ = 	snop  }
0x90: {  	s2 =	sld [smem:$0x3FD0];
	_ =	sdelay $0x2  }
0x91: {  	s15 =	simm.s32 $0xA;
	s4 =	simm.s32 $0x10  }
0x92: {  	[smem:s4], [sflag:s15] =	dma.local [hbm:s2], $0x1  }
0x93: {  	_ =	swait.eq [sflag:s15], $0x1  }
0x94: {  	[sflag:s15] =	ssyncset.done $0x0  }
0x95: {  	s16 =	sld [smem:$0x10];
	[sflag:s15] =	ssyncadd.s32 $0xFFFFFFFF  }
0x96: {  	s17 =	sld [smem:$0x11];
	(tm) =	ssettm $0x1  }
0x97: {  	s18 =	sld [smem:$0x3FFB];
	_ =	sdelay $0x3  }
0x98: {  	_ =	strace s18  }
0x99: {  	s4 =	sld [smem:$0x3FFC];
	_ =	sdelay $0x3  }
0x9a: {  	_ =	strace s4  }
0x9b: {  	s4 =	sld [smem:$0x3FFD];
	_ =	sdelay $0x3  }
0x9c: {  	_ =	strace s4  }
0x9d: {  	_ =	strace $0x8FFFFFFF  }
0x9e: {  	s19 =	sld [smem:$0x3FDB];
	_ =	sdelay $0x1  }
0x9f: {  	s5 =	simm.s32 $_scs_section_size  }
0xa0: {  	s6 =	simm.s32 $_size__tile_overlayer_lowered;
	s7 =	simm.s32 $_tile_overlayer_lowered  }
0xa1: {  	s22 =	simm.s32 $0x1BFF;
	s21 =	sshll.u32 s7, $0x1;
	s4 =	sadd.s32 s5, s19  }
0xa2: {  	s8 =	simm.s32 $0x0;
	s20 =	sshll.u32 s6, $0x1;
	s6 =	sadd.s32 s21, s4  }
0xa3: {  	[timem:s8], [sflag:s22] =	dma.local [hbm:s6], s20  }
0xa4: {  	_ =	swait.ge [sflag:s22], s20  }
0xa5: {  	s5 =	ssub.s32 $0x0, s20;
	[sflag:s22] =	ssyncset.done $0x0  }
0xa6: {  	[sflag:s22] =	ssyncadd.s32 s5;
	_ =	sdelay $0x1  }
0xa7: {  	s23 =	simm.s32 $0x1B8B  }
0xa8: {  	_ =	swait.ge [sflag:s23], $0x1  }
0xa9: {  	[sflag:s23] =	ssyncset.done $0x0  }
0xaa: {  	s25 =	simm.s32 $0x1B8E;
	s24 =	sld [smem:$0x3FFE];
	[sflag:s23] =	ssyncadd.s32 $0xFFFFFFFF  }
0xab: {  	s26 =	simm.s32 $execute0_lowered;
	[smem:$0x3FD2] =	sst s25  }
0xac: {  	s6 =	sshll.u32 s26, $0x1;
	_ =	strace $0x80000049;
	[dreg:$0x1] =	wrdreg $0xFFFFFFFF  }
0xad: {  	s28 =	simm.s32 $_size_execute0_lowered;
	s4 =	sadd.s32 s4, s6;
	[dreg:$0x0] =	wrdreg $0x0  }
0xae: {  	s6 =	sshll.u32 s28, $0x1;
	[dreg:$0x2] =	wrdreg s4  }
0xaf: {  	[dreg:$0x3] =	wrdreg s6  }
0xb0: {  	[dreg:$0x4] =	wrdreg $0xC0  }
0xb1: {  	_ =	task [dreg:s8], $0x5FFFF  }
0xb2: {  	[dreg:$0x1] =	wrdreg $0xFFFFFFFF  }
0xb3: {  	[dreg:$0x0] =	wrdreg $0x60  }
0xb4: {  	[dreg:$0x2] =	wrdreg s24  }
0xb5: {  	[dreg:$0x3] =	wrdreg s17  }
0xb6: {  	[dreg:$0x4] =	wrdreg s16  }
0xb7: {  	[dreg:$0x5] =	wrdreg $0x91000  }
0xb8: {  	[dreg:$0x6] =	wrdreg $0x131000  }
0xb9: {  	[dreg:$0x7] =	wrdreg $0x9  }
0xba: {  	_ =	task.clear_ibuf [dreg:s8], $0x8FFFF;
	_ =	strace $0x90000049  }
0xbb: {  	s29 =	simm.s32 $0x9;
	_ =	strace $0x8000004B  }
0xbc: {  	_ =	swait.ge [sflag:s29], $0x1  }
0xbd: {  	[sflag:s29] =	ssyncadd.s32 $0xFFFFFFFF  }
0xbe: {  	_ =	strace $0x9000004B  }
0xbf: {  	_ =	sfence  }
0xc0: {  	s30 =	sld [smem:$0x0];
	_ =	sdelay $0x2  }
0xc1: {  	s31 =	sshll.u32 s1, $0xD;
	s1 =	sshrl.u32 s1, $0x2  }
0xc2: {  	s3 =	sand.u32 $0x4000, s31;
	s1 =	sadd.s32 s1, s30  }
0xc3: {  	s0 =	sor.u32 s3, s0;
	s1 =	sshll.u32 s1, $0x11  }
0xc4: {  	s0 =	sor.u32 s1, s0  }
0xc5: {  	s0 =	sadd.s32 $0x8F2B, s0  }
0xc6: {  	[sflag:s0] =	ssyncadd.remote.s32 $0x1  }
0xc7: {  	_ =	sfence.sel $0xFFFF  }
0xc8: {  	[dreg:$0x0] =	wrdreg $0xFFFFFFFF;
	(pc) =	sbr.abs _section_cstart, $3  }
0xc9: {  	[dreg:$0x1] =	wrdreg $0xFFFFFFFF  }
0xca: {  	_ =	task.clear_ibuf [dreg:s8], $0x2FFFF;
	_ =	strace $0x9FFFFFFF  }
0xcb: {  	(tm) =	ssettm $0x7FFFFFFF  }
tec
execute0_lowered:
.L_overlay_start_1:
0x0: {  	(tag) =	ssettag $0x1  }
0x1: {  	s0 =	rddreg [dreg:$0x0]  }
0x2: {  	s18 =	rddreg [dreg:$0x1]  }
0x3: {  	s16 =	rddreg [dreg:$0x2]  }
0x4: {  	s1 =	rddreg [dreg:$0x3]  }
0x5: {  	s2 =	rddreg [dreg:$0x4];
	s4 =	simm.s32 $0x0;
	s3 =	stileid.u32  }
0x6: {  	s8 =	srdreg.scid;
	s28 =	simm.s32 $0x4100;
	s29 =	simm.s32 $0x0  }
0x7: {  	[smem:$0x7FF] =	sst s4;
	s5 =	sadd.s32 $0x17600, s0;
	s7 =	smul.u32 $0xA000, s3  }
0x8: {  	s6 =	sadd.s32 $0x3C00, s0;
	s19 =	sshll.u32 s3, $0x4;
	s10 =	smul.u32 $0x140, s3  }
0x9: {  	s20 =	sand.u32 $0x1, s8;
	s13 =	smul.u32 $0x5000, s3;
	s30 =	ssub.s32 $0x280, s3  }
0xa: {  	s22 =	smul.u32 $0x1400, s3;
	_ =	strace $0x8000004A;
	s9 =	ssub.s32 $0x2, s20  }
0xb: {  	s21 =	sadd.s32 s19, s0;
	s18 =	sadd.s32 s19, s18;
	p0 =	sne.s32 s20, $0x0  }
0xc: {  	s20 =	simm.s32 $0x4900;
	s23 =	sshrl.u32 s7, $0x3;
	s24 =	sshrl.u32 s9, $0x1  }
0xd: {  	s7 =	sadd.s32 s7, s1;
	s11 =	sadd.s32 $0x80, s10;
	s12 =	sadd.s32 $0x100, s10  }
0xe: {  	s10 =	sshrl.u32 s30, $0x4;
	s13 =	sshrl.u32 s13, $0x2;
	s31 =	sshrl.u32 s22, $0x3  }
0xf: {  	s0 =	sadd.s32 s23, s0;
	s17 =	ssub.s32 s9, s24;
	s25 =	sshll.u32 s11, $0x7  }
0x10: {  	s26 =	sshll.u32 s12, $0x7;
	s14 =	sshll.u32 s11, $0x4;
	s15 =	sshll.u32 s12, $0x4  }
0x11: {  	s11 =	sadd.s32 s13, s2;
	s16 =	sadd.s32 s16, s31;
	s23 =	simm.s32 $0x80  }
.Ltmp0:
0x12: {  	s24 =	simm.s32 $0x100;
	s8 =	sadd.s32 s25, s1;
	(pc) =	sbr.rel .LBB2_1-.Ltmp0, $4  }
0x13: {  	s9 =	sadd.s32 s26, s1;
	s12 =	sadd.s32 s14, s2;
	s13 =	sadd.s32 s15, s2  }
0x14: {  	s14 =	sadd.s32 $0x3F000, s0;
	s15 =	sadd.s32 $0x2B000, s0;
	s25 =	sadd.s32 s22, s2  }
0x15: {  	s17 =	smax.u32 s17, $0x1;
	s0 =	sadd.s32 $0xBE200, s21;
	s21 =	simm.s32 $0x2  }
0x16: {  	v0 =	vimm.f32 $0.0e+00;
	v1 =	vimm.f32 $1.000000000e+00;
	s22 =	simm.s32 $0x8900;
	s26 =	simm.s32 $0x1;
	s25 =	sshrl.u32 s25, $0x3  }
.LBB2_9:
0x17: {  	[sflag:s21] =	ssyncadd.s32 $0xFFFFC000;
	s19 =	sshll.u32 s3, $0x6  }
0x18: {  	s30 =	sshrl.u32 s7, $0x3;
	[bflag:$0x0] =	sbarrier.arrive $0xFFFF;
	s19 =	sor.u32 $0x1C02, s19  }
0x19: {  	[hbm:s14], [sflag:s19] =	dma.local [spmem:s30], $0x1400  }
0x1a: {  	_ =	swait.ge [sflag:s21], $0x1400  }
0x1b: {  	[sflag:s21] =	ssyncset.done $0x0  }
0x1c: {  	[sflag:s21] =	ssyncadd.s32 $0xFFFFEC00  }
.LBB2_10:
0x1d: {  	s29 =	sadd.s32 $0x1, s29  }
0x1e: {  	p1 =	sne.s32 s29, s17  }
.Ltmp1:
0x1f: {  	_ = 	snop;
	(pc) =	sbr.rel @!p1 .LBB2_11-.Ltmp1, $1  }
0x20: {  	_ =	sdelay $0x3  }
.LBB2_1:
0x21: {  	s19 =	simm.s32 $0x4940  }
0x22: {  	[tilespmem:s19+$0x20] =	vst v0  }
0x23: {  	[tilespmem:s19+$0x10] =	vst v0  }
0x24: {  	[tilespmem:s19+$0x0] =	vst v0  }
0x25: {  	[tilespmem:s19+$0xFFFFFFF0] =	vst v0  }
0x26: {  	[tilespmem:s19+$0xFFFFFFE0] =	vst v0  }
0x27: {  	[tilespmem:s19+$0xFFFFFFD0] =	vst v0  }
0x28: {  	[tilespmem:s19+$0xFFFFFFC0] =	vst v0  }
0x29: {  	s31 =	simm.s32 $0x0;
	s30 =	simm.s32 $0x40;
	[tilespmem:s19+$0x30] =	vst v0  }
.LBB2_2:
0x2a: {  	p1 =	sne.s32 s30, $0x1FC0;
	[tilespmem:s31+$0x4100] =	vst v1  }
0x2b: {  	s19 =	sadd.s32 $0x80, s19;
	[tilespmem:s31+$0x8900] =	vst v0  }
0x2c: {  	[tilespmem:s19+$0x20] =	vst v0  }
0x2d: {  	[tilespmem:s19+$0x10] =	vst v0  }
0x2e: {  	[tilespmem:s19+$0x0] =	vst v0  }
.Ltmp2:
0x2f: {  	[tilespmem:s19+$0xFFFFFFF0] =	vst v0;
	(pc) =	sbr.rel @p1 .LBB2_2-.Ltmp2, $4  }
0x30: {  	[tilespmem:s19+$0xFFFFFFE0] =	vst v0  }
0x31: {  	[tilespmem:s19+$0xFFFFFFD0] =	vst v0  }
0x32: {  	[tilespmem:s19+$0xFFFFFFC0] =	vst v0  }
0x33: {  	s31 =	sshra.s32 s30, $0x2;
	s30 =	sadd.s32 $0x40, s30;
	[tilespmem:s19+$0x30] =	vst v0  }
0x34: {  	[tilespmem:s31+$0x4100] =	vst v1  }
0x35: {  	[tilespmem:s31+$0x8900] =	vst v0  }
0x36: {  	[spmem:s7] =	stream.linear.scatter [tilespmem:s20], [sflag:$0x2], $0x4000, $0x38;
	[tilespmem:$0x14500] =	vst v63  }
0x37: {  	_ =	swait.ge [sflag:s21], $0x4000  }
0x38: {  	[sflag:s21] =	ssyncset.done $0x0  }
0x39: {  	[sflag:s21] =	ssyncadd.s32 $0xFFFFC000  }
0x3a: {  	[spmem:s8] =	stream.linear.scatter [tilespmem:s20], [sflag:$0x2], $0x4000, $0x38;
	[tilespmem:$0x14500] =	vst v63  }
0x3b: {  	_ =	swait.ge [sflag:s21], $0x4000  }
0x3c: {  	[sflag:s21] =	ssyncset.done $0x0  }
.Ltmp3:
0x3d: {  	[sflag:s21] =	ssyncadd.s32 $0xFFFFC000;
	(pc) =	sbr.rel @p0 .LBB2_7-.Ltmp3, $4  }
0x3e: {  	[spmem:s9] =	stream.linear.scatter [tilespmem:s20], [sflag:$0x2], $0x2000, $0x38;
	[tilespmem:$0x14500] =	vst v63  }
0x3f: {  	_ =	swait.ge [sflag:s21], $0x2000  }
0x40: {  	[sflag:s21] =	ssyncset.done $0x0  }
0x41: {  	[sflag:s21] =	ssyncadd.s32 $0xFFFFE000  }
0x42: {  	[spmem:s11] =	stream.linear.scatter [tilespmem:s22], [sflag:$0x2], $0x800, $0x38;
	[tilespmem:$0x14500] =	vst v63  }
0x43: {  	_ =	swait.ge [sflag:s21], $0x800  }
0x44: {  	[sflag:s21] =	ssyncset.done $0x0  }
0x45: {  	[sflag:s21] =	ssyncadd.s32 $0xFFFFF800  }
0x46: {  	[spmem:s12] =	stream.linear.scatter [tilespmem:s22], [sflag:$0x2], $0x800, $0x38;
	[tilespmem:$0x14500] =	vst v63  }
0x47: {  	_ =	swait.ge [sflag:s21], $0x800  }
0x48: {  	[sflag:s21] =	ssyncset.done $0x0  }
0x49: {  	[sflag:s21] =	ssyncadd.s32 $0xFFFFF800  }
0x4a: {  	[spmem:s13] =	stream.linear.scatter [tilespmem:s22], [sflag:$0x2], $0x400, $0x38;
	[tilespmem:$0x14500] =	vst v63  }
0x4b: {  	_ =	swait.ge [sflag:s21], $0x400  }
0x4c: {  	[sflag:s21] =	ssyncset.done $0x0  }
0x4d: {  	[sflag:s21] =	ssyncadd.s32 $0xFFFFFC00  }
0x4e: {  	[bflag:$0x0] =	sbarrier.arrive $0xFFFF  }
0x4f: {  	[tilespmem:s4], [sflag:$0x2] =	stream.linear.gather [hbm4b:s0+s4], $0x80, $0x38;
	[tilespmem:$0x14500] =	vst v63  }
0x50: {  	_ =	swait.ge [sflag:s21], $0x80  }
0x51: {  	[sflag:s21] =	ssyncset.done $0x0  }
0x52: {  	[sflag:s21] =	ssyncadd.s32 $0xFFFFFF80  }
0x53: {  	[tilespmem:s23], [sflag:$0x2] =	stream.linear.gather [hbm4b:s18+s4], $0x80, $0x38;
	[tilespmem:$0x14500] =	vst v63  }
0x54: {  	_ =	swait.ge [sflag:s21], $0x80  }
0x55: {  	[sflag:s21] =	ssyncset.done $0x0  }
0x56: {  	[sflag:s21] =	ssyncadd.s32 $0xFFFFFF80  }
0x57: {  	[tilespmem:s24], [sflag:$0x1] =	stream.indirect.gather [hbm4b:s5+s23], $0x80, s4, s23, $0xb8;
	[tilespmem:$0x14500] =	vst v63  }
0x58: {  	_ =	swait.ge [sflag:s26], $0x4000  }
0x59: {  	[sflag:s26] =	ssyncset.done $0x0  }
0x5a: {  	[sflag:s26] =	ssyncadd.s32 $0xFFFFC000  }
0x5b: {  	[spmem:s1] =	stream.indirect.scatter.add.f32 [tilespmem:s24], [sflag:$0x2], $0x80, s23, s23, $0xb8;
	[tilespmem:$0x14500] =	vst v63  }
0x5c: {  	p1 =	seq.s32 s10, $0x1;
	_ =	swait.ge [sflag:s21], $0x4000  }
.Ltmp4:
0x5d: {  	[sflag:s21] =	ssyncset.done $0x0;
	(pc) =	sbr.rel @p1 .LBB2_6-.Ltmp4, $4  }
0x5e: {  	[sflag:s21] =	ssyncadd.s32 $0xFFFFC000  }
0x5f: {  	[spmem:s2] =	stream.indirect.scatter.add.f32 [tilespmem:s28], [sflag:$0x2], $0x10, s23, s23, $0xb8;
	[tilespmem:$0x14500] =	vst v63  }
0x60: {  	s30 =	sadd.s32 $0xFFFFFFFF, s10;
	_ =	swait.ge [sflag:s21], $0x800  }
0x61: {  	s31 =	smov.u32 s18;
	s19 =	smov.u32 s0;
	[sflag:s21] =	ssyncset.done $0x0  }
.LBB2_5:
0x62: {  	[sflag:s21] =	ssyncadd.s32 $0xFFFFF800;
	s31 =	sadd.s32 $0x100, s31;
	s19 =	sadd.s32 $0x100, s19  }
0x63: {  	[tilespmem:s4], [sflag:$0x2] =	stream.linear.gather [hbm4b:s19+s4], $0x80, $0x38;
	[tilespmem:$0x14500] =	vst v63  }
0x64: {  	p1 =	seq.s32 s30, $0x1;
	s30 =	sadd.s32 $0xFFFFFFFF, s30;
	_ =	swait.ge [sflag:s21], $0x80  }
0x65: {  	[sflag:s21] =	ssyncset.done $0x0  }
0x66: {  	[sflag:s21] =	ssyncadd.s32 $0xFFFFFF80  }
0x67: {  	[tilespmem:s23], [sflag:$0x2] =	stream.linear.gather [hbm4b:s31+s4], $0x80, $0x38;
	[tilespmem:$0x14500] =	vst v63  }
0x68: {  	_ =	swait.ge [sflag:s21], $0x80  }
0x69: {  	[sflag:s21] =	ssyncset.done $0x0  }
0x6a: {  	[sflag:s21] =	ssyncadd.s32 $0xFFFFFF80  }
0x6b: {  	[tilespmem:s24], [sflag:$0x1] =	stream.indirect.gather [hbm4b:s5+s23], $0x80, s4, s23, $0xb8;
	[tilespmem:$0x14500] =	vst v63  }
0x6c: {  	_ =	swait.ge [sflag:s26], $0x4000  }
0x6d: {  	[sflag:s26] =	ssyncset.done $0x0  }
0x6e: {  	[sflag:s26] =	ssyncadd.s32 $0xFFFFC000  }
0x6f: {  	[spmem:s1] =	stream.indirect.scatter.add.f32 [tilespmem:s24], [sflag:$0x2], $0x80, s23, s23, $0xb8;
	[tilespmem:$0x14500] =	vst v63  }
0x70: {  	_ =	swait.ge [sflag:s21], $0x4000  }
.Ltmp5:
0x71: {  	[sflag:s21] =	ssyncset.done $0x0;
	(pc) =	sbr.rel @!p1 .LBB2_5-.Ltmp5, $4  }
0x72: {  	[sflag:s21] =	ssyncadd.s32 $0xFFFFC000  }
0x73: {  	[spmem:s2] =	stream.indirect.scatter.add.f32 [tilespmem:s28], [sflag:$0x2], $0x10, s23, s23, $0xb8;
	[tilespmem:$0x14500] =	vst v63  }
0x74: {  	_ =	swait.ge [sflag:s21], $0x800  }
0x75: {  	[sflag:s21] =	ssyncset.done $0x0  }
.LBB2_6:
0x76: {  	[sflag:s21] =	ssyncadd.s32 $0xFFFFF800;
	s19 =	sshll.u32 s3, $0x6  }
0x77: {  	s30 =	sshrl.u32 s7, $0x3;
	[bflag:$0x0] =	sbarrier.arrive $0xFFFF;
	s19 =	sor.u32 $0x1C02, s19  }
0x78: {  	[hbm:s15], [sflag:s19] =	dma.local [spmem:s30], $0x1400  }
0x79: {  	_ =	swait.ge [sflag:s21], $0x1400  }
0x7a: {  	[sflag:s21] =	ssyncset.done $0x0  }
.Ltmp6:
0x7b: {  	[sflag:s21] =	ssyncadd.s32 $0xFFFFEC00;
	(pc) =	sbr.rel .LBB2_10-.Ltmp6, $4  }
0x7c: {  	[hbm:s16], [sflag:s19] =	dma.local [spmem:s25], $0x280  }
0x7d: {  	_ =	swait.ge [sflag:s21], $0x280  }
0x7e: {  	[sflag:s21] =	ssyncset.done $0x0  }
0x7f: {  	[sflag:s21] =	ssyncadd.s32 $0xFFFFFD80  }
.LBB2_7:
0x80: {  	[bflag:$0x0] =	sbarrier.arrive $0xFFFF  }
0x81: {  	[tilespmem:s4], [sflag:$0x2] =	stream.linear.gather [hbm4b:s0+s4], $0x80, $0x38;
	[tilespmem:$0x14500] =	vst v63  }
0x82: {  	_ =	swait.ge [sflag:s21], $0x80  }
0x83: {  	[sflag:s21] =	ssyncset.done $0x0  }
0x84: {  	[sflag:s21] =	ssyncadd.s32 $0xFFFFFF80  }
0x85: {  	[tilespmem:s23], [sflag:$0x2] =	stream.linear.gather [hbm4b:s18+s4], $0x80, $0x38;
	[tilespmem:$0x14500] =	vst v63  }
0x86: {  	_ =	swait.ge [sflag:s21], $0x80  }
0x87: {  	[sflag:s21] =	ssyncset.done $0x0  }
0x88: {  	[sflag:s21] =	ssyncadd.s32 $0xFFFFFF80  }
0x89: {  	[tilespmem:s24], [sflag:$0x1] =	stream.indirect.gather [hbm4b:s6+s23], $0x80, s4, s23, $0xb8;
	[tilespmem:$0x14500] =	vst v63  }
0x8a: {  	p1 =	sne.s32 s10, $0x1;
	_ =	swait.ge [sflag:s26], $0x4000  }
.Ltmp7:
0x8b: {  	[sflag:s26] =	ssyncset.done $0x0;
	(pc) =	sbr.rel @!p1 .LBB2_9-.Ltmp7, $4  }
0x8c: {  	[sflag:s26] =	ssyncadd.s32 $0xFFFFC000  }
0x8d: {  	[spmem:s1] =	stream.indirect.scatter.add.f32 [tilespmem:s24], [sflag:$0x2], $0x80, s23, s23, $0xb8;
	[tilespmem:$0x14500] =	vst v63  }
0x8e: {  	s19 =	sadd.s32 $0xFFFFFFFF, s10;
	_ =	swait.ge [sflag:s21], $0x4000  }
0x8f: {  	s30 =	smov.u32 s18;
	s31 =	smov.u32 s0;
	[sflag:s21] =	ssyncset.done $0x0  }
.LBB2_8:
0x90: {  	[sflag:s21] =	ssyncadd.s32 $0xFFFFC000;
	s30 =	sadd.s32 $0x100, s30;
	s31 =	sadd.s32 $0x100, s31  }
0x91: {  	[tilespmem:s4], [sflag:$0x2] =	stream.linear.gather [hbm4b:s31+s4], $0x80, $0x38;
	[tilespmem:$0x14500] =	vst v63  }
0x92: {  	p1 =	sne.s32 s19, $0x1;
	s19 =	sadd.s32 $0xFFFFFFFF, s19;
	_ =	swait.ge [sflag:s21], $0x80  }
0x93: {  	[sflag:s21] =	ssyncset.done $0x0  }
0x94: {  	[sflag:s21] =	ssyncadd.s32 $0xFFFFFF80  }
0x95: {  	[tilespmem:s23], [sflag:$0x2] =	stream.linear.gather [hbm4b:s30+s4], $0x80, $0x38;
	[tilespmem:$0x14500] =	vst v63  }
0x96: {  	_ =	swait.ge [sflag:s21], $0x80  }
0x97: {  	[sflag:s21] =	ssyncset.done $0x0  }
0x98: {  	[sflag:s21] =	ssyncadd.s32 $0xFFFFFF80  }
0x99: {  	[tilespmem:s24], [sflag:$0x1] =	stream.indirect.gather [hbm4b:s6+s23], $0x80, s4, s23, $0xb8;
	[tilespmem:$0x14500] =	vst v63  }
0x9a: {  	_ =	swait.ge [sflag:s26], $0x4000  }
.Ltmp8:
0x9b: {  	[sflag:s26] =	ssyncset.done $0x0;
	(pc) =	sbr.rel @p1 .LBB2_8-.Ltmp8, $4  }
0x9c: {  	[sflag:s26] =	ssyncadd.s32 $0xFFFFC000  }
0x9d: {  	[spmem:s1] =	stream.indirect.scatter.add.f32 [tilespmem:s24], [sflag:$0x2], $0x80, s23, s23, $0xb8;
	[tilespmem:$0x14500] =	vst v63  }
0x9e: {  	_ =	swait.ge [sflag:s21], $0x4000  }
0x9f: {  	[sflag:s21] =	ssyncset.done $0x0  }
.Ltmp9:
0xa0: {  	_ = 	snop;
	(pc) =	sbr.rel .LBB2_9-.Ltmp9, $1  }
0xa1: {  	_ =	sdelay $0x3  }
.LBB2_11:
0xa2: {  	_ =	sfence.sel $0x180000  }
0xa3: {  	[bflag:$0x0] =	sbarrier.arrive $0xFFFF  }
0xa4: {  	_ =	strace $0x9000004A  }
0xa5: {  	[bflag:$0x2] =	sbarrier.arrive $0xFFFF  }
0xa6: {  	p0 =	sne.s32 s3, $0x0;
	s0 =	rddreg [dreg:$0x5]  }
0xa7: {  	s0 =	sadd.s32 @!p0 $0x100000, s0  }
0xa8: {  	[sflag:s0] =	ssyncadd.tile.s32 @!p0 $0x1;
	_ =	shalt  }
.Lfunc_end2:
_tile_overlayer_lowered:
.L_overlay_start_2:
0xa9: {  	(tag) =	ssettag $0x2  }
0xaa: {  	s0 =	rddreg [dreg:$0x0];
	s2 =	stileid.u32  }
0xab: {  	s1 =	rddreg [dreg:$0x1];
	p0 =	sne.s32 s2, $0x0  }
0xac: {  	s3 =	rddreg [dreg:$0x2];
	[bflag:$0x3] =	sbarrier.arrive $0xFFFF;
	s2 =	simm.s32 @!p0 $0x1C02  }
0xad: {  	[timem:s3], [sflag:s2] =	dma.local @!p0 [hbm:s0], s1  }
0xae: {  	s0 =	simm.s32 @!p0 $0x2  }
0xaf: {  	_ =	swait.ge @!p0 [sflag:s0], s1  }
0xb0: {  	s1 =	ssub.s32 @!p0 $0x0, s1;
	[sflag:s0] =	ssyncset.done @!p0 $0x0  }
0xb1: {  	[sflag:s0] =	ssyncadd.s32 @!p0 s1  }
0xb2: {  	[bflag:$0x3] =	sbarrier.arrive $0xFFFF  }
0xb3: {  	_ =	shalt  }

// kernel: kernel.14.cloned.1.call-start
scs
__scs_entry_jumppad:
0x0: {  	(pc) =	sbr.rel $0x88, $3  }
0x1: {  	(tag) =	ssettag $0x0;
	lr =	simm.s32 $0x1  }
0x2: {  	[smem:$0x3F91] =	sst lr;
	_ =	strace $0xD0000000  }
0x3: {  	_ = 	snop  }
0x4: {  	_ = 	snop  }
0x5: {  	_ = 	snop  }
0x6: {  	_ = 	snop  }
0x7: {  	_ = 	snop  }
__scs_overlays_trampoline_lowered:
0x8: {  	[smem:$0x3FA0] =	sst s0  }
0x9: {  	[smem:$0x3FA1] =	sst s1  }
0xa: {  	[smem:$0x3FA2] =	sst s2  }
0xb: {  	[smem:$0x3FA3] =	sst s3  }
0xc: {  	[smem:$0x3FA4] =	sst s4  }
0xd: {  	[smem:$0x3FA5] =	sst s5  }
0xe: {  	[smem:$0x3FA6] =	sst s6  }
0xf: {  	[smem:$0x3FA7] =	sst s7  }
0x10: {  	[smem:$0x3FA8] =	sst s8  }
0x11: {  	[smem:$0x3FA9] =	sst s9;
	s0 =	simm.s32 @!p0 $0x0  }
0x12: {  	s1 =	sld [smem:$0x3F8F];
	s0 =	simm.s32 @p0 $0x1  }
0x13: {  	[smem:$0x3FAA] =	sst s0;
	s0 =	simm.s32 @!p1 $0x0  }
0x14: {  	s2 =	sld [smem:$0x3F8E];
	s0 =	simm.s32 @p1 $0x1  }
0x15: {  	[smem:$0x3FAB] =	sst s0;
	s0 =	simm.s32 @!p2 $0x0  }
0x16: {  	s3 =	sld [smem:$0x3FDB];
	s0 =	simm.s32 @p2 $0x1  }
0x17: {  	s4 =	simm.s32 $0x1BF5;
	[smem:$0x3FAD] =	sst s0  }
0x18: {  	s0 =	sld [smem:$0x3F90];
	_ =	swait.ge [sflag:s4], $0x0  }
0x19: {  	s7 =	sld [smem:$0x3F91]  }
0x1a: {  	s8 =	sadd.s32 $0xFFFFE003, lr  }
0x1b: {  	s9 =	sadd.s32 $0xFFFFFEF7, lr;
	s5 =	simm.s32 $0xFFFFFFFF;
	p2 =	slt.u32 s8, $0xFFFFF086  }
0x1c: {  	p1 =	slt.u32 s9, $0xF7A;
	s5 =	simm.s32 @!p2 $0x0  }
0x1d: {  	s5 =	simm.s32 @p1 $0x1;
	p0 =	seq.s32 s7, s2  }
0x1e: {  	s7 =	smul.u32 @!p0 $0xF7A, s2;
	p2 =	seq.s32 @!p0 s5, $0x0  }
0x1f: {  	s9 =	smul.u32 $0xF7A, s1;
	s8 =	simm.s32 @!p0 $0x1BF5;
	p2 =	por !p2, p0  }
0x20: {  	[sflag:s8] =	ssyncset.s32 @!p0 $0xFFFFF086;
	s6 =	sadd.s32 @!p0 s3, s7;
	s7 =	simm.s32 @!p0 $0x108  }
0x21: {  	s3 =	sadd.s32 s3, s9;
	s6 =	sadd.s32 @!p0 $0x88, s6;
	s7 =	simm.s32 @p2 $0x1082  }
0x22: {  	[simem:s7], [sflag:s8] =	dma.local @!p0 [hbm:s6], $0xF7A  }
0x23: {  	s9 =	sor.u32 $0xD0000000, s2;
	s6 =	simm.s32 $0x108;
	_ =	swait.ge @!p0 [sflag:s8], $0x0  }
0x24: {  	s3 =	sadd.s32 $0x88, s3;
	s6 =	simm.s32 @!p1 $0x1082;
	[sflag:s4] =	ssyncset.s32 $0xFFFFF086  }
0x25: {  	[simem:s6], [sflag:s4] =	dma.local [hbm:s3], $0xF7A  }
0x26: {  	[smem:$0x3F91] =	sst s1;
	(tag) =	ssettag s2;
	_ =	strace s9  }
0x27: {  	s1 =	sld [smem:$0x3FA1]  }
0x28: {  	s2 =	sld [smem:$0x3FA2]  }
0x29: {  	s4 =	sld [smem:$0x3FA4]  }
0x2a: {  	p0 =	seq.s32 s5, $0x0;
	s5 =	sld [smem:$0x3FA5]  }
0x2b: {  	s6 =	sld [smem:$0x3FA6]  }
0x2c: {  	s7 =	sld [smem:$0x3FA7]  }
0x2d: {  	s3 =	simm.s32 $0x108;
	s8 =	sld [smem:$0x3FA8]  }
0x2e: {  	s3 =	simm.s32 @!p0 $0x1082;
	s9 =	sld [smem:$0x3FA9]  }
0x2f: {  	lr =	sadd.s32 s0, s3;
	s0 =	sld [smem:$0x3FA0]  }
0x30: {  	s3 =	sld [smem:$0x3FA3]  }
0x31: {  	[smem:$0x3FAC] =	sst s10  }
0x32: {  	s10 =	sld [smem:$0x3FAA];
	_ =	sdelay $0x3  }
0x33: {  	p0 =	seq.s32 s10, $0x1;
	s10 =	sld [smem:$0x3FAC];
	_ =	sdelay $0x3  }
0x34: {  	[smem:$0x3FAC] =	sst s10  }
0x35: {  	s10 =	sld [smem:$0x3FAB];
	_ =	sdelay $0x3  }
0x36: {  	p1 =	seq.s32 s10, $0x1;
	s10 =	sld [smem:$0x3FAC];
	_ =	sdelay $0x3  }
0x37: {  	[smem:$0x3FAC] =	sst s10  }
0x38: {  	s10 =	sld [smem:$0x3FAD]  }
0x39: {  	_ = 	snop;
	(pc) =	sbr.ind lr, $3  }
0x3a: {  	_ = 	snop  }
0x3b: {  	_ = 	snop  }
0x3c: {  	p2 =	seq.s32 s10, $0x1;
	s10 =	sld [smem:$0x3FAC]  }
0x3d: {  	_ =	shalt  }
0x3e: {  	_ =	shalt  }
0x3f: {  	_ =	shalt  }
0x40: {  	_ =	shalt  }
0x41: {  	_ =	shalt  }
0x42: {  	_ =	shalt  }
0x43: {  	_ =	shalt  }
0x44: {  	_ =	shalt  }
0x45: {  	_ =	shalt  }
0x46: {  	_ =	shalt  }
0x47: {  	_ =	shalt  }
0x48: {  	_ =	shalt  }
0x49: {  	_ =	shalt  }
0x4a: {  	_ =	shalt  }
0x4b: {  	_ =	shalt  }
0x4c: {  	_ =	shalt  }
0x4d: {  	_ =	shalt  }
0x4e: {  	_ =	shalt  }
0x4f: {  	_ =	shalt  }
0x50: {  	_ =	shalt  }
0x51: {  	_ =	shalt  }
0x52: {  	_ =	shalt  }
0x53: {  	_ =	shalt  }
0x54: {  	_ =	shalt  }
0x55: {  	_ =	shalt  }
0x56: {  	_ =	shalt  }
0x57: {  	_ =	shalt  }
0x58: {  	_ =	shalt  }
0x59: {  	_ =	shalt  }
0x5a: {  	_ =	shalt  }
0x5b: {  	_ =	shalt  }
0x5c: {  	_ =	shalt  }
0x5d: {  	_ =	shalt  }
0x5e: {  	_ =	shalt  }
0x5f: {  	_ =	shalt  }
0x60: {  	_ =	shalt  }
0x61: {  	_ =	shalt  }
0x62: {  	_ =	shalt  }
0x63: {  	_ =	shalt  }
0x64: {  	_ =	shalt  }
0x65: {  	_ =	shalt  }
0x66: {  	_ =	shalt  }
0x67: {  	_ =	shalt  }
0x68: {  	_ =	shalt  }
0x69: {  	_ =	shalt  }
0x6a: {  	_ =	shalt  }
0x6b: {  	_ =	shalt  }
0x6c: {  	_ =	shalt  }
0x6d: {  	_ =	shalt  }
0x6e: {  	_ =	shalt  }
0x6f: {  	_ =	shalt  }
0x70: {  	_ =	shalt  }
0x71: {  	_ =	shalt  }
0x72: {  	_ =	shalt  }
0x73: {  	_ =	shalt  }
0x74: {  	_ =	shalt  }
0x75: {  	_ =	shalt  }
0x76: {  	_ =	shalt  }
0x77: {  	_ =	shalt  }
0x78: {  	_ =	shalt  }
0x79: {  	_ =	shalt  }
0x7a: {  	_ =	shalt  }
0x7b: {  	_ =	shalt  }
0x7c: {  	_ =	shalt  }
0x7d: {  	_ =	shalt  }
0x7e: {  	_ =	shalt  }
0x7f: {  	_ =	shalt  }
0x80: {  	_ =	shalt  }
0x81: {  	_ =	shalt  }
0x82: {  	_ =	shalt  }
0x83: {  	_ =	shalt  }
0x84: {  	_ =	shalt  }
0x85: {  	_ =	shalt  }
0x86: {  	_ =	shalt  }
0x87: {  	_ =	shalt  }
.Lfunc_end0:
.L_simem_size_0:
called_computation.2_lowered:
.L_overlay_start_0:
0x88: {  	s2 =	sld [smem:$0x3FD9]  }
0x89: {  	s3 =	sld [smem:$0x3FFE];
	_ =	sdelay $0x1  }
0x8a: {  	s1 =	srdreg.scid  }
0x8b: {  	s0 =	sand.u32 $0x1, s1  }
0x8c: {  	s14 =	sshll.u32 s0, $0xA;
	s2 =	sadd.s32 s3, s2  }
0x8d: {  	s2 =	sadd.s32 s2, s14  }
0x8e: {  	[smem:$0x3FB8] =	sst s2  }
0x8f: {  	_ = 	snop  }
0x90: {  	s2 =	sld [smem:$0x3FD0];
	_ =	sdelay $0x2  }
0x91: {  	s15 =	simm.s32 $0xA;
	s4 =	simm.s32 $0x10  }
0x92: {  	[smem:s4], [sflag:s15] =	dma.local [hbm:s2], $0x1  }
0x93: {  	_ =	swait.eq [sflag:s15], $0x1  }
0x94: {  	[sflag:s15] =	ssyncset.done $0x0  }
0x95: {  	s16 =	sld [smem:$0x10];
	[sflag:s15] =	ssyncadd.s32 $0xFFFFFFFF  }
0x96: {  	s17 =	sld [smem:$0x11];
	(tm) =	ssettm $0x1  }
0x97: {  	s18 =	sld [smem:$0x3FFB];
	_ =	sdelay $0x3  }
0x98: {  	_ =	strace s18  }
0x99: {  	s4 =	sld [smem:$0x3FFC];
	_ =	sdelay $0x3  }
0x9a: {  	_ =	strace s4  }
0x9b: {  	s4 =	sld [smem:$0x3FFD];
	_ =	sdelay $0x3  }
0x9c: {  	_ =	strace s4  }
0x9d: {  	_ =	strace $0x8FFFFFFF  }
0x9e: {  	s19 =	sld [smem:$0x3FDB];
	_ =	sdelay $0x1  }
0x9f: {  	s5 =	simm.s32 $_scs_section_size  }
0xa0: {  	s6 =	simm.s32 $_size__tile_overlayer_lowered;
	s7 =	simm.s32 $_tile_overlayer_lowered  }
0xa1: {  	s22 =	simm.s32 $0x1BFF;
	s21 =	sshll.u32 s7, $0x1;
	s4 =	sadd.s32 s5, s19  }
0xa2: {  	s8 =	simm.s32 $0x0;
	s20 =	sshll.u32 s6, $0x1;
	s6 =	sadd.s32 s21, s4  }
0xa3: {  	[timem:s8], [sflag:s22] =	dma.local [hbm:s6], s20  }
0xa4: {  	_ =	swait.ge [sflag:s22], s20  }
0xa5: {  	s5 =	ssub.s32 $0x0, s20;
	[sflag:s22] =	ssyncset.done $0x0  }
0xa6: {  	[sflag:s22] =	ssyncadd.s32 s5;
	_ =	sdelay $0x1  }
0xa7: {  	s23 =	simm.s32 $0x1B8B  }
0xa8: {  	_ =	swait.ge [sflag:s23], $0x1  }
0xa9: {  	[sflag:s23] =	ssyncset.done $0x0  }
0xaa: {  	s25 =	simm.s32 $0x1B8E;
	s24 =	sld [smem:$0x3FFE];
	[sflag:s23] =	ssyncadd.s32 $0xFFFFFFFF  }
0xab: {  	s26 =	simm.s32 $execute0_lowered;
	[smem:$0x3FD2] =	sst s25  }
0xac: {  	s6 =	sshll.u32 s26, $0x1;
	_ =	strace $0x8000004C;
	[dreg:$0x1] =	wrdreg $0xFFFFFFFF  }
0xad: {  	s28 =	simm.s32 $_size_execute0_lowered;
	s4 =	sadd.s32 s4, s6;
	[dreg:$0x0] =	wrdreg $0x0  }
0xae: {  	s6 =	sshll.u32 s28, $0x1;
	[dreg:$0x2] =	wrdreg s4  }
0xaf: {  	[dreg:$0x3] =	wrdreg s6  }
0xb0: {  	[dreg:$0x4] =	wrdreg $0xC0  }
0xb1: {  	_ =	task [dreg:s8], $0x5FFFF  }
0xb2: {  	[dreg:$0x1] =	wrdreg $0xFFFFFFFF  }
0xb3: {  	[dreg:$0x0] =	wrdreg $0x60  }
0xb4: {  	[dreg:$0x2] =	wrdreg s17  }
0xb5: {  	[dreg:$0x3] =	wrdreg s16  }
0xb6: {  	[dreg:$0x4] =	wrdreg s24  }
0xb7: {  	[dreg:$0x5] =	wrdreg $0x91000  }
0xb8: {  	[dreg:$0x6] =	wrdreg $0xB1000  }
0xb9: {  	[dreg:$0x7] =	wrdreg $0x9  }
0xba: {  	_ =	task.clear_ibuf [dreg:s8], $0x8FFFF;
	_ =	strace $0x9000004C  }
0xbb: {  	s29 =	simm.s32 $0x9;
	_ =	strace $0x8000004E  }
0xbc: {  	_ =	swait.ge [sflag:s29], $0x1  }
0xbd: {  	[sflag:s29] =	ssyncadd.s32 $0xFFFFFFFF  }
0xbe: {  	_ =	strace $0x9000004E  }
0xbf: {  	_ =	sfence  }
0xc0: {  	s30 =	sld [smem:$0x0];
	_ =	sdelay $0x2  }
0xc1: {  	s31 =	sshll.u32 s1, $0xD;
	s1 =	sshrl.u32 s1, $0x2  }
0xc2: {  	s3 =	sand.u32 $0x4000, s31;
	s1 =	sadd.s32 s1, s30  }
0xc3: {  	s0 =	sor.u32 s3, s0;
	s1 =	sshll.u32 s1, $0x11  }
0xc4: {  	s0 =	sor.u32 s1, s0  }
0xc5: {  	s0 =	sadd.s32 $0x8F2B, s0  }
0xc6: {  	[sflag:s0] =	ssyncadd.remote.s32 $0x1  }
0xc7: {  	_ =	sfence.sel $0xFFFF  }
0xc8: {  	[dreg:$0x0] =	wrdreg $0xFFFFFFFF;
	(pc) =	sbr.abs _section_cstart, $3  }
0xc9: {  	[dreg:$0x1] =	wrdreg $0xFFFFFFFF  }
0xca: {  	_ =	task.clear_ibuf [dreg:s8], $0x2FFFF;
	_ =	strace $0x9FFFFFFF  }
0xcb: {  	(tm) =	ssettm $0x7FFFFFFF  }
tec
execute0_lowered:
.L_overlay_start_1:
0x0: {  	(tag) =	ssettag $0x1  }
0x1: {  	s1 =	rddreg [dreg:$0x0]  }
0x2: {  	s2 =	rddreg [dreg:$0x1]  }
0x3: {  	s7 =	rddreg [dreg:$0x2]  }
0x4: {  	s3 =	rddreg [dreg:$0x3]  }
0x5: {  	s5 =	rddreg [dreg:$0x4]  }
0x6: {  	s0 =	rddreg [dreg:$0x5];
	s6 =	simm.s32 $0x0  }
0x7: {  	s4 =	stileid.u32;
	s9 =	srdreg.scid;
	s16 =	simm.s32 $0x2  }
0x8: {  	s17 =	simm.s32 $0x8900;
	s18 =	simm.s32 $0x80;
	s19 =	simm.s32 $0x100  }
0x9: {  	s20 =	simm.s32 $0x1;
	s21 =	simm.s32 $0x4100;
	s22 =	simm.s32 $0x0  }
0xa: {  	[smem:$0x7FF] =	sst s6;
	s8 =	sshll.u32 s4, $0x4;
	s28 =	sshll.u32 s4, $0xA  }
0xb: {  	s15 =	sand.u32 $0x1, s9;
	s29 =	sshll.u32 s4, $0x7;
	s31 =	sshll.u32 s4, $0xD  }
0xc: {  	_ =	strace $0x8000004D;
	s14 =	sadd.s32 s8, s7;
	s10 =	sadd.s32 s28, s7  }
.Ltmp0:
0xd: {  	s11 =	ssub.s32 $0x2, s15;
	s12 =	sadd.s32 s29, s7;
	(pc) =	sbr.rel .LBB2_1-.Ltmp0, $4  }
0xe: {  	s7 =	sadd.s32 s31, s3;
	s8 =	sadd.s32 s28, s5;
	p0 =	sne.s32 s15, $0x0  }
0xf: {  	s15 =	simm.s32 $0x4900;
	s30 =	sshrl.u32 s11, $0x1;
	s9 =	sadd.s32 $0x8400, s10  }
0x10: {  	s10 =	sadd.s32 $0x4400, s10;
	s13 =	ssub.s32 s11, s30;
	s11 =	sadd.s32 $0x3C00, s12  }
0x11: {  	v0 =	vimm.f32 $0.0e+00;
	v1 =	vimm.f32 $1.000000000e+00;
	s12 =	smax.u32 s13, $0x1;
	s13 =	sadd.s32 $0x53800, s14;
	s14 =	sadd.s32 $0x53000, s14  }
.LBB2_9:
0x12: {  	s24 =	sadd.s32 s23, s13;
	[sflag:s16] =	ssyncadd.s32 $0xFFFFC000  }
0x13: {  	[tilespmem:s6], [sflag:$0x2] =	stream.linear.gather [hbm4b:s24+s6], $0x80, $0x38;
	[tilespmem:$0xB500] =	vst v63  }
0x14: {  	_ =	swait.ge [sflag:s16], $0x80  }
0x15: {  	[sflag:s16] =	ssyncset.done $0x0  }
0x16: {  	s29 =	sadd.s32 s23, s14;
	[sflag:s16] =	ssyncadd.s32 $0xFFFFFF80  }
0x17: {  	[tilespmem:s18], [sflag:$0x2] =	stream.linear.gather [hbm4b:s29+s6], $0x80, $0x38;
	[tilespmem:$0xB500] =	vst v63  }
0x18: {  	_ =	swait.ge [sflag:s16], $0x80  }
0x19: {  	[sflag:s16] =	ssyncset.done $0x0  }
0x1a: {  	[sflag:s16] =	ssyncadd.s32 $0xFFFFFF80  }
0x1b: {  	[tilespmem:s19], [sflag:$0x1] =	stream.indirect.gather [hbm4b:s2+s18], $0x80, s6, s18, $0xb8;
	[tilespmem:$0xB500] =	vst v63  }
0x1c: {  	_ =	swait.ge [sflag:s20], $0x4000  }
0x1d: {  	[sflag:s20] =	ssyncset.done $0x0  }
0x1e: {  	[sflag:s20] =	ssyncadd.s32 $0xFFFFC000  }
0x1f: {  	[spmem:s3] =	stream.indirect.scatter.add.f32 [tilespmem:s19], [sflag:$0x2], $0x80, s18, s18, $0xb8;
	[tilespmem:$0xB500] =	vst v63  }
0x20: {  	_ =	swait.ge [sflag:s16], $0x4000  }
0x21: {  	[sflag:s16] =	ssyncset.done $0x0  }
0x22: {  	s30 =	sshll.u32 s4, $0x6;
	[sflag:s16] =	ssyncadd.s32 $0xFFFFC000  }
0x23: {  	s31 =	sshrl.u32 s7, $0x3;
	s23 =	sor.u32 $0x1C02, s30;
	[bflag:$0x0] =	sbarrier.arrive $0xFFFF  }
0x24: {  	[hbm:s9], [sflag:s23] =	dma.local [spmem:s31], $0x400  }
0x25: {  	_ =	swait.ge [sflag:s16], $0x400  }
0x26: {  	[sflag:s16] =	ssyncset.done $0x0  }
0x27: {  	[sflag:s16] =	ssyncadd.s32 $0xFFFFFC00  }
.LBB2_10:
0x28: {  	s22 =	sadd.s32 $0x1, s22  }
0x29: {  	p1 =	sne.s32 s22, s12  }
.Ltmp1:
0x2a: {  	_ = 	snop;
	(pc) =	sbr.rel @!p1 .LBB2_11-.Ltmp1, $1  }
0x2b: {  	_ =	sdelay $0x3  }
.LBB2_1:
0x2c: {  	s23 =	simm.s32 $0x4940  }
0x2d: {  	[tilespmem:s23+$0x20] =	vst v0  }
0x2e: {  	[tilespmem:s23+$0x10] =	vst v0  }
0x2f: {  	[tilespmem:s23+$0x0] =	vst v0  }
0x30: {  	[tilespmem:s23+$0xFFFFFFF0] =	vst v0  }
0x31: {  	[tilespmem:s23+$0xFFFFFFE0] =	vst v0  }
0x32: {  	[tilespmem:s23+$0xFFFFFFD0] =	vst v0  }
0x33: {  	[tilespmem:s23+$0xFFFFFFC0] =	vst v0  }
0x34: {  	s25 =	simm.s32 $0x0;
	s24 =	simm.s32 $0x40;
	[tilespmem:s23+$0x30] =	vst v0  }
.LBB2_2:
0x35: {  	p1 =	sne.s32 s24, $0x1FC0;
	[tilespmem:s25+$0x4100] =	vst v1  }
0x36: {  	s23 =	sadd.s32 $0x80, s23;
	[tilespmem:s25+$0x8900] =	vst v0  }
0x37: {  	[tilespmem:s23+$0x20] =	vst v0  }
0x38: {  	[tilespmem:s23+$0x10] =	vst v0  }
0x39: {  	[tilespmem:s23+$0x0] =	vst v0  }
.Ltmp2:
0x3a: {  	[tilespmem:s23+$0xFFFFFFF0] =	vst v0;
	(pc) =	sbr.rel @p1 .LBB2_2-.Ltmp2, $4  }
0x3b: {  	[tilespmem:s23+$0xFFFFFFE0] =	vst v0  }
0x3c: {  	[tilespmem:s23+$0xFFFFFFD0] =	vst v0  }
0x3d: {  	[tilespmem:s23+$0xFFFFFFC0] =	vst v0  }
0x3e: {  	s25 =	sshra.s32 s24, $0x2;
	s24 =	sadd.s32 $0x40, s24;
	[tilespmem:s23+$0x30] =	vst v0  }
0x3f: {  	[tilespmem:s25+$0x4100] =	vst v1  }
.Ltmp3:
0x40: {  	[tilespmem:s25+$0x8900] =	vst v0;
	(pc) =	sbr.rel @p0 .LBB2_7-.Ltmp3, $4  }
0x41: {  	[spmem:s7] =	stream.linear.scatter [tilespmem:s15], [sflag:$0x2], $0x2000, $0x38;
	[tilespmem:$0xB500] =	vst v63  }
0x42: {  	_ =	swait.ge [sflag:s16], $0x2000  }
0x43: {  	[sflag:s16] =	ssyncset.done $0x0  }
0x44: {  	[sflag:s16] =	ssyncadd.s32 $0xFFFFE000  }
0x45: {  	[spmem:s8] =	stream.linear.scatter [tilespmem:s17], [sflag:$0x2], $0x400, $0x38;
	[tilespmem:$0xB500] =	vst v63  }
0x46: {  	_ =	swait.ge [sflag:s16], $0x400  }
0x47: {  	[sflag:s16] =	ssyncset.done $0x0  }
0x48: {  	[sflag:s16] =	ssyncadd.s32 $0xFFFFFC00  }
0x49: {  	s23 =	sadd.s32 $0x0, s13;
	[bflag:$0x0] =	sbarrier.arrive $0xFFFF  }
0x4a: {  	[tilespmem:s6], [sflag:$0x2] =	stream.linear.gather [hbm4b:s23+s6], $0x80, $0x38;
	[tilespmem:$0xB500] =	vst v63  }
0x4b: {  	_ =	swait.ge [sflag:s16], $0x80  }
0x4c: {  	[sflag:s16] =	ssyncset.done $0x0  }
0x4d: {  	s31 =	sadd.s32 $0x0, s14;
	[sflag:s16] =	ssyncadd.s32 $0xFFFFFF80  }
0x4e: {  	[tilespmem:s18], [sflag:$0x2] =	stream.linear.gather [hbm4b:s31+s6], $0x80, $0x38;
	[tilespmem:$0xB500] =	vst v63  }
0x4f: {  	_ =	swait.ge [sflag:s16], $0x80  }
0x50: {  	[sflag:s16] =	ssyncset.done $0x0  }
0x51: {  	[sflag:s16] =	ssyncadd.s32 $0xFFFFFF80  }
0x52: {  	[tilespmem:s19], [sflag:$0x1] =	stream.indirect.gather [hbm4b:s1+s18], $0x80, s6, s18, $0xb8;
	[tilespmem:$0xB500] =	vst v63  }
0x53: {  	_ =	swait.ge [sflag:s20], $0x4000  }
0x54: {  	[sflag:s20] =	ssyncset.done $0x0  }
0x55: {  	[sflag:s20] =	ssyncadd.s32 $0xFFFFC000  }
0x56: {  	[spmem:s3] =	stream.indirect.scatter.add.f32 [tilespmem:s19], [sflag:$0x2], $0x80, s18, s18, $0xb8;
	[tilespmem:$0xB500] =	vst v63  }
0x57: {  	_ =	swait.ge [sflag:s16], $0x4000  }
0x58: {  	[sflag:s16] =	ssyncset.done $0x0  }
0x59: {  	[sflag:s16] =	ssyncadd.s32 $0xFFFFC000  }
0x5a: {  	[spmem:s5] =	stream.indirect.scatter.add.f32 [tilespmem:s21], [sflag:$0x2], $0x10, s18, s18, $0xb8;
	[tilespmem:$0xB500] =	vst v63  }
0x5b: {  	_ =	swait.ge [sflag:s16], $0x800  }
0x5c: {  	s24 =	simm.s32 $0x200;
	s23 =	simm.s32 $0x100;
	[sflag:s16] =	ssyncset.done $0x0  }
.LBB2_5:
0x5d: {  	s25 =	sadd.s32 s23, s13  }
0x5e: {  	[sflag:s16] =	ssyncadd.s32 $0xFFFFF800;
	s26 =	smov.u32 s24;
	s28 =	sadd.s32 $0x100, s24  }
0x5f: {  	[tilespmem:s6], [sflag:$0x2] =	stream.linear.gather [hbm4b:s25+s6], $0x80, $0x38;
	[tilespmem:$0xB500] =	vst v63  }
0x60: {  	p1 =	seq.s32 s24, $0x700;
	_ =	swait.ge [sflag:s16], $0x80  }
0x61: {  	[sflag:s16] =	ssyncset.done $0x0  }
0x62: {  	s24 =	sadd.s32 s23, s14;
	s23 =	smov.u32 s26;
	[sflag:s16] =	ssyncadd.s32 $0xFFFFFF80  }
0x63: {  	[tilespmem:s18], [sflag:$0x2] =	stream.linear.gather [hbm4b:s24+s6], $0x80, $0x38;
	[tilespmem:$0xB500] =	vst v63  }
0x64: {  	_ =	swait.ge [sflag:s16], $0x80  }
0x65: {  	[sflag:s16] =	ssyncset.done $0x0  }
0x66: {  	[sflag:s16] =	ssyncadd.s32 $0xFFFFFF80  }
0x67: {  	[tilespmem:s19], [sflag:$0x1] =	stream.indirect.gather [hbm4b:s1+s18], $0x80, s6, s18, $0xb8;
	[tilespmem:$0xB500] =	vst v63  }
0x68: {  	_ =	swait.ge [sflag:s20], $0x4000  }
0x69: {  	[sflag:s20] =	ssyncset.done $0x0  }
0x6a: {  	[sflag:s20] =	ssyncadd.s32 $0xFFFFC000  }
0x6b: {  	[spmem:s3] =	stream.indirect.scatter.add.f32 [tilespmem:s19], [sflag:$0x2], $0x80, s18, s18, $0xb8;
	[tilespmem:$0xB500] =	vst v63  }
0x6c: {  	_ =	swait.ge [sflag:s16], $0x4000  }
.Ltmp4:
0x6d: {  	[sflag:s16] =	ssyncset.done $0x0;
	(pc) =	sbr.rel @!p1 .LBB2_5-.Ltmp4, $4  }
0x6e: {  	[sflag:s16] =	ssyncadd.s32 $0xFFFFC000  }
0x6f: {  	[spmem:s5] =	stream.indirect.scatter.add.f32 [tilespmem:s21], [sflag:$0x2], $0x10, s18, s18, $0xb8;
	[tilespmem:$0xB500] =	vst v63  }
0x70: {  	_ =	swait.ge [sflag:s16], $0x800  }
0x71: {  	s24 =	smov.u32 s28;
	[sflag:s16] =	ssyncset.done $0x0  }
0x72: {  	s24 =	sadd.s32 s23, s13;
	[sflag:s16] =	ssyncadd.s32 $0xFFFFF800  }
0x73: {  	[tilespmem:s6], [sflag:$0x2] =	stream.linear.gather [hbm4b:s24+s6], $0x80, $0x38;
	[tilespmem:$0xB500] =	vst v63  }
0x74: {  	_ =	swait.ge [sflag:s16], $0x80  }
0x75: {  	[sflag:s16] =	ssyncset.done $0x0  }
0x76: {  	s28 =	sadd.s32 s23, s14;
	[sflag:s16] =	ssyncadd.s32 $0xFFFFFF80  }
0x77: {  	[tilespmem:s18], [sflag:$0x2] =	stream.linear.gather [hbm4b:s28+s6], $0x80, $0x38;
	[tilespmem:$0xB500] =	vst v63  }
0x78: {  	_ =	swait.ge [sflag:s16], $0x80  }
0x79: {  	[sflag:s16] =	ssyncset.done $0x0  }
0x7a: {  	[sflag:s16] =	ssyncadd.s32 $0xFFFFFF80  }
0x7b: {  	[tilespmem:s19], [sflag:$0x1] =	stream.indirect.gather [hbm4b:s1+s18], $0x80, s6, s18, $0xb8;
	[tilespmem:$0xB500] =	vst v63  }
0x7c: {  	_ =	swait.ge [sflag:s20], $0x4000  }
0x7d: {  	[sflag:s20] =	ssyncset.done $0x0  }
0x7e: {  	[sflag:s20] =	ssyncadd.s32 $0xFFFFC000  }
0x7f: {  	[spmem:s3] =	stream.indirect.scatter.add.f32 [tilespmem:s19], [sflag:$0x2], $0x80, s18, s18, $0xb8;
	[tilespmem:$0xB500] =	vst v63  }
0x80: {  	_ =	swait.ge [sflag:s16], $0x4000  }
0x81: {  	[sflag:s16] =	ssyncset.done $0x0  }
0x82: {  	[sflag:s16] =	ssyncadd.s32 $0xFFFFC000  }
0x83: {  	[spmem:s5] =	stream.indirect.scatter.add.f32 [tilespmem:s21], [sflag:$0x2], $0x10, s18, s18, $0xb8;
	[tilespmem:$0xB500] =	vst v63  }
0x84: {  	_ =	swait.ge [sflag:s16], $0x800  }
0x85: {  	[sflag:s16] =	ssyncset.done $0x0  }
0x86: {  	s29 =	sshll.u32 s4, $0x6;
	[sflag:s16] =	ssyncadd.s32 $0xFFFFF800  }
0x87: {  	s30 =	sshrl.u32 s7, $0x3;
	s23 =	sor.u32 $0x1C02, s29;
	[bflag:$0x0] =	sbarrier.arrive $0xFFFF  }
0x88: {  	[hbm:s10], [sflag:s23] =	dma.local [spmem:s30], $0x400  }
0x89: {  	_ =	swait.ge [sflag:s16], $0x400  }
0x8a: {  	[sflag:s16] =	ssyncset.done $0x0  }
.Ltmp5:
0x8b: {  	s31 =	sshrl.u32 s8, $0x3;
	[sflag:s16] =	ssyncadd.s32 $0xFFFFFC00;
	(pc) =	sbr.rel .LBB2_10-.Ltmp5, $4  }
0x8c: {  	[hbm:s11], [sflag:s23] =	dma.local [spmem:s31], $0x80  }
0x8d: {  	_ =	swait.ge [sflag:s16], $0x80  }
0x8e: {  	[sflag:s16] =	ssyncset.done $0x0  }
0x8f: {  	[sflag:s16] =	ssyncadd.s32 $0xFFFFFF80  }
.LBB2_7:
0x90: {  	[bflag:$0x0] =	sbarrier.arrive $0xFFFF;
	s23 =	sadd.s32 $0x0, s13  }
0x91: {  	[tilespmem:s6], [sflag:$0x2] =	stream.linear.gather [hbm4b:s23+s6], $0x80, $0x38;
	[tilespmem:$0xB500] =	vst v63  }
0x92: {  	_ =	swait.ge [sflag:s16], $0x80  }
0x93: {  	[sflag:s16] =	ssyncset.done $0x0  }
0x94: {  	s31 =	sadd.s32 $0x0, s14;
	[sflag:s16] =	ssyncadd.s32 $0xFFFFFF80  }
0x95: {  	[tilespmem:s18], [sflag:$0x2] =	stream.linear.gather [hbm4b:s31+s6], $0x80, $0x38;
	[tilespmem:$0xB500] =	vst v63  }
0x96: {  	_ =	swait.ge [sflag:s16], $0x80  }
0x97: {  	[sflag:s16] =	ssyncset.done $0x0  }
0x98: {  	[sflag:s16] =	ssyncadd.s32 $0xFFFFFF80  }
0x99: {  	[tilespmem:s19], [sflag:$0x1] =	stream.indirect.gather [hbm4b:s2+s18], $0x80, s6, s18, $0xb8;
	[tilespmem:$0xB500] =	vst v63  }
0x9a: {  	_ =	swait.ge [sflag:s20], $0x4000  }
0x9b: {  	[sflag:s20] =	ssyncset.done $0x0  }
0x9c: {  	[sflag:s20] =	ssyncadd.s32 $0xFFFFC000  }
0x9d: {  	[spmem:s3] =	stream.indirect.scatter.add.f32 [tilespmem:s19], [sflag:$0x2], $0x80, s18, s18, $0xb8;
	[tilespmem:$0xB500] =	vst v63  }
0x9e: {  	_ =	swait.ge [sflag:s16], $0x4000  }
0x9f: {  	s24 =	simm.s32 $0x200;
	s23 =	simm.s32 $0x100;
	[sflag:s16] =	ssyncset.done $0x0  }
.LBB2_8:
0xa0: {  	s25 =	sadd.s32 s23, s13  }
0xa1: {  	[sflag:s16] =	ssyncadd.s32 $0xFFFFC000;
	s26 =	smov.u32 s24;
	s28 =	sadd.s32 $0x100, s24  }
0xa2: {  	[tilespmem:s6], [sflag:$0x2] =	stream.linear.gather [hbm4b:s25+s6], $0x80, $0x38;
	[tilespmem:$0xB500] =	vst v63  }
0xa3: {  	p1 =	sne.s32 s24, $0x700;
	_ =	swait.ge [sflag:s16], $0x80  }
0xa4: {  	[sflag:s16] =	ssyncset.done $0x0  }
0xa5: {  	s24 =	sadd.s32 s23, s14;
	s23 =	smov.u32 s26;
	[sflag:s16] =	ssyncadd.s32 $0xFFFFFF80  }
0xa6: {  	[tilespmem:s18], [sflag:$0x2] =	stream.linear.gather [hbm4b:s24+s6], $0x80, $0x38;
	[tilespmem:$0xB500] =	vst v63  }
0xa7: {  	_ =	swait.ge [sflag:s16], $0x80  }
0xa8: {  	[sflag:s16] =	ssyncset.done $0x0  }
0xa9: {  	[sflag:s16] =	ssyncadd.s32 $0xFFFFFF80  }
0xaa: {  	[tilespmem:s19], [sflag:$0x1] =	stream.indirect.gather [hbm4b:s2+s18], $0x80, s6, s18, $0xb8;
	[tilespmem:$0xB500] =	vst v63  }
0xab: {  	_ =	swait.ge [sflag:s20], $0x4000  }
.Ltmp6:
0xac: {  	[sflag:s20] =	ssyncset.done $0x0;
	(pc) =	sbr.rel @p1 .LBB2_8-.Ltmp6, $4  }
0xad: {  	[sflag:s20] =	ssyncadd.s32 $0xFFFFC000  }
0xae: {  	[spmem:s3] =	stream.indirect.scatter.add.f32 [tilespmem:s19], [sflag:$0x2], $0x80, s18, s18, $0xb8;
	[tilespmem:$0xB500] =	vst v63  }
0xaf: {  	_ =	swait.ge [sflag:s16], $0x4000  }
0xb0: {  	s24 =	smov.u32 s28;
	[sflag:s16] =	ssyncset.done $0x0  }
.Ltmp7:
0xb1: {  	_ = 	snop;
	(pc) =	sbr.rel .LBB2_9-.Ltmp7, $1  }
0xb2: {  	_ =	sdelay $0x3  }
.LBB2_11:
0xb3: {  	_ =	sfence.sel $0x180000  }
0xb4: {  	[bflag:$0x0] =	sbarrier.arrive $0xFFFF  }
0xb5: {  	p0 =	sne.s32 s4, $0x0;
	_ =	strace $0x9000004D  }
0xb6: {  	s0 =	sadd.s32 @!p0 $0x100000, s0;
	[bflag:$0x2] =	sbarrier.arrive $0xFFFF  }
0xb7: {  	[sflag:s0] =	ssyncadd.tile.s32 @!p0 $0x1;
	_ =	shalt  }
.Lfunc_end2:
_tile_overlayer_lowered:
.L_overlay_start_2:
0xb8: {  	(tag) =	ssettag $0x2  }
0xb9: {  	s0 =	rddreg [dreg:$0x0];
	s2 =	stileid.u32  }
0xba: {  	s1 =	rddreg [dreg:$0x1];
	p0 =	sne.s32 s2, $0x0  }
0xbb: {  	s3 =	rddreg [dreg:$0x2];
	[bflag:$0x3] =	sbarrier.arrive $0xFFFF;
	s2 =	simm.s32 @!p0 $0x1C02  }
0xbc: {  	[timem:s3], [sflag:s2] =	dma.local @!p0 [hbm:s0], s1  }
0xbd: {  	s0 =	simm.s32 @!p0 $0x2  }
0xbe: {  	_ =	swait.ge @!p0 [sflag:s0], s1  }
0xbf: {  	s1 =	ssub.s32 @!p0 $0x0, s1;
	[sflag:s0] =	ssyncset.done @!p0 $0x0  }
0xc0: {  	[sflag:s0] =	ssyncadd.s32 @!p0 s1  }
0xc1: {  	[bflag:$0x3] =	sbarrier.arrive $0xFFFF  }
0xc2: {  	_ =	shalt  }

// kernel: kernel.8.cloned.1.call-start
scs
__scs_entry_jumppad:
0x0: {  	(pc) =	sbr.rel $0x88, $3  }
0x1: {  	(tag) =	ssettag $0x0;
	lr =	simm.s32 $0x1  }
0x2: {  	[smem:$0x3F91] =	sst lr;
	_ =	strace $0xD0000000  }
0x3: {  	_ = 	snop  }
0x4: {  	_ = 	snop  }
0x5: {  	_ = 	snop  }
0x6: {  	_ = 	snop  }
0x7: {  	_ = 	snop  }
__scs_overlays_trampoline_lowered:
0x8: {  	[smem:$0x3FA0] =	sst s0  }
0x9: {  	[smem:$0x3FA1] =	sst s1  }
0xa: {  	[smem:$0x3FA2] =	sst s2  }
0xb: {  	[smem:$0x3FA3] =	sst s3  }
0xc: {  	[smem:$0x3FA4] =	sst s4  }
0xd: {  	[smem:$0x3FA5] =	sst s5  }
0xe: {  	[smem:$0x3FA6] =	sst s6  }
0xf: {  	[smem:$0x3FA7] =	sst s7  }
0x10: {  	[smem:$0x3FA8] =	sst s8  }
0x11: {  	[smem:$0x3FA9] =	sst s9;
	s0 =	simm.s32 @!p0 $0x0  }
0x12: {  	s1 =	sld [smem:$0x3F8F];
	s0 =	simm.s32 @p0 $0x1  }
0x13: {  	[smem:$0x3FAA] =	sst s0;
	s0 =	simm.s32 @!p1 $0x0  }
0x14: {  	s2 =	sld [smem:$0x3F8E];
	s0 =	simm.s32 @p1 $0x1  }
0x15: {  	[smem:$0x3FAB] =	sst s0;
	s0 =	simm.s32 @!p2 $0x0  }
0x16: {  	s3 =	sld [smem:$0x3FDB];
	s0 =	simm.s32 @p2 $0x1  }
0x17: {  	s4 =	simm.s32 $0x1BF5;
	[smem:$0x3FAD] =	sst s0  }
0x18: {  	s0 =	sld [smem:$0x3F90];
	_ =	swait.ge [sflag:s4], $0x0  }
0x19: {  	s7 =	sld [smem:$0x3F91]  }
0x1a: {  	s8 =	sadd.s32 $0xFFFFE003, lr  }
0x1b: {  	s9 =	sadd.s32 $0xFFFFFEF7, lr;
	s5 =	simm.s32 $0xFFFFFFFF;
	p2 =	slt.u32 s8, $0xFFFFF086  }
0x1c: {  	p1 =	slt.u32 s9, $0xF7A;
	s5 =	simm.s32 @!p2 $0x0  }
0x1d: {  	s5 =	simm.s32 @p1 $0x1;
	p0 =	seq.s32 s7, s2  }
0x1e: {  	s7 =	smul.u32 @!p0 $0xF7A, s2;
	p2 =	seq.s32 @!p0 s5, $0x0  }
0x1f: {  	s9 =	smul.u32 $0xF7A, s1;
	s8 =	simm.s32 @!p0 $0x1BF5;
	p2 =	por !p2, p0  }
0x20: {  	[sflag:s8] =	ssyncset.s32 @!p0 $0xFFFFF086;
	s6 =	sadd.s32 @!p0 s3, s7;
	s7 =	simm.s32 @!p0 $0x108  }
0x21: {  	s3 =	sadd.s32 s3, s9;
	s6 =	sadd.s32 @!p0 $0x88, s6;
	s7 =	simm.s32 @p2 $0x1082  }
0x22: {  	[simem:s7], [sflag:s8] =	dma.local @!p0 [hbm:s6], $0xF7A  }
0x23: {  	s9 =	sor.u32 $0xD0000000, s2;
	s6 =	simm.s32 $0x108;
	_ =	swait.ge @!p0 [sflag:s8], $0x0  }
0x24: {  	s3 =	sadd.s32 $0x88, s3;
	s6 =	simm.s32 @!p1 $0x1082;
	[sflag:s4] =	ssyncset.s32 $0xFFFFF086  }
0x25: {  	[simem:s6], [sflag:s4] =	dma.local [hbm:s3], $0xF7A  }
0x26: {  	[smem:$0x3F91] =	sst s1;
	(tag) =	ssettag s2;
	_ =	strace s9  }
0x27: {  	s1 =	sld [smem:$0x3FA1]  }
0x28: {  	s2 =	sld [smem:$0x3FA2]  }
0x29: {  	s4 =	sld [smem:$0x3FA4]  }
0x2a: {  	p0 =	seq.s32 s5, $0x0;
	s5 =	sld [smem:$0x3FA5]  }
0x2b: {  	s6 =	sld [smem:$0x3FA6]  }
0x2c: {  	s7 =	sld [smem:$0x3FA7]  }
0x2d: {  	s3 =	simm.s32 $0x108;
	s8 =	sld [smem:$0x3FA8]  }
0x2e: {  	s3 =	simm.s32 @!p0 $0x1082;
	s9 =	sld [smem:$0x3FA9]  }
0x2f: {  	lr =	sadd.s32 s0, s3;
	s0 =	sld [smem:$0x3FA0]  }
0x30: {  	s3 =	sld [smem:$0x3FA3]  }
0x31: {  	[smem:$0x3FAC] =	sst s10  }
0x32: {  	s10 =	sld [smem:$0x3FAA];
	_ =	sdelay $0x3  }
0x33: {  	p0 =	seq.s32 s10, $0x1;
	s10 =	sld [smem:$0x3FAC];
	_ =	sdelay $0x3  }
0x34: {  	[smem:$0x3FAC] =	sst s10  }
0x35: {  	s10 =	sld [smem:$0x3FAB];
	_ =	sdelay $0x3  }
0x36: {  	p1 =	seq.s32 s10, $0x1;
	s10 =	sld [smem:$0x3FAC];
	_ =	sdelay $0x3  }
0x37: {  	[smem:$0x3FAC] =	sst s10  }
0x38: {  	s10 =	sld [smem:$0x3FAD]  }
0x39: {  	_ = 	snop;
	(pc) =	sbr.ind lr, $3  }
0x3a: {  	_ = 	snop  }
0x3b: {  	_ = 	snop  }
0x3c: {  	p2 =	seq.s32 s10, $0x1;
	s10 =	sld [smem:$0x3FAC]  }
0x3d: {  	_ =	shalt  }
0x3e: {  	_ =	shalt  }
0x3f: {  	_ =	shalt  }
0x40: {  	_ =	shalt  }
0x41: {  	_ =	shalt  }
0x42: {  	_ =	shalt  }
0x43: {  	_ =	shalt  }
0x44: {  	_ =	shalt  }
0x45: {  	_ =	shalt  }
0x46: {  	_ =	shalt  }
0x47: {  	_ =	shalt  }
0x48: {  	_ =	shalt  }
0x49: {  	_ =	shalt  }
0x4a: {  	_ =	shalt  }
0x4b: {  	_ =	shalt  }
0x4c: {  	_ =	shalt  }
0x4d: {  	_ =	shalt  }
0x4e: {  	_ =	shalt  }
0x4f: {  	_ =	shalt  }
0x50: {  	_ =	shalt  }
0x51: {  	_ =	shalt  }
0x52: {  	_ =	shalt  }
0x53: {  	_ =	shalt  }
0x54: {  	_ =	shalt  }
0x55: {  	_ =	shalt  }
0x56: {  	_ =	shalt  }
0x57: {  	_ =	shalt  }
0x58: {  	_ =	shalt  }
0x59: {  	_ =	shalt  }
0x5a: {  	_ =	shalt  }
0x5b: {  	_ =	shalt  }
0x5c: {  	_ =	shalt  }
0x5d: {  	_ =	shalt  }
0x5e: {  	_ =	shalt  }
0x5f: {  	_ =	shalt  }
0x60: {  	_ =	shalt  }
0x61: {  	_ =	shalt  }
0x62: {  	_ =	shalt  }
0x63: {  	_ =	shalt  }
0x64: {  	_ =	shalt  }
0x65: {  	_ =	shalt  }
0x66: {  	_ =	shalt  }
0x67: {  	_ =	shalt  }
0x68: {  	_ =	shalt  }
0x69: {  	_ =	shalt  }
0x6a: {  	_ =	shalt  }
0x6b: {  	_ =	shalt  }
0x6c: {  	_ =	shalt  }
0x6d: {  	_ =	shalt  }
0x6e: {  	_ =	shalt  }
0x6f: {  	_ =	shalt  }
0x70: {  	_ =	shalt  }
0x71: {  	_ =	shalt  }
0x72: {  	_ =	shalt  }
0x73: {  	_ =	shalt  }
0x74: {  	_ =	shalt  }
0x75: {  	_ =	shalt  }
0x76: {  	_ =	shalt  }
0x77: {  	_ =	shalt  }
0x78: {  	_ =	shalt  }
0x79: {  	_ =	shalt  }
0x7a: {  	_ =	shalt  }
0x7b: {  	_ =	shalt  }
0x7c: {  	_ =	shalt  }
0x7d: {  	_ =	shalt  }
0x7e: {  	_ =	shalt  }
0x7f: {  	_ =	shalt  }
0x80: {  	_ =	shalt  }
0x81: {  	_ =	shalt  }
0x82: {  	_ =	shalt  }
0x83: {  	_ =	shalt  }
0x84: {  	_ =	shalt  }
0x85: {  	_ =	shalt  }
0x86: {  	_ =	shalt  }
0x87: {  	_ =	shalt  }
.Lfunc_end0:
.L_simem_size_0:
called_computation_lowered:
.L_overlay_start_0:
0x88: {  	s2 =	sld [smem:$0x3FD9]  }
0x89: {  	s3 =	sld [smem:$0x3FFE];
	_ =	sdelay $0x1  }
0x8a: {  	s1 =	srdreg.scid  }
0x8b: {  	s0 =	sand.u32 $0x1, s1  }
0x8c: {  	s16 =	sshll.u32 s0, $0xA;
	s2 =	sadd.s32 s3, s2  }
0x8d: {  	s2 =	sadd.s32 s2, s16  }
0x8e: {  	[smem:$0x3FB8] =	sst s2  }
0x8f: {  	_ = 	snop  }
0x90: {  	(tm) =	ssettm $0x1  }
0x91: {  	s17 =	sld [smem:$0x3FFB];
	_ =	sdelay $0x3  }
0x92: {  	_ =	strace s17  }
0x93: {  	s2 =	sld [smem:$0x3FFC];
	_ =	sdelay $0x3  }
0x94: {  	_ =	strace s2  }
0x95: {  	s2 =	sld [smem:$0x3FFD];
	_ =	sdelay $0x3  }
0x96: {  	_ =	strace s2  }
0x97: {  	_ =	strace $0x8FFFFFFF  }
0x98: {  	s18 =	sld [smem:$0x3FDB];
	_ =	sdelay $0x1  }
0x99: {  	s19 =	simm.s32 $_scs_section_size  }
0x9a: {  	s4 =	simm.s32 $_size__tile_overlayer_lowered;
	s5 =	simm.s32 $_tile_overlayer_lowered  }
0x9b: {  	s22 =	simm.s32 $0x1BFF;
	s21 =	sshll.u32 s5, $0x1;
	s2 =	sadd.s32 s19, s18  }
0x9c: {  	s6 =	simm.s32 $0x0;
	s20 =	sshll.u32 s4, $0x1;
	s4 =	sadd.s32 s21, s2  }
0x9d: {  	[timem:s6], [sflag:s22] =	dma.local [hbm:s4], s20  }
0x9e: {  	_ =	swait.ge [sflag:s22], s20  }
0x9f: {  	s3 =	ssub.s32 $0x0, s20;
	[sflag:s22] =	ssyncset.done $0x0  }
0xa0: {  	[sflag:s22] =	ssyncadd.s32 s3;
	_ =	sdelay $0x1  }
0xa1: {  	s23 =	simm.s32 $0x1B8B  }
0xa2: {  	_ =	swait.ge [sflag:s23], $0x1  }
0xa3: {  	[sflag:s23] =	ssyncset.done $0x0  }
0xa4: {  	s25 =	simm.s32 $0x1B8E;
	s24 =	sld [smem:$0x3FFE];
	[sflag:s23] =	ssyncadd.s32 $0xFFFFFFFF  }
0xa5: {  	s26 =	simm.s32 $execute0_lowered;
	[smem:$0x3FD2] =	sst s25  }
0xa6: {  	s4 =	sshll.u32 s26, $0x1;
	_ =	strace $0x80000046;
	[dreg:$0x1] =	wrdreg $0xFFFFFFFF  }
0xa7: {  	s28 =	simm.s32 $_size_execute0_lowered;
	s2 =	sadd.s32 s2, s4;
	[dreg:$0x0] =	wrdreg $0x0  }
0xa8: {  	s4 =	sshll.u32 s28, $0x1;
	[dreg:$0x2] =	wrdreg s2  }
0xa9: {  	[dreg:$0x3] =	wrdreg s4  }
0xaa: {  	[dreg:$0x4] =	wrdreg $0xC0  }
0xab: {  	_ =	task [dreg:s6], $0x5FFFF  }
0xac: {  	[dreg:$0x1] =	wrdreg $0xFFFFFFFF  }
0xad: {  	[dreg:$0x0] =	wrdreg $0x60  }
0xae: {  	[dreg:$0x2] =	wrdreg s24  }
0xaf: {  	[dreg:$0x3] =	wrdreg $0x51000  }
0xb0: {  	[dreg:$0x4] =	wrdreg $0x18B000  }
0xb1: {  	[dreg:$0x5] =	wrdreg $0x9  }
0xb2: {  	_ =	task.clear_ibuf [dreg:s6], $0x6FFFF;
	_ =	strace $0x90000046  }
0xb3: {  	s29 =	simm.s32 $0x9;
	_ =	strace $0x80000048  }
0xb4: {  	_ =	swait.ge [sflag:s29], $0x1  }
0xb5: {  	[sflag:s29] =	ssyncadd.s32 $0xFFFFFFFF  }
0xb6: {  	_ =	strace $0x90000048  }
0xb7: {  	_ =	sfence  }
0xb8: {  	s30 =	sld [smem:$0x0];
	_ =	sdelay $0x2  }
0xb9: {  	s31 =	sshll.u32 s1, $0xD;
	s1 =	sshrl.u32 s1, $0x2  }
0xba: {  	s3 =	sand.u32 $0x4000, s31;
	s1 =	sadd.s32 s1, s30  }
0xbb: {  	s0 =	sor.u32 s3, s0;
	s1 =	sshll.u32 s1, $0x11  }
0xbc: {  	s0 =	sor.u32 s1, s0  }
0xbd: {  	s0 =	sadd.s32 $0x8F2B, s0  }
0xbe: {  	[sflag:s0] =	ssyncadd.remote.s32 $0x1  }
0xbf: {  	_ =	sfence.sel $0xFFFF  }
0xc0: {  	[dreg:$0x0] =	wrdreg $0xFFFFFFFF;
	(pc) =	sbr.abs _section_cstart, $3  }
0xc1: {  	[dreg:$0x1] =	wrdreg $0xFFFFFFFF  }
0xc2: {  	_ =	task.clear_ibuf [dreg:s6], $0x2FFFF;
	_ =	strace $0x9FFFFFFF  }
0xc3: {  	(tm) =	ssettm $0x7FFFFFFF  }
tec
execute0_lowered:
.L_overlay_start_1:
0x0: {  	(tag) =	ssettag $0x1  }
0x1: {  	s4 =	rddreg [dreg:$0x0]  }
0x2: {  	s1 =	rddreg [dreg:$0x1]  }
0x3: {  	s2 =	rddreg [dreg:$0x2];
	s3 =	simm.s32 $0x0;
	s18 =	stileid.u32  }
0x4: {  	s7 =	srdreg.scid;
	[smem:$0x7FF] =	sst s3;
	s5 =	sadd.s32 $0x2AE00, s4  }
0x5: {  	s6 =	sadd.s32 $0x3C00, s4;
	s0 =	sshll.u32 s18, $0x4;
	s17 =	smul.u32 $0x13A00, s18  }
0x6: {  	s10 =	sand.u32 $0x1, s7;
	s13 =	smul.u32 $0x4E8, s18;
	_ =	strace $0x80000047  }
0x7: {  	s20 =	sadd.s32 s0, s4;
	s0 =	smul.u32 $0x4E80, s18;
	s8 =	ssub.s32 $0x2, s10  }
0x8: {  	p0 =	sne.s32 s10, $0x0;
	s18 =	ssub.s32 $0x9D3, s18;
	s26 =	sshrl.u32 s17, $0x3  }
0x9: {  	s9 =	sshrl.u32 s8, $0x1;
	s21 =	sadd.s32 $0x80, s13;
	s22 =	sadd.s32 $0x100, s13  }
0xa: {  	s23 =	sadd.s32 $0x180, s13;
	s24 =	sadd.s32 $0x200, s13;
	s25 =	sadd.s32 $0x280, s13  }
0xb: {  	s28 =	sadd.s32 $0x380, s13;
	s30 =	sadd.s32 $0x480, s13;
	s31 =	sshrl.u32 s17, $0x2  }
0xc: {  	s19 =	sadd.s32 s26, s4;
	s29 =	sshrl.u32 s0, $0x3;
	s8 =	ssub.s32 s8, s9  }
0xd: {  	s9 =	sshll.u32 s21, $0x6;
	s11 =	sshll.u32 s22, $0x6;
	s12 =	sshll.u32 s23, $0x6  }
0xe: {  	s26 =	sadd.s32 $0x300, s13;
	s15 =	sshll.u32 s30, $0x6;
	s21 =	sshll.u32 s21, $0x4  }
0xf: {  	s22 =	sshll.u32 s22, $0x4;
	s23 =	sshll.u32 s23, $0x4;
	s4 =	sadd.s32 s29, s4  }
0x10: {  	[dreg:$0x12] =	wrdreg s8;
	s7 =	sadd.s32 s9, s1;
	s8 =	sadd.s32 s11, s1  }
0x11: {  	s9 =	sadd.s32 s12, s1;
	s11 =	sshll.u32 s24, $0x6;
	s12 =	sshll.u32 s25, $0x6  }
0x12: {  	s14 =	sshll.u32 s26, $0x6;
	s29 =	sadd.s32 $0x400, s13;
	s15 =	sadd.s32 s15, s1  }
0x13: {  	s21 =	sadd.s32 s21, s2;
	s25 =	sshll.u32 s25, $0x4;
	s26 =	sshll.u32 s26, $0x4  }
0x14: {  	s10 =	sadd.s32 s11, s1;
	s11 =	sadd.s32 s12, s1;
	s12 =	sadd.s32 s14, s1  }
0x15: {  	s14 =	sshll.u32 s28, $0x6;
	s16 =	sshll.u32 s29, $0x6;
	[dreg:$0x5] =	wrdreg s21  }
0x16: {  	s21 =	sadd.s32 s22, s2;
	s22 =	sadd.s32 s23, s2;
	s23 =	sshll.u32 s24, $0x4  }
0x17: {  	s4 =	sadd.s32 $0x65C00, s4;
	s13 =	sadd.s32 s14, s1;
	s14 =	sadd.s32 s16, s1  }
0x18: {  	s16 =	sadd.s32 s17, s1;
	s17 =	sshrl.u32 s18, $0x4;
	[dreg:$0x6] =	wrdreg s21  }
0x19: {  	s18 =	sadd.s32 s31, s2;
	[dreg:$0x7] =	wrdreg s22;
	s24 =	sadd.s32 s23, s2  }
0x1a: {  	s21 =	sadd.s32 s25, s2;
	s23 =	sadd.s32 s26, s2;
	[dreg:$0x10] =	wrdreg s4  }
0x1b: {  	s26 =	sshll.u32 s29, $0x4;
	s29 =	sshll.u32 s30, $0x4;
	[dreg:$0x4] =	wrdreg s18  }
0x1c: {  	s30 =	sadd.s32 $0x52000, s20;
	s31 =	sadd.s32 $0x5BE00, s20;
	[dreg:$0x8] =	wrdreg s24  }
0x1d: {  	s20 =	simm.s32 $0x2900;
	s22 =	simm.s32 $0x4900;
	[dreg:$0x9] =	wrdreg s21  }
0x1e: {  	[dreg:$0xa] =	wrdreg s23;
	s24 =	sshll.u32 s28, $0x4;
	s21 =	sadd.s32 s26, s2  }
0x1f: {  	s23 =	sadd.s32 s29, s2;
	s26 =	sadd.s32 s0, s2;
	s29 =	rddreg [dreg:$0x12]  }
0x20: {  	s28 =	simm.s32 $0x0;
	s25 =	sadd.s32 s24, s2;
	[dreg:$0xc] =	wrdreg s21  }
.Ltmp0:
0x21: {  	[dreg:$0xd] =	wrdreg s23;
	s24 =	sadd.s32 $0x6FA00, s19;
	(pc) =	sbr.rel .LBB2_1-.Ltmp0, $4  }
0x22: {  	s0 =	smax.u32 s29, $0x1;
	s4 =	sshrl.u32 s26, $0x3;
	[dreg:$0xb] =	wrdreg s25  }
0x23: {  	s21 =	simm.s32 $0x2;
	s23 =	simm.s32 $0x80;
	[dreg:$0xe] =	wrdreg s24  }
0x24: {  	s26 =	simm.s32 $0x2100;
	s25 =	sadd.s32 $0x96E00, s19;
	[dreg:$0x11] =	wrdreg s4  }
0x25: {  	v0 =	vimm.f32 $0.0e+00;
	v1 =	vimm.f32 $1.000000000e+00;
	s24 =	simm.s32 $0x100;
	[dreg:$0xf] =	wrdreg s25;
	s25 =	simm.s32 $0x1  }
.LBB2_9:
0x26: {  	[sflag:s21] =	ssyncadd.s32 $0xFFFFE000;
	s4 =	stileid.u32  }
0x27: {  	s4 =	sshll.u32 s4, $0x6;
	[bflag:$0x0] =	sbarrier.arrive $0xFFFF  }
0x28: {  	s18 =	sshrl.u32 s16, $0x3;
	s4 =	sor.u32 $0x1C02, s4;
	s19 =	rddreg [dreg:$0xe]  }
0x29: {  	[hbm:s19], [sflag:s4] =	dma.local [spmem:s18], $0x2740  }
0x2a: {  	_ =	swait.ge [sflag:s21], $0x2740  }
0x2b: {  	[sflag:s21] =	ssyncset.done $0x0  }
0x2c: {  	[sflag:s21] =	ssyncadd.s32 $0xFFFFD8C0  }
.LBB2_10:
0x2d: {  	s28 =	sadd.s32 $0x1, s28  }
0x2e: {  	p1 =	sne.s32 s28, s0  }
.Ltmp1:
0x2f: {  	_ = 	snop;
	(pc) =	sbr.rel @!p1 .LBB2_11-.Ltmp1, $1  }
0x30: {  	_ =	sdelay $0x3  }
.LBB2_1:
0x31: {  	s4 =	simm.s32 $0x2920  }
0x32: {  	[tilespmem:s4+$0xFFFFFFE0] =	vst v0  }
0x33: {  	[tilespmem:s4+$0x10] =	vst v0  }
0x34: {  	[tilespmem:s4+$0x0] =	vst v0  }
0x35: {  	s18 =	simm.s32 $0x40;
	s29 =	simm.s32 $0x0;
	[tilespmem:s4+$0xFFFFFFF0] =	vst v0  }
.LBB2_2:
0x36: {  	p1 =	sne.s32 s18, $0x1FC0  }
0x37: {  	[tilespmem:s29+$0x4900] =	vst v0;
	s4 =	sadd.s32 $0x40, s4;
	s19 =	smov.u32 s18;
	s18 =	sadd.s32 $0x40, s18  }
.Ltmp2:
0x38: {  	[tilespmem:s29+$0x2100] =	vst v1;
	(pc) =	sbr.rel @p1 .LBB2_2-.Ltmp2, $4  }
0x39: {  	[tilespmem:s4+$0xFFFFFFE0] =	vst v0  }
0x3a: {  	[tilespmem:s4+$0x10] =	vst v0  }
0x3b: {  	[tilespmem:s4+$0x0] =	vst v0  }
0x3c: {  	s29 =	sshra.s32 s19, $0x2;
	[tilespmem:s4+$0xFFFFFFF0] =	vst v0  }
0x3d: {  	[tilespmem:s29+$0x4900] =	vst v0  }
0x3e: {  	[tilespmem:s29+$0x2100] =	vst v1  }
0x3f: {  	[spmem:s16] =	stream.linear.scatter [tilespmem:s20], [sflag:$0x2], $0x2000, $0x38;
	[tilespmem:$0x1D980] =	vst v63  }
0x40: {  	_ =	swait.ge [sflag:s21], $0x2000  }
0x41: {  	[sflag:s21] =	ssyncset.done $0x0  }
0x42: {  	[sflag:s21] =	ssyncadd.s32 $0xFFFFE000  }
0x43: {  	[spmem:s7] =	stream.linear.scatter [tilespmem:s20], [sflag:$0x2], $0x2000, $0x38;
	[tilespmem:$0x1D980] =	vst v63  }
0x44: {  	_ =	swait.ge [sflag:s21], $0x2000  }
0x45: {  	[sflag:s21] =	ssyncset.done $0x0  }
0x46: {  	[sflag:s21] =	ssyncadd.s32 $0xFFFFE000  }
0x47: {  	[spmem:s8] =	stream.linear.scatter [tilespmem:s20], [sflag:$0x2], $0x2000, $0x38;
	[tilespmem:$0x1D980] =	vst v63  }
0x48: {  	_ =	swait.ge [sflag:s21], $0x2000  }
0x49: {  	[sflag:s21] =	ssyncset.done $0x0  }
0x4a: {  	[sflag:s21] =	ssyncadd.s32 $0xFFFFE000  }
0x4b: {  	[spmem:s9] =	stream.linear.scatter [tilespmem:s20], [sflag:$0x2], $0x2000, $0x38;
	[tilespmem:$0x1D980] =	vst v63  }
0x4c: {  	_ =	swait.ge [sflag:s21], $0x2000  }
0x4d: {  	[sflag:s21] =	ssyncset.done $0x0  }
0x4e: {  	[sflag:s21] =	ssyncadd.s32 $0xFFFFE000  }
0x4f: {  	[spmem:s10] =	stream.linear.scatter [tilespmem:s20], [sflag:$0x2], $0x2000, $0x38;
	[tilespmem:$0x1D980] =	vst v63  }
0x50: {  	_ =	swait.ge [sflag:s21], $0x2000  }
0x51: {  	[sflag:s21] =	ssyncset.done $0x0  }
0x52: {  	[sflag:s21] =	ssyncadd.s32 $0xFFFFE000  }
0x53: {  	[spmem:s11] =	stream.linear.scatter [tilespmem:s20], [sflag:$0x2], $0x2000, $0x38;
	[tilespmem:$0x1D980] =	vst v63  }
0x54: {  	_ =	swait.ge [sflag:s21], $0x2000  }
0x55: {  	[sflag:s21] =	ssyncset.done $0x0  }
0x56: {  	[sflag:s21] =	ssyncadd.s32 $0xFFFFE000  }
0x57: {  	[spmem:s12] =	stream.linear.scatter [tilespmem:s20], [sflag:$0x2], $0x2000, $0x38;
	[tilespmem:$0x1D980] =	vst v63  }
0x58: {  	_ =	swait.ge [sflag:s21], $0x2000  }
0x59: {  	[sflag:s21] =	ssyncset.done $0x0  }
0x5a: {  	[sflag:s21] =	ssyncadd.s32 $0xFFFFE000  }
0x5b: {  	[spmem:s13] =	stream.linear.scatter [tilespmem:s20], [sflag:$0x2], $0x2000, $0x38;
	[tilespmem:$0x1D980] =	vst v63  }
0x5c: {  	_ =	swait.ge [sflag:s21], $0x2000  }
0x5d: {  	[sflag:s21] =	ssyncset.done $0x0  }
0x5e: {  	[sflag:s21] =	ssyncadd.s32 $0xFFFFE000  }
0x5f: {  	[spmem:s14] =	stream.linear.scatter [tilespmem:s20], [sflag:$0x2], $0x2000, $0x38;
	[tilespmem:$0x1D980] =	vst v63  }
0x60: {  	_ =	swait.ge [sflag:s21], $0x2000  }
0x61: {  	[sflag:s21] =	ssyncset.done $0x0  }
.Ltmp3:
0x62: {  	[sflag:s21] =	ssyncadd.s32 $0xFFFFE000;
	(pc) =	sbr.rel @p0 .LBB2_7-.Ltmp3, $4  }
0x63: {  	[spmem:s15] =	stream.linear.scatter [tilespmem:s20], [sflag:$0x2], $0x1A00, $0x38;
	[tilespmem:$0x1D980] =	vst v63  }
0x64: {  	_ =	swait.ge [sflag:s21], $0x1A00  }
0x65: {  	[sflag:s21] =	ssyncset.done $0x0  }
0x66: {  	[sflag:s21] =	ssyncadd.s32 $0xFFFFE600  }
0x67: {  	s4 =	rddreg [dreg:$0x4]  }
0x68: {  	[spmem:s4] =	stream.linear.scatter [tilespmem:s22], [sflag:$0x2], $0x800, $0x38;
	[tilespmem:$0x1D980] =	vst v63  }
0x69: {  	_ =	swait.ge [sflag:s21], $0x800  }
0x6a: {  	[sflag:s21] =	ssyncset.done $0x0  }
0x6b: {  	s19 =	rddreg [dreg:$0x5];
	[sflag:s21] =	ssyncadd.s32 $0xFFFFF800  }
0x6c: {  	[spmem:s19] =	stream.linear.scatter [tilespmem:s22], [sflag:$0x2], $0x800, $0x38;
	[tilespmem:$0x1D980] =	vst v63  }
0x6d: {  	_ =	swait.ge [sflag:s21], $0x800  }
0x6e: {  	[sflag:s21] =	ssyncset.done $0x0  }
0x6f: {  	s18 =	rddreg [dreg:$0x6];
	[sflag:s21] =	ssyncadd.s32 $0xFFFFF800  }
0x70: {  	[spmem:s18] =	stream.linear.scatter [tilespmem:s22], [sflag:$0x2], $0x800, $0x38;
	[tilespmem:$0x1D980] =	vst v63  }
0x71: {  	_ =	swait.ge [sflag:s21], $0x800  }
0x72: {  	[sflag:s21] =	ssyncset.done $0x0  }
0x73: {  	s19 =	rddreg [dreg:$0x7];
	[sflag:s21] =	ssyncadd.s32 $0xFFFFF800  }
0x74: {  	[spmem:s19] =	stream.linear.scatter [tilespmem:s22], [sflag:$0x2], $0x800, $0x38;
	[tilespmem:$0x1D980] =	vst v63  }
0x75: {  	_ =	swait.ge [sflag:s21], $0x800  }
0x76: {  	[sflag:s21] =	ssyncset.done $0x0  }
0x77: {  	s18 =	rddreg [dreg:$0x8];
	[sflag:s21] =	ssyncadd.s32 $0xFFFFF800  }
0x78: {  	[spmem:s18] =	stream.linear.scatter [tilespmem:s22], [sflag:$0x2], $0x800, $0x38;
	[tilespmem:$0x1D980] =	vst v63  }
0x79: {  	_ =	swait.ge [sflag:s21], $0x800  }
0x7a: {  	[sflag:s21] =	ssyncset.done $0x0  }
0x7b: {  	s19 =	rddreg [dreg:$0x9];
	[sflag:s21] =	ssyncadd.s32 $0xFFFFF800  }
0x7c: {  	[spmem:s19] =	stream.linear.scatter [tilespmem:s22], [sflag:$0x2], $0x800, $0x38;
	[tilespmem:$0x1D980] =	vst v63  }
0x7d: {  	_ =	swait.ge [sflag:s21], $0x800  }
0x7e: {  	[sflag:s21] =	ssyncset.done $0x0  }
0x7f: {  	s18 =	rddreg [dreg:$0xa];
	[sflag:s21] =	ssyncadd.s32 $0xFFFFF800  }
0x80: {  	[spmem:s18] =	stream.linear.scatter [tilespmem:s22], [sflag:$0x2], $0x800, $0x38;
	[tilespmem:$0x1D980] =	vst v63  }
0x81: {  	_ =	swait.ge [sflag:s21], $0x800  }
0x82: {  	[sflag:s21] =	ssyncset.done $0x0  }
0x83: {  	s19 =	rddreg [dreg:$0xb];
	[sflag:s21] =	ssyncadd.s32 $0xFFFFF800  }
0x84: {  	[spmem:s19] =	stream.linear.scatter [tilespmem:s22], [sflag:$0x2], $0x800, $0x38;
	[tilespmem:$0x1D980] =	vst v63  }
0x85: {  	_ =	swait.ge [sflag:s21], $0x800  }
0x86: {  	[sflag:s21] =	ssyncset.done $0x0  }
0x87: {  	s18 =	rddreg [dreg:$0xc];
	[sflag:s21] =	ssyncadd.s32 $0xFFFFF800  }
0x88: {  	[spmem:s18] =	stream.linear.scatter [tilespmem:s22], [sflag:$0x2], $0x800, $0x38;
	[tilespmem:$0x1D980] =	vst v63  }
0x89: {  	_ =	swait.ge [sflag:s21], $0x800  }
0x8a: {  	[sflag:s21] =	ssyncset.done $0x0  }
0x8b: {  	s19 =	rddreg [dreg:$0xd];
	[sflag:s21] =	ssyncadd.s32 $0xFFFFF800  }
0x8c: {  	[spmem:s19] =	stream.linear.scatter [tilespmem:s22], [sflag:$0x2], $0x680, $0x38;
	[tilespmem:$0x1D980] =	vst v63  }
0x8d: {  	_ =	swait.ge [sflag:s21], $0x680  }
0x8e: {  	[sflag:s21] =	ssyncset.done $0x0  }
0x8f: {  	[sflag:s21] =	ssyncadd.s32 $0xFFFFF980  }
0x90: {  	[bflag:$0x0] =	sbarrier.arrive $0xFFFF  }
0x91: {  	[tilespmem:s3], [sflag:$0x2] =	stream.linear.gather [hbm4b:s31+s3], $0x80, $0x38;
	[tilespmem:$0x1D980] =	vst v63  }
0x92: {  	_ =	swait.ge [sflag:s21], $0x80  }
0x93: {  	[sflag:s21] =	ssyncset.done $0x0  }
0x94: {  	[sflag:s21] =	ssyncadd.s32 $0xFFFFFF80  }
0x95: {  	[tilespmem:s23], [sflag:$0x2] =	stream.linear.gather [hbm4b:s30+s3], $0x80, $0x38;
	[tilespmem:$0x1D980] =	vst v63  }
0x96: {  	_ =	swait.ge [sflag:s21], $0x80  }
0x97: {  	[sflag:s21] =	ssyncset.done $0x0  }
0x98: {  	[sflag:s21] =	ssyncadd.s32 $0xFFFFFF80  }
0x99: {  	[tilespmem:s24], [sflag:$0x1] =	stream.indirect.gather [hbm4b:s5+s23], $0x40, s3, s23, $0xb8;
	[tilespmem:$0x1D980] =	vst v63  }
0x9a: {  	_ =	swait.ge [sflag:s25], $0x2000  }
0x9b: {  	[sflag:s25] =	ssyncset.done $0x0  }
0x9c: {  	[sflag:s25] =	ssyncadd.s32 $0xFFFFE000  }
0x9d: {  	[spmem:s1] =	stream.indirect.scatter.add.f32 [tilespmem:s24], [sflag:$0x2], $0x40, s23, s23, $0xb8;
	[tilespmem:$0x1D980] =	vst v63  }
0x9e: {  	p1 =	seq.s32 s17, $0x1;
	_ =	swait.ge [sflag:s21], $0x2000  }
.Ltmp4:
0x9f: {  	[sflag:s21] =	ssyncset.done $0x0;
	(pc) =	sbr.rel @p1 .LBB2_6-.Ltmp4, $4  }
0xa0: {  	[sflag:s21] =	ssyncadd.s32 $0xFFFFE000  }
0xa1: {  	[spmem:s2] =	stream.indirect.scatter.add.f32 [tilespmem:s26], [sflag:$0x2], $0x10, s23, s23, $0xb8;
	[tilespmem:$0x1D980] =	vst v63  }
0xa2: {  	s29 =	sadd.s32 $0xFFFFFFFF, s17;
	_ =	swait.ge [sflag:s21], $0x800  }
0xa3: {  	s4 =	smov.u32 s30;
	s18 =	smov.u32 s31;
	[sflag:s21] =	ssyncset.done $0x0  }
.LBB2_5:
0xa4: {  	[sflag:s21] =	ssyncadd.s32 $0xFFFFF800;
	s4 =	sadd.s32 $0x100, s4;
	s18 =	sadd.s32 $0x100, s18  }
0xa5: {  	[tilespmem:s3], [sflag:$0x2] =	stream.linear.gather [hbm4b:s18+s3], $0x80, $0x38;
	[tilespmem:$0x1D980] =	vst v63  }
0xa6: {  	p1 =	seq.s32 s29, $0x1;
	s29 =	sadd.s32 $0xFFFFFFFF, s29;
	_ =	swait.ge [sflag:s21], $0x80  }
0xa7: {  	[sflag:s21] =	ssyncset.done $0x0  }
0xa8: {  	[sflag:s21] =	ssyncadd.s32 $0xFFFFFF80  }
0xa9: {  	[tilespmem:s23], [sflag:$0x2] =	stream.linear.gather [hbm4b:s4+s3], $0x80, $0x38;
	[tilespmem:$0x1D980] =	vst v63  }
0xaa: {  	_ =	swait.ge [sflag:s21], $0x80  }
0xab: {  	[sflag:s21] =	ssyncset.done $0x0  }
0xac: {  	[sflag:s21] =	ssyncadd.s32 $0xFFFFFF80  }
0xad: {  	[tilespmem:s24], [sflag:$0x1] =	stream.indirect.gather [hbm4b:s5+s23], $0x40, s3, s23, $0xb8;
	[tilespmem:$0x1D980] =	vst v63  }
0xae: {  	_ =	swait.ge [sflag:s25], $0x2000  }
0xaf: {  	[sflag:s25] =	ssyncset.done $0x0  }
0xb0: {  	[sflag:s25] =	ssyncadd.s32 $0xFFFFE000  }
0xb1: {  	[spmem:s1] =	stream.indirect.scatter.add.f32 [tilespmem:s24], [sflag:$0x2], $0x40, s23, s23, $0xb8;
	[tilespmem:$0x1D980] =	vst v63  }
0xb2: {  	_ =	swait.ge [sflag:s21], $0x2000  }
.Ltmp5:
0xb3: {  	[sflag:s21] =	ssyncset.done $0x0;
	(pc) =	sbr.rel @!p1 .LBB2_5-.Ltmp5, $4  }
0xb4: {  	[sflag:s21] =	ssyncadd.s32 $0xFFFFE000  }
0xb5: {  	[spmem:s2] =	stream.indirect.scatter.add.f32 [tilespmem:s26], [sflag:$0x2], $0x10, s23, s23, $0xb8;
	[tilespmem:$0x1D980] =	vst v63  }
0xb6: {  	_ =	swait.ge [sflag:s21], $0x800  }
0xb7: {  	[sflag:s21] =	ssyncset.done $0x0  }
.LBB2_6:
0xb8: {  	[sflag:s21] =	ssyncadd.s32 $0xFFFFF800;
	s4 =	stileid.u32  }
0xb9: {  	s4 =	sshll.u32 s4, $0x6;
	[bflag:$0x0] =	sbarrier.arrive $0xFFFF  }
0xba: {  	s18 =	sshrl.u32 s16, $0x3;
	s4 =	sor.u32 $0x1C02, s4;
	s19 =	rddreg [dreg:$0xf]  }
0xbb: {  	[hbm:s19], [sflag:s4] =	dma.local [spmem:s18], $0x2740  }
0xbc: {  	_ =	swait.ge [sflag:s21], $0x2740  }
0xbd: {  	[sflag:s21] =	ssyncset.done $0x0;
	s19 =	rddreg [dreg:$0x10]  }
.Ltmp6:
0xbe: {  	s29 =	rddreg [dreg:$0x11];
	[sflag:s21] =	ssyncadd.s32 $0xFFFFD8C0;
	(pc) =	sbr.rel .LBB2_10-.Ltmp6, $4  }
0xbf: {  	[hbm:s19], [sflag:s4] =	dma.local [spmem:s29], $0x9D0  }
0xc0: {  	_ =	swait.ge [sflag:s21], $0x9D0  }
0xc1: {  	[sflag:s21] =	ssyncset.done $0x0  }
0xc2: {  	[sflag:s21] =	ssyncadd.s32 $0xFFFFF630  }
.LBB2_7:
0xc3: {  	[bflag:$0x0] =	sbarrier.arrive $0xFFFF  }
0xc4: {  	[tilespmem:s3], [sflag:$0x2] =	stream.linear.gather [hbm4b:s31+s3], $0x80, $0x38;
	[tilespmem:$0x1D980] =	vst v63  }
0xc5: {  	_ =	swait.ge [sflag:s21], $0x80  }
0xc6: {  	[sflag:s21] =	ssyncset.done $0x0  }
0xc7: {  	[sflag:s21] =	ssyncadd.s32 $0xFFFFFF80  }
0xc8: {  	[tilespmem:s23], [sflag:$0x2] =	stream.linear.gather [hbm4b:s30+s3], $0x80, $0x38;
	[tilespmem:$0x1D980] =	vst v63  }
0xc9: {  	_ =	swait.ge [sflag:s21], $0x80  }
0xca: {  	[sflag:s21] =	ssyncset.done $0x0  }
0xcb: {  	[sflag:s21] =	ssyncadd.s32 $0xFFFFFF80  }
0xcc: {  	[tilespmem:s24], [sflag:$0x1] =	stream.indirect.gather [hbm4b:s6+s23], $0x40, s3, s23, $0xb8;
	[tilespmem:$0x1D980] =	vst v63  }
0xcd: {  	p1 =	sne.s32 s17, $0x1;
	_ =	swait.ge [sflag:s25], $0x2000  }
.Ltmp7:
0xce: {  	[sflag:s25] =	ssyncset.done $0x0;
	(pc) =	sbr.rel @!p1 .LBB2_9-.Ltmp7, $4  }
0xcf: {  	[sflag:s25] =	ssyncadd.s32 $0xFFFFE000  }
0xd0: {  	[spmem:s1] =	stream.indirect.scatter.add.f32 [tilespmem:s24], [sflag:$0x2], $0x40, s23, s23, $0xb8;
	[tilespmem:$0x1D980] =	vst v63  }
0xd1: {  	s4 =	sadd.s32 $0xFFFFFFFF, s17;
	_ =	swait.ge [sflag:s21], $0x2000  }
0xd2: {  	s18 =	smov.u32 s30;
	s29 =	smov.u32 s31;
	[sflag:s21] =	ssyncset.done $0x0  }
.LBB2_8:
0xd3: {  	[sflag:s21] =	ssyncadd.s32 $0xFFFFE000;
	s18 =	sadd.s32 $0x100, s18;
	s29 =	sadd.s32 $0x100, s29  }
0xd4: {  	[tilespmem:s3], [sflag:$0x2] =	stream.linear.gather [hbm4b:s29+s3], $0x80, $0x38;
	[tilespmem:$0x1D980] =	vst v63  }
0xd5: {  	p1 =	sne.s32 s4, $0x1;
	s4 =	sadd.s32 $0xFFFFFFFF, s4;
	_ =	swait.ge [sflag:s21], $0x80  }
0xd6: {  	[sflag:s21] =	ssyncset.done $0x0  }
0xd7: {  	[sflag:s21] =	ssyncadd.s32 $0xFFFFFF80  }
0xd8: {  	[tilespmem:s23], [sflag:$0x2] =	stream.linear.gather [hbm4b:s18+s3], $0x80, $0x38;
	[tilespmem:$0x1D980] =	vst v63  }
0xd9: {  	_ =	swait.ge [sflag:s21], $0x80  }
0xda: {  	[sflag:s21] =	ssyncset.done $0x0  }
0xdb: {  	[sflag:s21] =	ssyncadd.s32 $0xFFFFFF80  }
0xdc: {  	[tilespmem:s24], [sflag:$0x1] =	stream.indirect.gather [hbm4b:s6+s23], $0x40, s3, s23, $0xb8;
	[tilespmem:$0x1D980] =	vst v63  }
0xdd: {  	_ =	swait.ge [sflag:s25], $0x2000  }
.Ltmp8:
0xde: {  	[sflag:s25] =	ssyncset.done $0x0;
	(pc) =	sbr.rel @p1 .LBB2_8-.Ltmp8, $4  }
0xdf: {  	[sflag:s25] =	ssyncadd.s32 $0xFFFFE000  }
0xe0: {  	[spmem:s1] =	stream.indirect.scatter.add.f32 [tilespmem:s24], [sflag:$0x2], $0x40, s23, s23, $0xb8;
	[tilespmem:$0x1D980] =	vst v63  }
0xe1: {  	_ =	swait.ge [sflag:s21], $0x2000  }
0xe2: {  	[sflag:s21] =	ssyncset.done $0x0  }
.Ltmp9:
0xe3: {  	_ = 	snop;
	(pc) =	sbr.rel .LBB2_9-.Ltmp9, $1  }
0xe4: {  	_ =	sdelay $0x3  }
.LBB2_11:
0xe5: {  	_ =	sfence.sel $0x180000  }
0xe6: {  	[bflag:$0x0] =	sbarrier.arrive $0xFFFF  }
0xe7: {  	_ =	strace $0x90000047  }
0xe8: {  	s0 =	stileid.u32;
	[bflag:$0x2] =	sbarrier.arrive $0xFFFF  }
0xe9: {  	p0 =	sne.s32 s0, $0x0;
	s0 =	rddreg [dreg:$0x3]  }
0xea: {  	s0 =	sadd.s32 @!p0 $0x100000, s0  }
0xeb: {  	[sflag:s0] =	ssyncadd.tile.s32 @!p0 $0x1;
	_ =	shalt  }
.Lfunc_end2:
_tile_overlayer_lowered:
.L_overlay_start_2:
0xec: {  	(tag) =	ssettag $0x2  }
0xed: {  	s0 =	rddreg [dreg:$0x0];
	s2 =	stileid.u32  }
0xee: {  	s1 =	rddreg [dreg:$0x1];
	p0 =	sne.s32 s2, $0x0  }
0xef: {  	s3 =	rddreg [dreg:$0x2];
	[bflag:$0x3] =	sbarrier.arrive $0xFFFF;
	s2 =	simm.s32 @!p0 $0x1C02  }
0xf0: {  	[timem:s3], [sflag:s2] =	dma.local @!p0 [hbm:s0], s1  }
0xf1: {  	s0 =	simm.s32 @!p0 $0x2  }
0xf2: {  	_ =	swait.ge @!p0 [sflag:s0], s1  }
0xf3: {  	s1 =	ssub.s32 @!p0 $0x0, s1;
	[sflag:s0] =	ssyncset.done @!p0 $0x0  }
0xf4: {  	[sflag:s0] =	ssyncadd.s32 @!p0 s1  }
0xf5: {  	[bflag:$0x3] =	sbarrier.arrive $0xFFFF  }
0xf6: {  	_ =	shalt  }

</sc_bundles>
